<compile_context>
chip_gen: v7x
topology: tpu7x:2x2x1
jax: 0.10.2.dev20260603
libtpu: 0.0.44.dev20260713+nightly
codegen_flags: <defaults>
</compile_context>

<pallas_src>
import functools

import jax
import jax.numpy as jnp
from jax import lax
from jax.experimental import pallas as pl
from jax.experimental.pallas import tpu as pltpu
from jax.experimental.pallas import tpu_sc as plsc

N = 320000
D = 128
S = 10000
NW = 32
SPW = 313
SPW_LAST = S - (NW - 1) * SPW
C = 256
G = 16
DV = D // 16
BOFF = 8
NINF = float("-inf")


def _sc_segmax(xf, batch, starts):
  mesh = plsc.VectorSubcoreMesh(core_axis_name="c", subcore_axis_name="s")

  @functools.partial(
      pl.kernel,
      mesh=mesh,
      out_type=jax.ShapeDtypeStruct((S * D,), jnp.float32),
      compiler_params=pltpu.CompilerParams(needs_layout_passes=False),
      scratch_types=[
          pltpu.VMEM((64,), jnp.int32),
          pltpu.VMEM((C * D,), jnp.float32),
          pltpu.VMEM((C * D,), jnp.float32),
          pltpu.VMEM((BOFF + C + G,), jnp.int32),
          pltpu.VMEM((BOFF + C + G,), jnp.int32),
          pltpu.VMEM((C + G,), jnp.int32),
          pltpu.VMEM(((SPW + 1) * D,), jnp.float32),
          pltpu.SemaphoreType.DMA,
          pltpu.SemaphoreType.DMA,
          pltpu.SemaphoreType.DMA,
          pltpu.SemaphoreType.DMA,
      ],
  )
  def k(x_hbm, b_hbm, st_hbm, out_hbm,
        st_v, xb0, xb1, bb0, bb1, posb, ol, xs0, xs1, bs0, bs1):
    wid = lax.axis_index("c") * 16 + lax.axis_index("s")
    pltpu.sync_copy(st_hbm, st_v)
    s_lo = wid * SPW

    ninf = jnp.full((16,), NINF, jnp.float32)
    iota = jnp.arange(16, dtype=jnp.int32)

    def initb(j, carry):
      ol[pl.ds(j * 16, 16)] = ninf
      return carry

    lax.fori_loop(0, (SPW + 1) * D // 16, initb, 0)

    sv = st_v[pl.ds(wid, 16)]
    r_lo = sv[0]
    r_hi = sv[1]
    r0 = lax.bitwise_and(r_lo, jnp.int32(-8))
    nch = (r_hi - r0 + (C - 1)) // C
    npair = (nch + 1) // 2

    xbufs = (xb0, xb1)
    bbufs = (bb0, bb1)
    xsems = (xs0, xs1)
    bsems = (bs0, bs1)

    def chunk_slices(kk, s):
      st = pl.multiple_of(jnp.minimum(r0 + kk * C, N - C), 8)
      return ((x_hbm.at[pl.ds(pl.multiple_of(st * D, 8), C * D)],
               xbufs[s]),
              (b_hbm.at[pl.ds(st, C)],
               bbufs[s].at[pl.ds(BOFF, C)]))

    def cstart(kk, s):
      (xs_src, xs_dst), (bs_src, bs_dst) = chunk_slices(kk, s)
      pltpu.async_copy(xs_src, xs_dst, xsems[s])
      pltpu.async_copy(bs_src, bs_dst, bsems[s])

    def cwait(kk, s):
      (xs_src, xs_dst), (bs_src, bs_dst) = chunk_slices(kk, s)
      pltpu.make_async_copy(xs_src, xs_dst, xsems[s]).wait()
      pltpu.make_async_copy(bs_src, bs_dst, bsems[s]).wait()

    cstart(0, 0)
    cstart(1, 1)

    def flush(cur, runs):
      row = jnp.minimum((cur - s_lo).astype(jnp.uint32),
                        jnp.uint32(SPW)).astype(jnp.int32)
      off = row * D
      for j in range(DV):
        ol[pl.ds(off + j * 16, 16)] = jnp.maximum(
            ol[pl.ds(off + j * 16, 16)], runs[j])

    def process(s, carry):
      xb = xbufs[s]
      bb = bbufs[s]

      def p1(g, off):
        bvec = bb[pl.ds(BOFF + g * G, G)]
        bprev = bb[pl.ds(BOFF - 1 + g * G, G)]
        neq = bvec != bprev
        idxv = iota + g * G
        plsc.store_compressed(posb.at[pl.ds(off, G)], idxv, mask=neq)
        return off + plsc.all_reduce_population_count(neq)[0]

      nb = lax.fori_loop(0, C // G, p1, jnp.int32(0))

      def interval(t, c3):
        a, cur, runs = c3
        flush(cur, runs)
        curn = bb[pl.ds(BOFF + a, G)][0]
        end = jnp.where(t < nb, posb[pl.ds(t, G)][0], jnp.int32(C))

        def rowb(i, r4):
          return tuple(
              jnp.maximum(r4[j], xb[pl.ds(i * D + j * 16, 16)])
              for j in range(DV))

        runsn = lax.fori_loop(a, end, rowb, tuple(ninf for _ in range(DV)))
        return (end, curn, runsn)

      cur, runs = carry
      _, curn, runsn = lax.fori_loop(
          0, nb + 1, interval, (jnp.int32(0), cur, runs))
      return (curn, runsn)

    def pair(p, carry):
      for s in (0, 1):
        kk = 2 * p + s
        cwait(kk, s)
        carry = process(s, carry)
        cstart(kk + 2, s)
      return carry

    init = (jnp.int32(-1), tuple(ninf for _ in range(DV)))
    cur, runs = lax.fori_loop(0, npair, pair, init)

    cwait(2 * npair, 0)
    cwait(2 * npair + 1, 1)

    flush(cur, runs)

    @pl.when(wid < NW - 1)
    def _():
      pltpu.sync_copy(ol.at[pl.ds(0, SPW * D)],
                      out_hbm.at[pl.ds(s_lo * D, SPW * D)])

    @pl.when(wid == NW - 1)
    def _():
      pltpu.sync_copy(ol.at[pl.ds(0, SPW_LAST * D)],
                      out_hbm.at[pl.ds(s_lo * D, SPW_LAST * D)])

  return k(xf, batch, starts)


def kernel(x, batch):
  xf = x.reshape(-1)
  bounds = jnp.arange(NW, dtype=jnp.int32) * SPW
  starts = jnp.sum(batch[:, None] < bounds[None, :], axis=0,
                   dtype=jnp.int32)
  starts = jnp.concatenate(
      [starts, jnp.full((64 - NW,), N, jnp.int32)])
  out = _sc_segmax(xf, batch, starts)
  return out.reshape(S, D)

# --- scband reference (transcript-rebuilt; emitter-appended) ---
"""Pipeline reference for scband-vnmax-pool-25537875542606 (READ-ONLY COPY).

The authoritative reference and input builder live on the scoring server;
editing this copy changes nothing except your own understanding.
"""

import jax, jax.numpy as jnp
import numpy as np

N = 320000
D = 128
NUM_SEG = 10000

def setup_inputs(seed: int = 0) -> dict:
    key = jax.random.key(seed)
    kx, kb = jax.random.split(key)
    x = jax.random.normal(kx, (N, D), dtype=jnp.float32)
    batch = jnp.sort(jax.random.randint(kb, (N,), 0, NUM_SEG))
    # ensure full segment range so b = batch[-1] + 1 == NUM_SEG deterministically
    batch = batch.at[0].set(0).at[-1].set(NUM_SEG - 1)
    batch = batch.astype(jnp.int32)
    return {"x": x, "batch": batch}

def reference(x, batch):
    # b = batch[-1] + 1; scatter(x, batch, dim=0, dim_size=b, reduce='max')
    b = NUM_SEG
    out = jax.ops.segment_max(x, batch, num_segments=b)
    return out

if __name__ == "__main__":
    import jax
    _d = setup_inputs()
    print(jax.jit(kernel)(*tuple(_d.values())))

</pallas_src>

<mosaic_0001>
#map = affine_map<(d0, d1) -> (0)>
module attributes {stable_mosaic.version = 14 : i64} {
  func.func @k(%arg0: i32, %arg1: i32, %arg2: memref<40960000xf32, #tpu.memory_space<hbm>>, %arg3: memref<320000xi32, #tpu.memory_space<hbm>>, %arg4: memref<64xi32, #tpu.memory_space<hbm>>, %arg5: memref<1280000xf32, #tpu.memory_space<hbm>>, %arg6: memref<64xi32, #tpu.memory_space<vmem>>, %arg7: memref<32768xf32, #tpu.memory_space<vmem>>, %arg8: memref<32768xf32, #tpu.memory_space<vmem>>, %arg9: memref<280xi32, #tpu.memory_space<vmem>>, %arg10: memref<280xi32, #tpu.memory_space<vmem>>, %arg11: memref<272xi32, #tpu.memory_space<vmem>>, %arg12: memref<40192xf32, #tpu.memory_space<vmem>>, %arg13: memref<!tpu.dma_semaphore, #tpu.memory_space<semaphore_mem>>, %arg14: memref<!tpu.dma_semaphore, #tpu.memory_space<semaphore_mem>>, %arg15: memref<!tpu.dma_semaphore, #tpu.memory_space<semaphore_mem>>, %arg16: memref<!tpu.dma_semaphore, #tpu.memory_space<semaphore_mem>>) attributes {dimension_semantics = [#tpu.dimension_semantics<core_parallel>, #tpu.dimension_semantics<subcore_parallel>], iteration_bounds = array<i64: 2, 16>, scalar_prefetch = 0 : i64, scratch_operands = 11 : i64, tpu.core_type = #tpu.core_type<sc_vector_subcore>, window_params = [{transform_indices = #map}, {transform_indices = #map}, {transform_indices = #map}, {transform_indices = #map}]} {
    %mul3A = arith.constant 16 : i32
    %mul3A_0 = arith.muli %arg0, %mul3A : i32
    %add3A = arith.addi %mul3A_0, %arg1 : i32
    "tpu.region"() ({
      %run_scoped3A = tpu.sem_alloc : memref<!tpu.dma_semaphore, #tpu.memory_space<semaphore_mem>>
      tpu.enqueue_dma source(%arg4 : memref<64xi32, #tpu.memory_space<hbm>>) target(%arg6 : memref<64xi32, #tpu.memory_space<vmem>>) target_semaphore(%run_scoped3A : memref<!tpu.dma_semaphore, #tpu.memory_space<semaphore_mem>>)
      tpu.wait_dma2 semaphore(%run_scoped3A : memref<!tpu.dma_semaphore, #tpu.memory_space<semaphore_mem>>) src(%arg4 : memref<64xi32, #tpu.memory_space<hbm>>) dst(%arg6 : memref<64xi32, #tpu.memory_space<vmem>>)
      tpu.yield
    }) : () -> ()
    %mul3A_1 = arith.constant 313 : i32
    %mul3A_2 = arith.muli %add3A, %mul3A_1 : i32
    %broadcast_in_dim3A = arith.constant 0xFF800000 : f32
    %broadcast_in_dim3A_3 = vector.broadcast %broadcast_in_dim3A : f32 to vector<16xf32>
    %iota3A = tpu.iota {dimensions = array<i32: 0>} : vector<16xi32>
    %scan3A = arith.constant 0 : i32
    %scan3A_4 = arith.constant 0 : i32
    %scan3A_5 = arith.constant 2512 : i32
    %scan3A_6 = arith.addi %scan3A_4, %scan3A_5 : i32
    %scan3A_7 = arith.constant 1 : i32
    scf.for %scan3A_219 = %scan3A_4 to %scan3A_6 step %scan3A_7  : i32 {
      %mul3A_220 = arith.constant 16 : i32
      %mul3A_221 = arith.muli %scan3A_219, %mul3A_220 : i32
      %swap3A_222 = arith.index_cast %mul3A_221 : i32 to index
      %swap3A_223 = tpu.vector_load %arg12[%swap3A_222] {strides = array<i32>} : memref<40192xf32, #tpu.memory_space<vmem>>, vector<16xf32>,
      tpu.vector_store %arg12[%swap3A_222], %broadcast_in_dim3A_3 {strides = array<i32>} : memref<40192xf32, #tpu.memory_space<vmem>>, vector<16xf32>,
    }
    %scan3A_8 = arith.constant 2512 : i32
    %get3A = arith.index_cast %add3A : i32 to index
    %get3A_9 = tpu.vector_load %arg6[%get3A] {strides = array<i32>} : memref<64xi32, #tpu.memory_space<vmem>>, vector<16xi32>,
    %slice3A = vector.extract_strided_slice %get3A_9 {offsets = [0], sizes = [1], strides = [1]} : vector<16xi32> to vector<1xi32>
    %squeeze3A = vector.extract %slice3A[0] : i32 from vector<1xi32>
    %slice3A_10 = vector.extract_strided_slice %get3A_9 {offsets = [1], sizes = [1], strides = [1]} : vector<16xi32> to vector<1xi32>
    %squeeze3A_11 = vector.extract %slice3A_10[0] : i32 from vector<1xi32>
    %and3A = arith.constant -8 : i32
    %and3A_12 = arith.andi %squeeze3A, %and3A : i32
    %sub3A = arith.subi %squeeze3A_11, %and3A_12 : i32
    %add3A_13 = arith.constant 255 : i32
    %add3A_14 = arith.addi %sub3A, %add3A_13 : i32
    %jit3A = arith.constant 256 : i32
    %div3A = arith.divsi %add3A_14, %jit3A : i32
    %sign3A = arith.constant 0 : i32
    %sign3A_15 = arith.cmpi sgt, %add3A_14, %sign3A : i32
    %sign3A_16 = arith.extui %sign3A_15 : i1 to i32
    %sign3A_17 = arith.constant 0 : i32
    %sign3A_18 = arith.cmpi slt, %add3A_14, %sign3A_17 : i32
    %sign3A_19 = arith.extui %sign3A_18 : i1 to i32
    %sign3A_20 = arith.subi %sign3A_16, %sign3A_19 : i32
    %sign3A_21 = arith.constant 0 : i32
    %sign3A_22 = arith.cmpi sgt, %jit3A, %sign3A_21 : i32
    %sign3A_23 = arith.extui %sign3A_22 : i1 to i32
    %sign3A_24 = arith.constant 0 : i32
    %sign3A_25 = arith.cmpi slt, %jit3A, %sign3A_24 : i32
    %sign3A_26 = arith.extui %sign3A_25 : i1 to i32
    %sign3A_27 = arith.subi %sign3A_23, %sign3A_26 : i32
    %ne3A = arith.cmpi ne, %sign3A_20, %sign3A_27 : i32
    %rem3A = arith.remsi %add3A_14, %jit3A : i32
    %ne3A_28 = arith.constant 0 : i32
    %ne3A_29 = arith.cmpi ne, %rem3A, %ne3A_28 : i32
    %and3A_30 = arith.andi %ne3A, %ne3A_29 : i1
    %sub3A_31 = arith.constant 1 : i32
    %sub3A_32 = arith.subi %div3A, %sub3A_31 : i32
    %select_n3A = arith.select %and3A_30, %sub3A_32, %div3A : i32
    %add3A_33 = arith.constant 1 : i32
    %add3A_34 = arith.addi %select_n3A, %add3A_33 : i32
    %jit3A_35 = arith.constant 2 : i32
    %div3A_36 = arith.divsi %add3A_34, %jit3A_35 : i32
    %sign3A_37 = arith.constant 0 : i32
    %sign3A_38 = arith.cmpi sgt, %add3A_34, %sign3A_37 : i32
    %sign3A_39 = arith.extui %sign3A_38 : i1 to i32
    %sign3A_40 = arith.constant 0 : i32
    %sign3A_41 = arith.cmpi slt, %add3A_34, %sign3A_40 : i32
    %sign3A_42 = arith.extui %sign3A_41 : i1 to i32
    %sign3A_43 = arith.subi %sign3A_39, %sign3A_42 : i32
    %sign3A_44 = arith.constant 0 : i32
    %sign3A_45 = arith.cmpi sgt, %jit3A_35, %sign3A_44 : i32
    %sign3A_46 = arith.extui %sign3A_45 : i1 to i32
    %sign3A_47 = arith.constant 0 : i32
    %sign3A_48 = arith.cmpi slt, %jit3A_35, %sign3A_47 : i32
    %sign3A_49 = arith.extui %sign3A_48 : i1 to i32
    %sign3A_50 = arith.subi %sign3A_46, %sign3A_49 : i32
    %ne3A_51 = arith.cmpi ne, %sign3A_43, %sign3A_50 : i32
    %rem3A_52 = arith.remsi %add3A_34, %jit3A_35 : i32
    %ne3A_53 = arith.constant 0 : i32
    %ne3A_54 = arith.cmpi ne, %rem3A_52, %ne3A_53 : i32
    %and3A_55 = arith.andi %ne3A_51, %ne3A_54 : i1
    %sub3A_56 = arith.constant 1 : i32
    %sub3A_57 = arith.subi %div3A_36, %sub3A_56 : i32
    %select_n3A_58 = arith.select %and3A_55, %sub3A_57, %div3A_36 : i32
    %add3A_59 = arith.constant 0 : i32
    %add3A_60 = arith.addi %and3A_12, %add3A_59 : i32
    %min3A = arith.constant 319744 : i32
    %min3A_61 = arith.minsi %add3A_60, %min3A : i32
    %multiple_of3A = tpu.assume_multiple %min3A_61, 8 : i32
    %mul3A_62 = arith.constant 128 : i32
    %mul3A_63 = arith.muli %multiple_of3A, %mul3A_62 : i32
    %multiple_of3A_64 = tpu.assume_multiple %mul3A_63, 8 : i32
    %dma_start3A = tpu.memref_slice %arg2[%multiple_of3A_64] : memref<40960000xf32, #tpu.memory_space<hbm>> -> memref<32768xf32, #tpu.memory_space<hbm>>
    %dma_start3A_65 = tpu.memref_slice %arg2[%multiple_of3A_64] : memref<40960000xf32, #tpu.memory_space<hbm>> -> memref<32768xf32, #tpu.memory_space<hbm>>
    tpu.enqueue_dma source(%dma_start3A_65 : memref<32768xf32, #tpu.memory_space<hbm>>) target(%arg7 : memref<32768xf32, #tpu.memory_space<vmem>>) target_semaphore(%arg13 : memref<!tpu.dma_semaphore, #tpu.memory_space<semaphore_mem>>)
    %dma_start3A_66 = arith.constant 8 : i32
    %dma_start3A_67 = tpu.memref_slice %arg9[%dma_start3A_66] : memref<280xi32, #tpu.memory_space<vmem>> -> memref<256xi32, #tpu.memory_space<vmem>>
    %dma_start3A_68 = tpu.memref_slice %arg3[%multiple_of3A] : memref<320000xi32, #tpu.memory_space<hbm>> -> memref<256xi32, #tpu.memory_space<hbm>>
    %dma_start3A_69 = arith.constant 8 : i32
    %dma_start3A_70 = tpu.memref_slice %arg9[%dma_start3A_69] : memref<280xi32, #tpu.memory_space<vmem>> -> memref<256xi32, #tpu.memory_space<vmem>>
    %dma_start3A_71 = tpu.memref_slice %arg3[%multiple_of3A] : memref<320000xi32, #tpu.memory_space<hbm>> -> memref<256xi32, #tpu.memory_space<hbm>>
    tpu.enqueue_dma source(%dma_start3A_71 : memref<256xi32, #tpu.memory_space<hbm>>) target(%dma_start3A_70 : memref<256xi32, #tpu.memory_space<vmem>>) target_semaphore(%arg15 : memref<!tpu.dma_semaphore, #tpu.memory_space<semaphore_mem>>)
    %add3A_72 = arith.constant 256 : i32
    %add3A_73 = arith.addi %and3A_12, %add3A_72 : i32
    %min3A_74 = arith.constant 319744 : i32
    %min3A_75 = arith.minsi %add3A_73, %min3A_74 : i32
    %multiple_of3A_76 = tpu.assume_multiple %min3A_75, 8 : i32
    %mul3A_77 = arith.constant 128 : i32
    %mul3A_78 = arith.muli %multiple_of3A_76, %mul3A_77 : i32
    %multiple_of3A_79 = tpu.assume_multiple %mul3A_78, 8 : i32
    %dma_start3A_80 = tpu.memref_slice %arg2[%multiple_of3A_79] : memref<40960000xf32, #tpu.memory_space<hbm>> -> memref<32768xf32, #tpu.memory_space<hbm>>
    %dma_start3A_81 = tpu.memref_slice %arg2[%multiple_of3A_79] : memref<40960000xf32, #tpu.memory_space<hbm>> -> memref<32768xf32, #tpu.memory_space<hbm>>
    tpu.enqueue_dma source(%dma_start3A_81 : memref<32768xf32, #tpu.memory_space<hbm>>) target(%arg8 : memref<32768xf32, #tpu.memory_space<vmem>>) target_semaphore(%arg14 : memref<!tpu.dma_semaphore, #tpu.memory_space<semaphore_mem>>)
    %dma_start3A_82 = arith.constant 8 : i32
    %dma_start3A_83 = tpu.memref_slice %arg10[%dma_start3A_82] : memref<280xi32, #tpu.memory_space<vmem>> -> memref<256xi32, #tpu.memory_space<vmem>>
    %dma_start3A_84 = tpu.memref_slice %arg3[%multiple_of3A_76] : memref<320000xi32, #tpu.memory_space<hbm>> -> memref<256xi32, #tpu.memory_space<hbm>>
    %dma_start3A_85 = arith.constant 8 : i32
    %dma_start3A_86 = tpu.memref_slice %arg10[%dma_start3A_85] : memref<280xi32, #tpu.memory_space<vmem>> -> memref<256xi32, #tpu.memory_space<vmem>>
    %dma_start3A_87 = tpu.memref_slice %arg3[%multiple_of3A_76] : memref<320000xi32, #tpu.memory_space<hbm>> -> memref<256xi32, #tpu.memory_space<hbm>>
    tpu.enqueue_dma source(%dma_start3A_87 : memref<256xi32, #tpu.memory_space<hbm>>) target(%dma_start3A_86 : memref<256xi32, #tpu.memory_space<vmem>>) target_semaphore(%arg16 : memref<!tpu.dma_semaphore, #tpu.memory_space<semaphore_mem>>)
    %while3A = arith.constant 0 : i32
    %while3A_88 = arith.constant -1 : i32
    %while3A_89 = arith.subi %select_n3A_58, %while3A : i32
    %while3A_90 = arith.addi %while3A, %while3A_89 : i32
    %while3A_91 = arith.constant 1 : i32
    %while3A_92 = arith.divsi %while3A_89, %while3A_91 : i32
    %while3A_93 = arith.muli %while3A_92, %while3A_91 : i32
    %while3A_94 = arith.addi %while3A, %while3A_93 : i32
    %while3A_95 = arith.constant 1 : i32
    %while3A_96:9 = scf.for %while3A_219 = %while3A to %while3A_94 step %while3A_95 iter_args(%while3A_220 = %while3A_88, %while3A_221 = %broadcast_in_dim3A_3, %while3A_222 = %broadcast_in_dim3A_3, %while3A_223 = %broadcast_in_dim3A_3, %while3A_224 = %broadcast_in_dim3A_3, %while3A_225 = %broadcast_in_dim3A_3, %while3A_226 = %broadcast_in_dim3A_3, %while3A_227 = %broadcast_in_dim3A_3, %while3A_228 = %broadcast_in_dim3A_3) -> (i32, vector<16xf32>, vector<16xf32>, vector<16xf32>, vector<16xf32>, vector<16xf32>, vector<16xf32>, vector<16xf32>, vector<16xf32>)  : i32 {
      %mul3A_229 = arith.constant 2 : i32
      %mul3A_230 = arith.muli %mul3A_229, %while3A_219 : i32
      %add3A_231 = arith.constant 0 : i32
      %add3A_232 = arith.addi %mul3A_230, %add3A_231 : i32
      %mul3A_233 = arith.constant 256 : i32
      %mul3A_234 = arith.muli %add3A_232, %mul3A_233 : i32
      %add3A_235 = arith.addi %and3A_12, %mul3A_234 : i32
      %min3A_236 = arith.constant 319744 : i32
      %min3A_237 = arith.minsi %add3A_235, %min3A_236 : i32
      %multiple_of3A_238 = tpu.assume_multiple %min3A_237, 8 : i32
      %mul3A_239 = arith.constant 128 : i32
      %mul3A_240 = arith.muli %multiple_of3A_238, %mul3A_239 : i32
      %multiple_of3A_241 = tpu.assume_multiple %mul3A_240, 8 : i32
      %dma_wait3A_242 = tpu.memref_slice %arg2[%multiple_of3A_241] : memref<40960000xf32, #tpu.memory_space<hbm>> -> memref<32768xf32, #tpu.memory_space<hbm>>
      %dma_wait3A_243 = tpu.memref_slice %arg2[%multiple_of3A_241] : memref<40960000xf32, #tpu.memory_space<hbm>> -> memref<32768xf32, #tpu.memory_space<hbm>>
      tpu.wait_dma2 semaphore(%arg13 : memref<!tpu.dma_semaphore, #tpu.memory_space<semaphore_mem>>) src(%dma_wait3A_243 : memref<32768xf32, #tpu.memory_space<hbm>>) dst(%arg7 : memref<32768xf32, #tpu.memory_space<vmem>>)
      %dma_wait3A_244 = arith.constant 8 : i32
      %dma_wait3A_245 = tpu.memref_slice %arg9[%dma_wait3A_244] : memref<280xi32, #tpu.memory_space<vmem>> -> memref<256xi32, #tpu.memory_space<vmem>>
      %dma_wait3A_246 = tpu.memref_slice %arg3[%multiple_of3A_238] : memref<320000xi32, #tpu.memory_space<hbm>> -> memref<256xi32, #tpu.memory_space<hbm>>
      %dma_wait3A_247 = arith.constant 8 : i32
      %dma_wait3A_248 = tpu.memref_slice %arg9[%dma_wait3A_247] : memref<280xi32, #tpu.memory_space<vmem>> -> memref<256xi32, #tpu.memory_space<vmem>>
      %dma_wait3A_249 = tpu.memref_slice %arg3[%multiple_of3A_238] : memref<320000xi32, #tpu.memory_space<hbm>> -> memref<256xi32, #tpu.memory_space<hbm>>
      tpu.wait_dma2 semaphore(%arg15 : memref<!tpu.dma_semaphore, #tpu.memory_space<semaphore_mem>>) src(%dma_wait3A_249 : memref<256xi32, #tpu.memory_space<hbm>>) dst(%dma_wait3A_248 : memref<256xi32, #tpu.memory_space<vmem>>)
      %scan3A_250 = arith.constant 0 : i32
      %scan3A_251 = arith.constant 0 : i32
      %scan3A_252 = arith.constant 16 : i32
      %scan3A_253 = arith.addi %scan3A_251, %scan3A_252 : i32
      %scan3A_254 = arith.constant 1 : i32
      %scan3A_255 = scf.for %scan3A_351 = %scan3A_251 to %scan3A_253 step %scan3A_254 iter_args(%scan3A_352 = %scan3A_250) -> (i32)  : i32 {
        %mul3A_353 = arith.constant 16 : i32
        %mul3A_354 = arith.muli %scan3A_351, %mul3A_353 : i32
        %add3A_355 = arith.constant 8 : i32
        %add3A_356 = arith.addi %add3A_355, %mul3A_354 : i32
        %get3A_357 = arith.index_cast %add3A_356 : i32 to index
        %get3A_358 = tpu.vector_load %arg9[%get3A_357] {strides = array<i32>} : memref<280xi32, #tpu.memory_space<vmem>>, vector<16xi32>,
        %mul3A_359 = arith.constant 16 : i32
        %mul3A_360 = arith.muli %scan3A_351, %mul3A_359 : i32
        %add3A_361 = arith.constant 7 : i32
        %add3A_362 = arith.addi %add3A_361, %mul3A_360 : i32
        %get3A_363 = arith.index_cast %add3A_362 : i32 to index
        %get3A_364 = tpu.vector_load %arg9[%get3A_363] {strides = array<i32>} : memref<280xi32, #tpu.memory_space<vmem>>, vector<16xi32>,
        %ne3A_365 = arith.cmpi ne, %get3A_358, %get3A_364 : vector<16xi32>
        %mul3A_366 = arith.constant 16 : i32
        %mul3A_367 = arith.muli %scan3A_351, %mul3A_366 : i32
        %add3A_368 = vector.broadcast %mul3A_367 : i32 to vector<16xi32>
        %add3A_369 = arith.addi %iota3A, %add3A_368 : vector<16xi32>
        %swap3A_370 = arith.index_cast %scan3A_352 : i32 to index
        %swap3A_371 = tpu.vector_load %arg11[%swap3A_370] masked %ne3A_365 {strides = array<i32>} : memref<272xi32, #tpu.memory_space<vmem>>, vector<16xi32>, vector<16xi1>
        tpu.vector_store %arg11[%swap3A_370], %add3A_369 masked %ne3A_365 {strides = array<i32>} : memref<272xi32, #tpu.memory_space<vmem>>, vector<16xi32>, vector<16xi1>
        %all_reduce_population_count3A = tpu.all_reduce %ne3A_365 {dim = 0 : i64, kind = #tpu.reduction_kind<sum>} : vector<16xi1> -> vector<16xi32>
        %slice3A_372 = vector.extract_strided_slice %all_reduce_population_count3A {offsets = [0], sizes = [1], strides = [1]} : vector<16xi32> to vector<1xi32>
        %squeeze3A_373 = vector.extract %slice3A_372[0] : i32 from vector<1xi32>
        %add3A_374 = arith.addi %scan3A_352, %squeeze3A_373 : i32
        scf.yield %add3A_374 : i32
      }
      %scan3A_256 = arith.constant 16 : i32
      %add3A_257 = arith.constant 1 : i32
      %add3A_258 = arith.addi %scan3A_255, %add3A_257 : i32
      %while3A_259 = arith.constant 0 : i32
      %while3A_260 = arith.constant 0 : i32
      %while3A_261 = arith.subi %add3A_258, %while3A_259 : i32
      %while3A_262 = arith.addi %while3A_259, %while3A_261 : i32
      %while3A_263 = arith.constant 1 : i32
      %while3A_264 = arith.divsi %while3A_261, %while3A_263 : i32
      %while3A_265 = arith.muli %while3A_264, %while3A_263 : i32
      %while3A_266 = arith.addi %while3A_259, %while3A_265 : i32
      %while3A_267 = arith.constant 1 : i32
      %while3A_268:10 = scf.for %while3A_351 = %while3A_259 to %while3A_266 step %while3A_267 iter_args(%while3A_352 = %while3A_260, %while3A_353 = %while3A_220, %while3A_354 = %while3A_221, %while3A_355 = %while3A_222, %while3A_356 = %while3A_223, %while3A_357 = %while3A_224, %while3A_358 = %while3A_225, %while3A_359 = %while3A_226, %while3A_360 = %while3A_227, %while3A_361 = %while3A_228) -> (i32, i32, vector<16xf32>, vector<16xf32>, vector<16xf32>, vector<16xf32>, vector<16xf32>, vector<16xf32>, vector<16xf32>, vector<16xf32>)  : i32 {
        %sub3A_362 = arith.subi %while3A_353, %mul3A_2 : i32
        %min3A_363 = arith.constant 313 : i32
        %min3A_364 = arith.minui %sub3A_362, %min3A_363 : i32
        %mul3A_365 = arith.constant 128 : i32
        %mul3A_366 = arith.muli %min3A_364, %mul3A_365 : i32
        %add3A_367 = arith.constant 0 : i32
        %add3A_368 = arith.addi %mul3A_366, %add3A_367 : i32
        %get3A_369 = arith.index_cast %add3A_368 : i32 to index
        %get3A_370 = tpu.vector_load %arg12[%get3A_369] {strides = array<i32>} : memref<40192xf32, #tpu.memory_space<vmem>>, vector<16xf32>,
        %max3A_371 = arith.maximumf %get3A_370, %while3A_354 : vector<16xf32>
        %add3A_372 = arith.constant 0 : i32
        %add3A_373 = arith.addi %mul3A_366, %add3A_372 : i32
        %swap3A_374 = arith.index_cast %add3A_373 : i32 to index
        %swap3A_375 = tpu.vector_load %arg12[%swap3A_374] {strides = array<i32>} : memref<40192xf32, #tpu.memory_space<vmem>>, vector<16xf32>,
        tpu.vector_store %arg12[%swap3A_374], %max3A_371 {strides = array<i32>} : memref<40192xf32, #tpu.memory_space<vmem>>, vector<16xf32>,
        %add3A_376 = arith.constant 16 : i32
        %add3A_377 = arith.addi %mul3A_366, %add3A_376 : i32
        %get3A_378 = arith.index_cast %add3A_377 : i32 to index
        %get3A_379 = tpu.vector_load %arg12[%get3A_378] {strides = array<i32>} : memref<40192xf32, #tpu.memory_space<vmem>>, vector<16xf32>,
        %max3A_380 = arith.maximumf %get3A_379, %while3A_355 : vector<16xf32>
        %add3A_381 = arith.constant 16 : i32
        %add3A_382 = arith.addi %mul3A_366, %add3A_381 : i32
        %swap3A_383 = arith.index_cast %add3A_382 : i32 to index
        %swap3A_384 = tpu.vector_load %arg12[%swap3A_383] {strides = array<i32>} : memref<40192xf32, #tpu.memory_space<vmem>>, vector<16xf32>,
        tpu.vector_store %arg12[%swap3A_383], %max3A_380 {strides = array<i32>} : memref<40192xf32, #tpu.memory_space<vmem>>, vector<16xf32>,
        %add3A_385 = arith.constant 32 : i32
        %add3A_386 = arith.addi %mul3A_366, %add3A_385 : i32
        %get3A_387 = arith.index_cast %add3A_386 : i32 to index
        %get3A_388 = tpu.vector_load %arg12[%get3A_387] {strides = array<i32>} : memref<40192xf32, #tpu.memory_space<vmem>>, vector<16xf32>,
        %max3A_389 = arith.maximumf %get3A_388, %while3A_356 : vector<16xf32>
        %add3A_390 = arith.constant 32 : i32
        %add3A_391 = arith.addi %mul3A_366, %add3A_390 : i32
        %swap3A_392 = arith.index_cast %add3A_391 : i32 to index
        %swap3A_393 = tpu.vector_load %arg12[%swap3A_392] {strides = array<i32>} : memref<40192xf32, #tpu.memory_space<vmem>>, vector<16xf32>,
        tpu.vector_store %arg12[%swap3A_392], %max3A_389 {strides = array<i32>} : memref<40192xf32, #tpu.memory_space<vmem>>, vector<16xf32>,
        %add3A_394 = arith.constant 48 : i32
        %add3A_395 = arith.addi %mul3A_366, %add3A_394 : i32
        %get3A_396 = arith.index_cast %add3A_395 : i32 to index
        %get3A_397 = tpu.vector_load %arg12[%get3A_396] {strides = array<i32>} : memref<40192xf32, #tpu.memory_space<vmem>>, vector<16xf32>,
        %max3A_398 = arith.maximumf %get3A_397, %while3A_357 : vector<16xf32>
        %add3A_399 = arith.constant 48 : i32
        %add3A_400 = arith.addi %mul3A_366, %add3A_399 : i32
        %swap3A_401 = arith.index_cast %add3A_400 : i32 to index
        %swap3A_402 = tpu.vector_load %arg12[%swap3A_401] {strides = array<i32>} : memref<40192xf32, #tpu.memory_space<vmem>>, vector<16xf32>,
        tpu.vector_store %arg12[%swap3A_401], %max3A_398 {strides = array<i32>} : memref<40192xf32, #tpu.memory_space<vmem>>, vector<16xf32>,
        %add3A_403 = arith.constant 64 : i32
        %add3A_404 = arith.addi %mul3A_366, %add3A_403 : i32
        %get3A_405 = arith.index_cast %add3A_404 : i32 to index
        %get3A_406 = tpu.vector_load %arg12[%get3A_405] {strides = array<i32>} : memref<40192xf32, #tpu.memory_space<vmem>>, vector<16xf32>,
        %max3A_407 = arith.maximumf %get3A_406, %while3A_358 : vector<16xf32>
        %add3A_408 = arith.constant 64 : i32
        %add3A_409 = arith.addi %mul3A_366, %add3A_408 : i32
        %swap3A_410 = arith.index_cast %add3A_409 : i32 to index
        %swap3A_411 = tpu.vector_load %arg12[%swap3A_410] {strides = array<i32>} : memref<40192xf32, #tpu.memory_space<vmem>>, vector<16xf32>,
        tpu.vector_store %arg12[%swap3A_410], %max3A_407 {strides = array<i32>} : memref<40192xf32, #tpu.memory_space<vmem>>, vector<16xf32>,
        %add3A_412 = arith.constant 80 : i32
        %add3A_413 = arith.addi %mul3A_366, %add3A_412 : i32
        %get3A_414 = arith.index_cast %add3A_413 : i32 to index
        %get3A_415 = tpu.vector_load %arg12[%get3A_414] {strides = array<i32>} : memref<40192xf32, #tpu.memory_space<vmem>>, vector<16xf32>,
        %max3A_416 = arith.maximumf %get3A_415, %while3A_359 : vector<16xf32>
        %add3A_417 = arith.constant 80 : i32
        %add3A_418 = arith.addi %mul3A_366, %add3A_417 : i32
        %swap3A_419 = arith.index_cast %add3A_418 : i32 to index
        %swap3A_420 = tpu.vector_load %arg12[%swap3A_419] {strides = array<i32>} : memref<40192xf32, #tpu.memory_space<vmem>>, vector<16xf32>,
        tpu.vector_store %arg12[%swap3A_419], %max3A_416 {strides = array<i32>} : memref<40192xf32, #tpu.memory_space<vmem>>, vector<16xf32>,
        %add3A_421 = arith.constant 96 : i32
        %add3A_422 = arith.addi %mul3A_366, %add3A_421 : i32
        %get3A_423 = arith.index_cast %add3A_422 : i32 to index
        %get3A_424 = tpu.vector_load %arg12[%get3A_423] {strides = array<i32>} : memref<40192xf32, #tpu.memory_space<vmem>>, vector<16xf32>,
        %max3A_425 = arith.maximumf %get3A_424, %while3A_360 : vector<16xf32>
        %add3A_426 = arith.constant 96 : i32
        %add3A_427 = arith.addi %mul3A_366, %add3A_426 : i32
        %swap3A_428 = arith.index_cast %add3A_427 : i32 to index
        %swap3A_429 = tpu.vector_load %arg12[%swap3A_428] {strides = array<i32>} : memref<40192xf32, #tpu.memory_space<vmem>>, vector<16xf32>,
        tpu.vector_store %arg12[%swap3A_428], %max3A_425 {strides = array<i32>} : memref<40192xf32, #tpu.memory_space<vmem>>, vector<16xf32>,
        %add3A_430 = arith.constant 112 : i32
        %add3A_431 = arith.addi %mul3A_366, %add3A_430 : i32
        %get3A_432 = arith.index_cast %add3A_431 : i32 to index
        %get3A_433 = tpu.vector_load %arg12[%get3A_432] {strides = array<i32>} : memref<40192xf32, #tpu.memory_space<vmem>>, vector<16xf32>,
        %max3A_434 = arith.maximumf %get3A_433, %while3A_361 : vector<16xf32>
        %add3A_435 = arith.constant 112 : i32
        %add3A_436 = arith.addi %mul3A_366, %add3A_435 : i32
        %swap3A_437 = arith.index_cast %add3A_436 : i32 to index
        %swap3A_438 = tpu.vector_load %arg12[%swap3A_437] {strides = array<i32>} : memref<40192xf32, #tpu.memory_space<vmem>>, vector<16xf32>,
        tpu.vector_store %arg12[%swap3A_437], %max3A_434 {strides = array<i32>} : memref<40192xf32, #tpu.memory_space<vmem>>, vector<16xf32>,
        %add3A_439 = arith.constant 8 : i32
        %add3A_440 = arith.addi %add3A_439, %while3A_352 : i32
        %get3A_441 = arith.index_cast %add3A_440 : i32 to index
        %get3A_442 = tpu.vector_load %arg9[%get3A_441] {strides = array<i32>} : memref<280xi32, #tpu.memory_space<vmem>>, vector<16xi32>,
        %slice3A_443 = vector.extract_strided_slice %get3A_442 {offsets = [0], sizes = [1], strides = [1]} : vector<16xi32> to vector<1xi32>
        %squeeze3A_444 = vector.extract %slice3A_443[0] : i32 from vector<1xi32>
        %lt3A_445 = arith.cmpi slt, %while3A_351, %scan3A_255 : i32
        %get3A_446 = arith.index_cast %while3A_351 : i32 to index
        %get3A_447 = tpu.vector_load %arg11[%get3A_446] {strides = array<i32>} : memref<272xi32, #tpu.memory_space<vmem>>, vector<16xi32>,
        %slice3A_448 = vector.extract_strided_slice %get3A_447 {offsets = [0], sizes = [1], strides = [1]} : vector<16xi32> to vector<1xi32>
        %squeeze3A_449 = vector.extract %slice3A_448[0] : i32 from vector<1xi32>
        %jit3A_450 = arith.constant 256 : i32
        %select_n3A_451 = arith.select %lt3A_445, %squeeze3A_449, %jit3A_450 : i32
        %while3A_452 = arith.subi %select_n3A_451, %while3A_352 : i32
        %while3A_453 = arith.addi %while3A_352, %while3A_452 : i32
        %while3A_454 = arith.constant 1 : i32
        %while3A_455 = arith.divsi %while3A_452, %while3A_454 : i32
        %while3A_456 = arith.muli %while3A_455, %while3A_454 : i32
        %while3A_457 = arith.addi %while3A_352, %while3A_456 : i32
        %while3A_458 = arith.constant 1 : i32
        %while3A_459:8 = scf.for %while3A_462 = %while3A_352 to %while3A_457 step %while3A_458 iter_args(%while3A_463 = %broadcast_in_dim3A_3, %while3A_464 = %broadcast_in_dim3A_3, %while3A_465 = %broadcast_in_dim3A_3, %while3A_466 = %broadcast_in_dim3A_3, %while3A_467 = %broadcast_in_dim3A_3, %while3A_468 = %broadcast_in_dim3A_3, %while3A_469 = %broadcast_in_dim3A_3, %while3A_470 = %broadcast_in_dim3A_3) -> (vector<16xf32>, vector<16xf32>, vector<16xf32>, vector<16xf32>, vector<16xf32>, vector<16xf32>, vector<16xf32>, vector<16xf32>)  : i32 {
          %mul3A_471 = arith.constant 128 : i32
          %mul3A_472 = arith.muli %while3A_462, %mul3A_471 : i32
          %add3A_473 = arith.constant 0 : i32
          %add3A_474 = arith.addi %mul3A_472, %add3A_473 : i32
          %get3A_475 = arith.index_cast %add3A_474 : i32 to index
          %get3A_476 = tpu.vector_load %arg7[%get3A_475] {strides = array<i32>} : memref<32768xf32, #tpu.memory_space<vmem>>, vector<16xf32>,
          %max3A_477 = arith.maximumf %while3A_463, %get3A_476 : vector<16xf32>
          %mul3A_478 = arith.constant 128 : i32
          %mul3A_479 = arith.muli %while3A_462, %mul3A_478 : i32
          %add3A_480 = arith.constant 16 : i32
          %add3A_481 = arith.addi %mul3A_479, %add3A_480 : i32
          %get3A_482 = arith.index_cast %add3A_481 : i32 to index
          %get3A_483 = tpu.vector_load %arg7[%get3A_482] {strides = array<i32>} : memref<32768xf32, #tpu.memory_space<vmem>>, vector<16xf32>,
          %max3A_484 = arith.maximumf %while3A_464, %get3A_483 : vector<16xf32>
          %mul3A_485 = arith.constant 128 : i32
          %mul3A_486 = arith.muli %while3A_462, %mul3A_485 : i32
          %add3A_487 = arith.constant 32 : i32
          %add3A_488 = arith.addi %mul3A_486, %add3A_487 : i32
          %get3A_489 = arith.index_cast %add3A_488 : i32 to index
          %get3A_490 = tpu.vector_load %arg7[%get3A_489] {strides = array<i32>} : memref<32768xf32, #tpu.memory_space<vmem>>, vector<16xf32>,
          %max3A_491 = arith.maximumf %while3A_465, %get3A_490 : vector<16xf32>
          %mul3A_492 = arith.constant 128 : i32
          %mul3A_493 = arith.muli %while3A_462, %mul3A_492 : i32
          %add3A_494 = arith.constant 48 : i32
          %add3A_495 = arith.addi %mul3A_493, %add3A_494 : i32
          %get3A_496 = arith.index_cast %add3A_495 : i32 to index
          %get3A_497 = tpu.vector_load %arg7[%get3A_496] {strides = array<i32>} : memref<32768xf32, #tpu.memory_space<vmem>>, vector<16xf32>,
          %max3A_498 = arith.maximumf %while3A_466, %get3A_497 : vector<16xf32>
          %mul3A_499 = arith.constant 128 : i32
          %mul3A_500 = arith.muli %while3A_462, %mul3A_499 : i32
          %add3A_501 = arith.constant 64 : i32
          %add3A_502 = arith.addi %mul3A_500, %add3A_501 : i32
          %get3A_503 = arith.index_cast %add3A_502 : i32 to index
          %get3A_504 = tpu.vector_load %arg7[%get3A_503] {strides = array<i32>} : memref<32768xf32, #tpu.memory_space<vmem>>, vector<16xf32>,
          %max3A_505 = arith.maximumf %while3A_467, %get3A_504 : vector<16xf32>
          %mul3A_506 = arith.constant 128 : i32
          %mul3A_507 = arith.muli %while3A_462, %mul3A_506 : i32
          %add3A_508 = arith.constant 80 : i32
          %add3A_509 = arith.addi %mul3A_507, %add3A_508 : i32
          %get3A_510 = arith.index_cast %add3A_509 : i32 to index
          %get3A_511 = tpu.vector_load %arg7[%get3A_510] {strides = array<i32>} : memref<32768xf32, #tpu.memory_space<vmem>>, vector<16xf32>,
          %max3A_512 = arith.maximumf %while3A_468, %get3A_511 : vector<16xf32>
          %mul3A_513 = arith.constant 128 : i32
          %mul3A_514 = arith.muli %while3A_462, %mul3A_513 : i32
          %add3A_515 = arith.constant 96 : i32
          %add3A_516 = arith.addi %mul3A_514, %add3A_515 : i32
          %get3A_517 = arith.index_cast %add3A_516 : i32 to index
          %get3A_518 = tpu.vector_load %arg7[%get3A_517] {strides = array<i32>} : memref<32768xf32, #tpu.memory_space<vmem>>, vector<16xf32>,
          %max3A_519 = arith.maximumf %while3A_469, %get3A_518 : vector<16xf32>
          %mul3A_520 = arith.constant 128 : i32
          %mul3A_521 = arith.muli %while3A_462, %mul3A_520 : i32
          %add3A_522 = arith.constant 112 : i32
          %add3A_523 = arith.addi %mul3A_521, %add3A_522 : i32
          %get3A_524 = arith.index_cast %add3A_523 : i32 to index
          %get3A_525 = tpu.vector_load %arg7[%get3A_524] {strides = array<i32>} : memref<32768xf32, #tpu.memory_space<vmem>>, vector<16xf32>,
          %max3A_526 = arith.maximumf %while3A_470, %get3A_525 : vector<16xf32>
          scf.yield %max3A_477, %max3A_484, %max3A_491, %max3A_498, %max3A_505, %max3A_512, %max3A_519, %max3A_526 : vector<16xf32>, vector<16xf32>, vector<16xf32>, vector<16xf32>, vector<16xf32>, vector<16xf32>, vector<16xf32>, vector<16xf32>
        }
        %while3A_460 = arith.constant 1 : i32
        %while3A_461:8 = scf.for %while3A_462 = %while3A_457 to %while3A_453 step %while3A_460 iter_args(%while3A_463 = %while3A_459#0, %while3A_464 = %while3A_459#1, %while3A_465 = %while3A_459#2, %while3A_466 = %while3A_459#3, %while3A_467 = %while3A_459#4, %while3A_468 = %while3A_459#5, %while3A_469 = %while3A_459#6, %while3A_470 = %while3A_459#7) -> (vector<16xf32>, vector<16xf32>, vector<16xf32>, vector<16xf32>, vector<16xf32>, vector<16xf32>, vector<16xf32>, vector<16xf32>)  : i32 {
          %mul3A_471 = arith.constant 128 : i32
          %mul3A_472 = arith.muli %while3A_462, %mul3A_471 : i32
          %add3A_473 = arith.constant 0 : i32
          %add3A_474 = arith.addi %mul3A_472, %add3A_473 : i32
          %get3A_475 = arith.index_cast %add3A_474 : i32 to index
          %get3A_476 = tpu.vector_load %arg7[%get3A_475] {strides = array<i32>} : memref<32768xf32, #tpu.memory_space<vmem>>, vector<16xf32>,
          %max3A_477 = arith.maximumf %while3A_463, %get3A_476 : vector<16xf32>
          %mul3A_478 = arith.constant 128 : i32
          %mul3A_479 = arith.muli %while3A_462, %mul3A_478 : i32
          %add3A_480 = arith.constant 16 : i32
          %add3A_481 = arith.addi %mul3A_479, %add3A_480 : i32
          %get3A_482 = arith.index_cast %add3A_481 : i32 to index
          %get3A_483 = tpu.vector_load %arg7[%get3A_482] {strides = array<i32>} : memref<32768xf32, #tpu.memory_space<vmem>>, vector<16xf32>,
          %max3A_484 = arith.maximumf %while3A_464, %get3A_483 : vector<16xf32>
          %mul3A_485 = arith.constant 128 : i32
          %mul3A_486 = arith.muli %while3A_462, %mul3A_485 : i32
          %add3A_487 = arith.constant 32 : i32
          %add3A_488 = arith.addi %mul3A_486, %add3A_487 : i32
          %get3A_489 = arith.index_cast %add3A_488 : i32 to index
          %get3A_490 = tpu.vector_load %arg7[%get3A_489] {strides = array<i32>} : memref<32768xf32, #tpu.memory_space<vmem>>, vector<16xf32>,
          %max3A_491 = arith.maximumf %while3A_465, %get3A_490 : vector<16xf32>
          %mul3A_492 = arith.constant 128 : i32
          %mul3A_493 = arith.muli %while3A_462, %mul3A_492 : i32
          %add3A_494 = arith.constant 48 : i32
          %add3A_495 = arith.addi %mul3A_493, %add3A_494 : i32
          %get3A_496 = arith.index_cast %add3A_495 : i32 to index
          %get3A_497 = tpu.vector_load %arg7[%get3A_496] {strides = array<i32>} : memref<32768xf32, #tpu.memory_space<vmem>>, vector<16xf32>,
          %max3A_498 = arith.maximumf %while3A_466, %get3A_497 : vector<16xf32>
          %mul3A_499 = arith.constant 128 : i32
          %mul3A_500 = arith.muli %while3A_462, %mul3A_499 : i32
          %add3A_501 = arith.constant 64 : i32
          %add3A_502 = arith.addi %mul3A_500, %add3A_501 : i32
          %get3A_503 = arith.index_cast %add3A_502 : i32 to index
          %get3A_504 = tpu.vector_load %arg7[%get3A_503] {strides = array<i32>} : memref<32768xf32, #tpu.memory_space<vmem>>, vector<16xf32>,
          %max3A_505 = arith.maximumf %while3A_467, %get3A_504 : vector<16xf32>
          %mul3A_506 = arith.constant 128 : i32
          %mul3A_507 = arith.muli %while3A_462, %mul3A_506 : i32
          %add3A_508 = arith.constant 80 : i32
          %add3A_509 = arith.addi %mul3A_507, %add3A_508 : i32
          %get3A_510 = arith.index_cast %add3A_509 : i32 to index
          %get3A_511 = tpu.vector_load %arg7[%get3A_510] {strides = array<i32>} : memref<32768xf32, #tpu.memory_space<vmem>>, vector<16xf32>,
          %max3A_512 = arith.maximumf %while3A_468, %get3A_511 : vector<16xf32>
          %mul3A_513 = arith.constant 128 : i32
          %mul3A_514 = arith.muli %while3A_462, %mul3A_513 : i32
          %add3A_515 = arith.constant 96 : i32
          %add3A_516 = arith.addi %mul3A_514, %add3A_515 : i32
          %get3A_517 = arith.index_cast %add3A_516 : i32 to index
          %get3A_518 = tpu.vector_load %arg7[%get3A_517] {strides = array<i32>} : memref<32768xf32, #tpu.memory_space<vmem>>, vector<16xf32>,
          %max3A_519 = arith.maximumf %while3A_469, %get3A_518 : vector<16xf32>
          %mul3A_520 = arith.constant 128 : i32
          %mul3A_521 = arith.muli %while3A_462, %mul3A_520 : i32
          %add3A_522 = arith.constant 112 : i32
          %add3A_523 = arith.addi %mul3A_521, %add3A_522 : i32
          %get3A_524 = arith.index_cast %add3A_523 : i32 to index
          %get3A_525 = tpu.vector_load %arg7[%get3A_524] {strides = array<i32>} : memref<32768xf32, #tpu.memory_space<vmem>>, vector<16xf32>,
          %max3A_526 = arith.maximumf %while3A_470, %get3A_525 : vector<16xf32>
          scf.yield %max3A_477, %max3A_484, %max3A_491, %max3A_498, %max3A_505, %max3A_512, %max3A_519, %max3A_526 : vector<16xf32>, vector<16xf32>, vector<16xf32>, vector<16xf32>, vector<16xf32>, vector<16xf32>, vector<16xf32>, vector<16xf32>
        }
        scf.yield %select_n3A_451, %squeeze3A_444, %while3A_461#0, %while3A_461#1, %while3A_461#2, %while3A_461#3, %while3A_461#4, %while3A_461#5, %while3A_461#6, %while3A_461#7 : i32, i32, vector<16xf32>, vector<16xf32>, vector<16xf32>, vector<16xf32>, vector<16xf32>, vector<16xf32>, vector<16xf32>, vector<16xf32>
      }
      %while3A_269 = arith.constant 1 : i32
      %while3A_270:10 = scf.for %while3A_351 = %while3A_266 to %while3A_262 step %while3A_269 iter_args(%while3A_352 = %while3A_268#0, %while3A_353 = %while3A_268#1, %while3A_354 = %while3A_268#2, %while3A_355 = %while3A_268#3, %while3A_356 = %while3A_268#4, %while3A_357 = %while3A_268#5, %while3A_358 = %while3A_268#6, %while3A_359 = %while3A_268#7, %while3A_360 = %while3A_268#8, %while3A_361 = %while3A_268#9) -> (i32, i32, vector<16xf32>, vector<16xf32>, vector<16xf32>, vector<16xf32>, vector<16xf32>, vector<16xf32>, vector<16xf32>, vector<16xf32>)  : i32 {
        %sub3A_362 = arith.subi %while3A_353, %mul3A_2 : i32
        %min3A_363 = arith.constant 313 : i32
        %min3A_364 = arith.minui %sub3A_362, %min3A_363 : i32
        %mul3A_365 = arith.constant 128 : i32
        %mul3A_366 = arith.muli %min3A_364, %mul3A_365 : i32
        %add3A_367 = arith.constant 0 : i32
        %add3A_368 = arith.addi %mul3A_366, %add3A_367 : i32
        %get3A_369 = arith.index_cast %add3A_368 : i32 to index
        %get3A_370 = tpu.vector_load %arg12[%get3A_369] {strides = array<i32>} : memref<40192xf32, #tpu.memory_space<vmem>>, vector<16xf32>,
        %max3A_371 = arith.maximumf %get3A_370, %while3A_354 : vector<16xf32>
        %add3A_372 = arith.constant 0 : i32
        %add3A_373 = arith.addi %mul3A_366, %add3A_372 : i32
        %swap3A_374 = arith.index_cast %add3A_373 : i32 to index
        %swap3A_375 = tpu.vector_load %arg12[%swap3A_374] {strides = array<i32>} : memref<40192xf32, #tpu.memory_space<vmem>>, vector<16xf32>,
        tpu.vector_store %arg12[%swap3A_374], %max3A_371 {strides = array<i32>} : memref<40192xf32, #tpu.memory_space<vmem>>, vector<16xf32>,
        %add3A_376 = arith.constant 16 : i32
        %add3A_377 = arith.addi %mul3A_366, %add3A_376 : i32
        %get3A_378 = arith.index_cast %add3A_377 : i32 to index
        %get3A_379 = tpu.vector_load %arg12[%get3A_378] {strides = array<i32>} : memref<40192xf32, #tpu.memory_space<vmem>>, vector<16xf32>,
        %max3A_380 = arith.maximumf %get3A_379, %while3A_355 : vector<16xf32>
        %add3A_381 = arith.constant 16 : i32
        %add3A_382 = arith.addi %mul3A_366, %add3A_381 : i32
        %swap3A_383 = arith.index_cast %add3A_382 : i32 to index
        %swap3A_384 = tpu.vector_load %arg12[%swap3A_383] {strides = array<i32>} : memref<40192xf32, #tpu.memory_space<vmem>>, vector<16xf32>,
        tpu.vector_store %arg12[%swap3A_383], %max3A_380 {strides = array<i32>} : memref<40192xf32, #tpu.memory_space<vmem>>, vector<16xf32>,
        %add3A_385 = arith.constant 32 : i32
        %add3A_386 = arith.addi %mul3A_366, %add3A_385 : i32
        %get3A_387 = arith.index_cast %add3A_386 : i32 to index
        %get3A_388 = tpu.vector_load %arg12[%get3A_387] {strides = array<i32>} : memref<40192xf32, #tpu.memory_space<vmem>>, vector<16xf32>,
        %max3A_389 = arith.maximumf %get3A_388, %while3A_356 : vector<16xf32>
        %add3A_390 = arith.constant 32 : i32
        %add3A_391 = arith.addi %mul3A_366, %add3A_390 : i32
        %swap3A_392 = arith.index_cast %add3A_391 : i32 to index
        %swap3A_393 = tpu.vector_load %arg12[%swap3A_392] {strides = array<i32>} : memref<40192xf32, #tpu.memory_space<vmem>>, vector<16xf32>,
        tpu.vector_store %arg12[%swap3A_392], %max3A_389 {strides = array<i32>} : memref<40192xf32, #tpu.memory_space<vmem>>, vector<16xf32>,
        %add3A_394 = arith.constant 48 : i32
        %add3A_395 = arith.addi %mul3A_366, %add3A_394 : i32
        %get3A_396 = arith.index_cast %add3A_395 : i32 to index
        %get3A_397 = tpu.vector_load %arg12[%get3A_396] {strides = array<i32>} : memref<40192xf32, #tpu.memory_space<vmem>>, vector<16xf32>,
        %max3A_398 = arith.maximumf %get3A_397, %while3A_357 : vector<16xf32>
        %add3A_399 = arith.constant 48 : i32
        %add3A_400 = arith.addi %mul3A_366, %add3A_399 : i32
        %swap3A_401 = arith.index_cast %add3A_400 : i32 to index
        %swap3A_402 = tpu.vector_load %arg12[%swap3A_401] {strides = array<i32>} : memref<40192xf32, #tpu.memory_space<vmem>>, vector<16xf32>,
        tpu.vector_store %arg12[%swap3A_401], %max3A_398 {strides = array<i32>} : memref<40192xf32, #tpu.memory_space<vmem>>, vector<16xf32>,
        %add3A_403 = arith.constant 64 : i32
        %add3A_404 = arith.addi %mul3A_366, %add3A_403 : i32
        %get3A_405 = arith.index_cast %add3A_404 : i32 to index
        %get3A_406 = tpu.vector_load %arg12[%get3A_405] {strides = array<i32>} : memref<40192xf32, #tpu.memory_space<vmem>>, vector<16xf32>,
        %max3A_407 = arith.maximumf %get3A_406, %while3A_358 : vector<16xf32>
        %add3A_408 = arith.constant 64 : i32
        %add3A_409 = arith.addi %mul3A_366, %add3A_408 : i32
        %swap3A_410 = arith.index_cast %add3A_409 : i32 to index
        %swap3A_411 = tpu.vector_load %arg12[%swap3A_410] {strides = array<i32>} : memref<40192xf32, #tpu.memory_space<vmem>>, vector<16xf32>,
        tpu.vector_store %arg12[%swap3A_410], %max3A_407 {strides = array<i32>} : memref<40192xf32, #tpu.memory_space<vmem>>, vector<16xf32>,
        %add3A_412 = arith.constant 80 : i32
        %add3A_413 = arith.addi %mul3A_366, %add3A_412 : i32
        %get3A_414 = arith.index_cast %add3A_413 : i32 to index
        %get3A_415 = tpu.vector_load %arg12[%get3A_414] {strides = array<i32>} : memref<40192xf32, #tpu.memory_space<vmem>>, vector<16xf32>,
        %max3A_416 = arith.maximumf %get3A_415, %while3A_359 : vector<16xf32>
        %add3A_417 = arith.constant 80 : i32
        %add3A_418 = arith.addi %mul3A_366, %add3A_417 : i32
        %swap3A_419 = arith.index_cast %add3A_418 : i32 to index
        %swap3A_420 = tpu.vector_load %arg12[%swap3A_419] {strides = array<i32>} : memref<40192xf32, #tpu.memory_space<vmem>>, vector<16xf32>,
        tpu.vector_store %arg12[%swap3A_419], %max3A_416 {strides = array<i32>} : memref<40192xf32, #tpu.memory_space<vmem>>, vector<16xf32>,
        %add3A_421 = arith.constant 96 : i32
        %add3A_422 = arith.addi %mul3A_366, %add3A_421 : i32
        %get3A_423 = arith.index_cast %add3A_422 : i32 to index
        %get3A_424 = tpu.vector_load %arg12[%get3A_423] {strides = array<i32>} : memref<40192xf32, #tpu.memory_space<vmem>>, vector<16xf32>,
        %max3A_425 = arith.maximumf %get3A_424, %while3A_360 : vector<16xf32>
        %add3A_426 = arith.constant 96 : i32
        %add3A_427 = arith.addi %mul3A_366, %add3A_426 : i32
        %swap3A_428 = arith.index_cast %add3A_427 : i32 to index
        %swap3A_429 = tpu.vector_load %arg12[%swap3A_428] {strides = array<i32>} : memref<40192xf32, #tpu.memory_space<vmem>>, vector<16xf32>,
        tpu.vector_store %arg12[%swap3A_428], %max3A_425 {strides = array<i32>} : memref<40192xf32, #tpu.memory_space<vmem>>, vector<16xf32>,
        %add3A_430 = arith.constant 112 : i32
        %add3A_431 = arith.addi %mul3A_366, %add3A_430 : i32
        %get3A_432 = arith.index_cast %add3A_431 : i32 to index
        %get3A_433 = tpu.vector_load %arg12[%get3A_432] {strides = array<i32>} : memref<40192xf32, #tpu.memory_space<vmem>>, vector<16xf32>,
        %max3A_434 = arith.maximumf %get3A_433, %while3A_361 : vector<16xf32>
        %add3A_435 = arith.constant 112 : i32
        %add3A_436 = arith.addi %mul3A_366, %add3A_435 : i32
        %swap3A_437 = arith.index_cast %add3A_436 : i32 to index
        %swap3A_438 = tpu.vector_load %arg12[%swap3A_437] {strides = array<i32>} : memref<40192xf32, #tpu.memory_space<vmem>>, vector<16xf32>,
        tpu.vector_store %arg12[%swap3A_437], %max3A_434 {strides = array<i32>} : memref<40192xf32, #tpu.memory_space<vmem>>, vector<16xf32>,
        %add3A_439 = arith.constant 8 : i32
        %add3A_440 = arith.addi %add3A_439, %while3A_352 : i32
        %get3A_441 = arith.index_cast %add3A_440 : i32 to index
        %get3A_442 = tpu.vector_load %arg9[%get3A_441] {strides = array<i32>} : memref<280xi32, #tpu.memory_space<vmem>>, vector<16xi32>,
        %slice3A_443 = vector.extract_strided_slice %get3A_442 {offsets = [0], sizes = [1], strides = [1]} : vector<16xi32> to vector<1xi32>
        %squeeze3A_444 = vector.extract %slice3A_443[0] : i32 from vector<1xi32>
        %lt3A_445 = arith.cmpi slt, %while3A_351, %scan3A_255 : i32
        %get3A_446 = arith.index_cast %while3A_351 : i32 to index
        %get3A_447 = tpu.vector_load %arg11[%get3A_446] {strides = array<i32>} : memref<272xi32, #tpu.memory_space<vmem>>, vector<16xi32>,
        %slice3A_448 = vector.extract_strided_slice %get3A_447 {offsets = [0], sizes = [1], strides = [1]} : vector<16xi32> to vector<1xi32>
        %squeeze3A_449 = vector.extract %slice3A_448[0] : i32 from vector<1xi32>
        %jit3A_450 = arith.constant 256 : i32
        %select_n3A_451 = arith.select %lt3A_445, %squeeze3A_449, %jit3A_450 : i32
        %while3A_452 = arith.subi %select_n3A_451, %while3A_352 : i32
        %while3A_453 = arith.addi %while3A_352, %while3A_452 : i32
        %while3A_454 = arith.constant 1 : i32
        %while3A_455 = arith.divsi %while3A_452, %while3A_454 : i32
        %while3A_456 = arith.muli %while3A_455, %while3A_454 : i32
        %while3A_457 = arith.addi %while3A_352, %while3A_456 : i32
        %while3A_458 = arith.constant 1 : i32
        %while3A_459:8 = scf.for %while3A_462 = %while3A_352 to %while3A_457 step %while3A_458 iter_args(%while3A_463 = %broadcast_in_dim3A_3, %while3A_464 = %broadcast_in_dim3A_3, %while3A_465 = %broadcast_in_dim3A_3, %while3A_466 = %broadcast_in_dim3A_3, %while3A_467 = %broadcast_in_dim3A_3, %while3A_468 = %broadcast_in_dim3A_3, %while3A_469 = %broadcast_in_dim3A_3, %while3A_470 = %broadcast_in_dim3A_3) -> (vector<16xf32>, vector<16xf32>, vector<16xf32>, vector<16xf32>, vector<16xf32>, vector<16xf32>, vector<16xf32>, vector<16xf32>)  : i32 {
          %mul3A_471 = arith.constant 128 : i32
          %mul3A_472 = arith.muli %while3A_462, %mul3A_471 : i32
          %add3A_473 = arith.constant 0 : i32
          %add3A_474 = arith.addi %mul3A_472, %add3A_473 : i32
          %get3A_475 = arith.index_cast %add3A_474 : i32 to index
          %get3A_476 = tpu.vector_load %arg7[%get3A_475] {strides = array<i32>} : memref<32768xf32, #tpu.memory_space<vmem>>, vector<16xf32>,
          %max3A_477 = arith.maximumf %while3A_463, %get3A_476 : vector<16xf32>
          %mul3A_478 = arith.constant 128 : i32
          %mul3A_479 = arith.muli %while3A_462, %mul3A_478 : i32
          %add3A_480 = arith.constant 16 : i32
          %add3A_481 = arith.addi %mul3A_479, %add3A_480 : i32
          %get3A_482 = arith.index_cast %add3A_481 : i32 to index
          %get3A_483 = tpu.vector_load %arg7[%get3A_482] {strides = array<i32>} : memref<32768xf32, #tpu.memory_space<vmem>>, vector<16xf32>,
          %max3A_484 = arith.maximumf %while3A_464, %get3A_483 : vector<16xf32>
          %mul3A_485 = arith.constant 128 : i32
          %mul3A_486 = arith.muli %while3A_462, %mul3A_485 : i32
          %add3A_487 = arith.constant 32 : i32
          %add3A_488 = arith.addi %mul3A_486, %add3A_487 : i32
          %get3A_489 = arith.index_cast %add3A_488 : i32 to index
          %get3A_490 = tpu.vector_load %arg7[%get3A_489] {strides = array<i32>} : memref<32768xf32, #tpu.memory_space<vmem>>, vector<16xf32>,
          %max3A_491 = arith.maximumf %while3A_465, %get3A_490 : vector<16xf32>
          %mul3A_492 = arith.constant 128 : i32
          %mul3A_493 = arith.muli %while3A_462, %mul3A_492 : i32
          %add3A_494 = arith.constant 48 : i32
          %add3A_495 = arith.addi %mul3A_493, %add3A_494 : i32
          %get3A_496 = arith.index_cast %add3A_495 : i32 to index
          %get3A_497 = tpu.vector_load %arg7[%get3A_496] {strides = array<i32>} : memref<32768xf32, #tpu.memory_space<vmem>>, vector<16xf32>,
          %max3A_498 = arith.maximumf %while3A_466, %get3A_497 : vector<16xf32>
          %mul3A_499 = arith.constant 128 : i32
          %mul3A_500 = arith.muli %while3A_462, %mul3A_499 : i32
          %add3A_501 = arith.constant 64 : i32
          %add3A_502 = arith.addi %mul3A_500, %add3A_501 : i32
          %get3A_503 = arith.index_cast %add3A_502 : i32 to index
          %get3A_504 = tpu.vector_load %arg7[%get3A_503] {strides = array<i32>} : memref<32768xf32, #tpu.memory_space<vmem>>, vector<16xf32>,
          %max3A_505 = arith.maximumf %while3A_467, %get3A_504 : vector<16xf32>
          %mul3A_506 = arith.constant 128 : i32
          %mul3A_507 = arith.muli %while3A_462, %mul3A_506 : i32
          %add3A_508 = arith.constant 80 : i32
          %add3A_509 = arith.addi %mul3A_507, %add3A_508 : i32
          %get3A_510 = arith.index_cast %add3A_509 : i32 to index
          %get3A_511 = tpu.vector_load %arg7[%get3A_510] {strides = array<i32>} : memref<32768xf32, #tpu.memory_space<vmem>>, vector<16xf32>,
          %max3A_512 = arith.maximumf %while3A_468, %get3A_511 : vector<16xf32>
          %mul3A_513 = arith.constant 128 : i32
          %mul3A_514 = arith.muli %while3A_462, %mul3A_513 : i32
          %add3A_515 = arith.constant 96 : i32
          %add3A_516 = arith.addi %mul3A_514, %add3A_515 : i32
          %get3A_517 = arith.index_cast %add3A_516 : i32 to index
          %get3A_518 = tpu.vector_load %arg7[%get3A_517] {strides = array<i32>} : memref<32768xf32, #tpu.memory_space<vmem>>, vector<16xf32>,
          %max3A_519 = arith.maximumf %while3A_469, %get3A_518 : vector<16xf32>
          %mul3A_520 = arith.constant 128 : i32
          %mul3A_521 = arith.muli %while3A_462, %mul3A_520 : i32
          %add3A_522 = arith.constant 112 : i32
          %add3A_523 = arith.addi %mul3A_521, %add3A_522 : i32
          %get3A_524 = arith.index_cast %add3A_523 : i32 to index
          %get3A_525 = tpu.vector_load %arg7[%get3A_524] {strides = array<i32>} : memref<32768xf32, #tpu.memory_space<vmem>>, vector<16xf32>,
          %max3A_526 = arith.maximumf %while3A_470, %get3A_525 : vector<16xf32>
          scf.yield %max3A_477, %max3A_484, %max3A_491, %max3A_498, %max3A_505, %max3A_512, %max3A_519, %max3A_526 : vector<16xf32>, vector<16xf32>, vector<16xf32>, vector<16xf32>, vector<16xf32>, vector<16xf32>, vector<16xf32>, vector<16xf32>
        }
        %while3A_460 = arith.constant 1 : i32
        %while3A_461:8 = scf.for %while3A_462 = %while3A_457 to %while3A_453 step %while3A_460 iter_args(%while3A_463 = %while3A_459#0, %while3A_464 = %while3A_459#1, %while3A_465 = %while3A_459#2, %while3A_466 = %while3A_459#3, %while3A_467 = %while3A_459#4, %while3A_468 = %while3A_459#5, %while3A_469 = %while3A_459#6, %while3A_470 = %while3A_459#7) -> (vector<16xf32>, vector<16xf32>, vector<16xf32>, vector<16xf32>, vector<16xf32>, vector<16xf32>, vector<16xf32>, vector<16xf32>)  : i32 {
          %mul3A_471 = arith.constant 128 : i32
          %mul3A_472 = arith.muli %while3A_462, %mul3A_471 : i32
          %add3A_473 = arith.constant 0 : i32
          %add3A_474 = arith.addi %mul3A_472, %add3A_473 : i32
          %get3A_475 = arith.index_cast %add3A_474 : i32 to index
          %get3A_476 = tpu.vector_load %arg7[%get3A_475] {strides = array<i32>} : memref<32768xf32, #tpu.memory_space<vmem>>, vector<16xf32>,
          %max3A_477 = arith.maximumf %while3A_463, %get3A_476 : vector<16xf32>
          %mul3A_478 = arith.constant 128 : i32
          %mul3A_479 = arith.muli %while3A_462, %mul3A_478 : i32
          %add3A_480 = arith.constant 16 : i32
          %add3A_481 = arith.addi %mul3A_479, %add3A_480 : i32
          %get3A_482 = arith.index_cast %add3A_481 : i32 to index
          %get3A_483 = tpu.vector_load %arg7[%get3A_482] {strides = array<i32>} : memref<32768xf32, #tpu.memory_space<vmem>>, vector<16xf32>,
          %max3A_484 = arith.maximumf %while3A_464, %get3A_483 : vector<16xf32>
          %mul3A_485 = arith.constant 128 : i32
          %mul3A_486 = arith.muli %while3A_462, %mul3A_485 : i32
          %add3A_487 = arith.constant 32 : i32
          %add3A_488 = arith.addi %mul3A_486, %add3A_487 : i32
          %get3A_489 = arith.index_cast %add3A_488 : i32 to index
          %get3A_490 = tpu.vector_load %arg7[%get3A_489] {strides = array<i32>} : memref<32768xf32, #tpu.memory_space<vmem>>, vector<16xf32>,
          %max3A_491 = arith.maximumf %while3A_465, %get3A_490 : vector<16xf32>
          %mul3A_492 = arith.constant 128 : i32
          %mul3A_493 = arith.muli %while3A_462, %mul3A_492 : i32
          %add3A_494 = arith.constant 48 : i32
          %add3A_495 = arith.addi %mul3A_493, %add3A_494 : i32
          %get3A_496 = arith.index_cast %add3A_495 : i32 to index
          %get3A_497 = tpu.vector_load %arg7[%get3A_496] {strides = array<i32>} : memref<32768xf32, #tpu.memory_space<vmem>>, vector<16xf32>,
          %max3A_498 = arith.maximumf %while3A_466, %get3A_497 : vector<16xf32>
          %mul3A_499 = arith.constant 128 : i32
          %mul3A_500 = arith.muli %while3A_462, %mul3A_499 : i32
          %add3A_501 = arith.constant 64 : i32
          %add3A_502 = arith.addi %mul3A_500, %add3A_501 : i32
          %get3A_503 = arith.index_cast %add3A_502 : i32 to index
          %get3A_504 = tpu.vector_load %arg7[%get3A_503] {strides = array<i32>} : memref<32768xf32, #tpu.memory_space<vmem>>, vector<16xf32>,
          %max3A_505 = arith.maximumf %while3A_467, %get3A_504 : vector<16xf32>
          %mul3A_506 = arith.constant 128 : i32
          %mul3A_507 = arith.muli %while3A_462, %mul3A_506 : i32
          %add3A_508 = arith.constant 80 : i32
          %add3A_509 = arith.addi %mul3A_507, %add3A_508 : i32
          %get3A_510 = arith.index_cast %add3A_509 : i32 to index
          %get3A_511 = tpu.vector_load %arg7[%get3A_510] {strides = array<i32>} : memref<32768xf32, #tpu.memory_space<vmem>>, vector<16xf32>,
          %max3A_512 = arith.maximumf %while3A_468, %get3A_511 : vector<16xf32>
          %mul3A_513 = arith.constant 128 : i32
          %mul3A_514 = arith.muli %while3A_462, %mul3A_513 : i32
          %add3A_515 = arith.constant 96 : i32
          %add3A_516 = arith.addi %mul3A_514, %add3A_515 : i32
          %get3A_517 = arith.index_cast %add3A_516 : i32 to index
          %get3A_518 = tpu.vector_load %arg7[%get3A_517] {strides = array<i32>} : memref<32768xf32, #tpu.memory_space<vmem>>, vector<16xf32>,
          %max3A_519 = arith.maximumf %while3A_469, %get3A_518 : vector<16xf32>
          %mul3A_520 = arith.constant 128 : i32
          %mul3A_521 = arith.muli %while3A_462, %mul3A_520 : i32
          %add3A_522 = arith.constant 112 : i32
          %add3A_523 = arith.addi %mul3A_521, %add3A_522 : i32
          %get3A_524 = arith.index_cast %add3A_523 : i32 to index
          %get3A_525 = tpu.vector_load %arg7[%get3A_524] {strides = array<i32>} : memref<32768xf32, #tpu.memory_space<vmem>>, vector<16xf32>,
          %max3A_526 = arith.maximumf %while3A_470, %get3A_525 : vector<16xf32>
          scf.yield %max3A_477, %max3A_484, %max3A_491, %max3A_498, %max3A_505, %max3A_512, %max3A_519, %max3A_526 : vector<16xf32>, vector<16xf32>, vector<16xf32>, vector<16xf32>, vector<16xf32>, vector<16xf32>, vector<16xf32>, vector<16xf32>
        }
        scf.yield %select_n3A_451, %squeeze3A_444, %while3A_461#0, %while3A_461#1, %while3A_461#2, %while3A_461#3, %while3A_461#4, %while3A_461#5, %while3A_461#6, %while3A_461#7 : i32, i32, vector<16xf32>, vector<16xf32>, vector<16xf32>, vector<16xf32>, vector<16xf32>, vector<16xf32>, vector<16xf32>, vector<16xf32>
      }
      %add3A_271 = arith.constant 2 : i32
      %add3A_272 = arith.addi %add3A_232, %add3A_271 : i32
      %mul3A_273 = arith.constant 256 : i32
      %mul3A_274 = arith.muli %add3A_272, %mul3A_273 : i32
      %add3A_275 = arith.addi %and3A_12, %mul3A_274 : i32
      %min3A_276 = arith.constant 319744 : i32
      %min3A_277 = arith.minsi %add3A_275, %min3A_276 : i32
      %multiple_of3A_278 = tpu.assume_multiple %min3A_277, 8 : i32
      %mul3A_279 = arith.constant 128 : i32
      %mul3A_280 = arith.muli %multiple_of3A_278, %mul3A_279 : i32
      %multiple_of3A_281 = tpu.assume_multiple %mul3A_280, 8 : i32
      %dma_start3A_282 = tpu.memref_slice %arg2[%multiple_of3A_281] : memref<40960000xf32, #tpu.memory_space<hbm>> -> memref<32768xf32, #tpu.memory_space<hbm>>
      %dma_start3A_283 = tpu.memref_slice %arg2[%multiple_of3A_281] : memref<40960000xf32, #tpu.memory_space<hbm>> -> memref<32768xf32, #tpu.memory_space<hbm>>
      tpu.enqueue_dma source(%dma_start3A_283 : memref<32768xf32, #tpu.memory_space<hbm>>) target(%arg7 : memref<32768xf32, #tpu.memory_space<vmem>>) target_semaphore(%arg13 : memref<!tpu.dma_semaphore, #tpu.memory_space<semaphore_mem>>)
      %dma_start3A_284 = arith.constant 8 : i32
      %dma_start3A_285 = tpu.memref_slice %arg9[%dma_start3A_284] : memref<280xi32, #tpu.memory_space<vmem>> -> memref<256xi32, #tpu.memory_space<vmem>>
      %dma_start3A_286 = tpu.memref_slice %arg3[%multiple_of3A_278] : memref<320000xi32, #tpu.memory_space<hbm>> -> memref<256xi32, #tpu.memory_space<hbm>>
      %dma_start3A_287 = arith.constant 8 : i32
      %dma_start3A_288 = tpu.memref_slice %arg9[%dma_start3A_287] : memref<280xi32, #tpu.memory_space<vmem>> -> memref<256xi32, #tpu.memory_space<vmem>>
      %dma_start3A_289 = tpu.memref_slice %arg3[%multiple_of3A_278] : memref<320000xi32, #tpu.memory_space<hbm>> -> memref<256xi32, #tpu.memory_space<hbm>>
      tpu.enqueue_dma source(%dma_start3A_289 : memref<256xi32, #tpu.memory_space<hbm>>) target(%dma_start3A_288 : memref<256xi32, #tpu.memory_space<vmem>>) target_semaphore(%arg15 : memref<!tpu.dma_semaphore, #tpu.memory_space<semaphore_mem>>)
      %mul3A_290 = arith.constant 2 : i32
      %mul3A_291 = arith.muli %mul3A_290, %while3A_219 : i32
      %add3A_292 = arith.constant 1 : i32
      %add3A_293 = arith.addi %mul3A_291, %add3A_292 : i32
      %mul3A_294 = arith.constant 256 : i32
      %mul3A_295 = arith.muli %add3A_293, %mul3A_294 : i32
      %add3A_296 = arith.addi %and3A_12, %mul3A_295 : i32
      %min3A_297 = arith.constant 319744 : i32
      %min3A_298 = arith.minsi %add3A_296, %min3A_297 : i32
      %multiple_of3A_299 = tpu.assume_multiple %min3A_298, 8 : i32
      %mul3A_300 = arith.constant 128 : i32
      %mul3A_301 = arith.muli %multiple_of3A_299, %mul3A_300 : i32
      %multiple_of3A_302 = tpu.assume_multiple %mul3A_301, 8 : i32
      %dma_wait3A_303 = tpu.memref_slice %arg2[%multiple_of3A_302] : memref<40960000xf32, #tpu.memory_space<hbm>> -> memref<32768xf32, #tpu.memory_space<hbm>>
      %dma_wait3A_304 = tpu.memref_slice %arg2[%multiple_of3A_302] : memref<40960000xf32, #tpu.memory_space<hbm>> -> memref<32768xf32, #tpu.memory_space<hbm>>
      tpu.wait_dma2 semaphore(%arg14 : memref<!tpu.dma_semaphore, #tpu.memory_space<semaphore_mem>>) src(%dma_wait3A_304 : memref<32768xf32, #tpu.memory_space<hbm>>) dst(%arg8 : memref<32768xf32, #tpu.memory_space<vmem>>)
      %dma_wait3A_305 = arith.constant 8 : i32
      %dma_wait3A_306 = tpu.memref_slice %arg10[%dma_wait3A_305] : memref<280xi32, #tpu.memory_space<vmem>> -> memref<256xi32, #tpu.memory_space<vmem>>
      %dma_wait3A_307 = tpu.memref_slice %arg3[%multiple_of3A_299] : memref<320000xi32, #tpu.memory_space<hbm>> -> memref<256xi32, #tpu.memory_space<hbm>>
      %dma_wait3A_308 = arith.constant 8 : i32
      %dma_wait3A_309 = tpu.memref_slice %arg10[%dma_wait3A_308] : memref<280xi32, #tpu.memory_space<vmem>> -> memref<256xi32, #tpu.memory_space<vmem>>
      %dma_wait3A_310 = tpu.memref_slice %arg3[%multiple_of3A_299] : memref<320000xi32, #tpu.memory_space<hbm>> -> memref<256xi32, #tpu.memory_space<hbm>>
      tpu.wait_dma2 semaphore(%arg16 : memref<!tpu.dma_semaphore, #tpu.memory_space<semaphore_mem>>) src(%dma_wait3A_310 : memref<256xi32, #tpu.memory_space<hbm>>) dst(%dma_wait3A_309 : memref<256xi32, #tpu.memory_space<vmem>>)
      %scan3A_311 = arith.constant 0 : i32
      %scan3A_312 = arith.constant 0 : i32
      %scan3A_313 = arith.constant 16 : i32
      %scan3A_314 = arith.addi %scan3A_312, %scan3A_313 : i32
      %scan3A_315 = arith.constant 1 : i32
      %scan3A_316 = scf.for %scan3A_351 = %scan3A_312 to %scan3A_314 step %scan3A_315 iter_args(%scan3A_352 = %scan3A_311) -> (i32)  : i32 {
        %mul3A_353 = arith.constant 16 : i32
        %mul3A_354 = arith.muli %scan3A_351, %mul3A_353 : i32
        %add3A_355 = arith.constant 8 : i32
        %add3A_356 = arith.addi %add3A_355, %mul3A_354 : i32
        %get3A_357 = arith.index_cast %add3A_356 : i32 to index
        %get3A_358 = tpu.vector_load %arg10[%get3A_357] {strides = array<i32>} : memref<280xi32, #tpu.memory_space<vmem>>, vector<16xi32>,
        %mul3A_359 = arith.constant 16 : i32
        %mul3A_360 = arith.muli %scan3A_351, %mul3A_359 : i32
        %add3A_361 = arith.constant 7 : i32
        %add3A_362 = arith.addi %add3A_361, %mul3A_360 : i32
        %get3A_363 = arith.index_cast %add3A_362 : i32 to index
        %get3A_364 = tpu.vector_load %arg10[%get3A_363] {strides = array<i32>} : memref<280xi32, #tpu.memory_space<vmem>>, vector<16xi32>,
        %ne3A_365 = arith.cmpi ne, %get3A_358, %get3A_364 : vector<16xi32>
        %mul3A_366 = arith.constant 16 : i32
        %mul3A_367 = arith.muli %scan3A_351, %mul3A_366 : i32
        %add3A_368 = vector.broadcast %mul3A_367 : i32 to vector<16xi32>
        %add3A_369 = arith.addi %iota3A, %add3A_368 : vector<16xi32>
        %swap3A_370 = arith.index_cast %scan3A_352 : i32 to index
        %swap3A_371 = tpu.vector_load %arg11[%swap3A_370] masked %ne3A_365 {strides = array<i32>} : memref<272xi32, #tpu.memory_space<vmem>>, vector<16xi32>, vector<16xi1>
        tpu.vector_store %arg11[%swap3A_370], %add3A_369 masked %ne3A_365 {strides = array<i32>} : memref<272xi32, #tpu.memory_space<vmem>>, vector<16xi32>, vector<16xi1>
        %all_reduce_population_count3A = tpu.all_reduce %ne3A_365 {dim = 0 : i64, kind = #tpu.reduction_kind<sum>} : vector<16xi1> -> vector<16xi32>
        %slice3A_372 = vector.extract_strided_slice %all_reduce_population_count3A {offsets = [0], sizes = [1], strides = [1]} : vector<16xi32> to vector<1xi32>
        %squeeze3A_373 = vector.extract %slice3A_372[0] : i32 from vector<1xi32>
        %add3A_374 = arith.addi %scan3A_352, %squeeze3A_373 : i32
        scf.yield %add3A_374 : i32
      }
      %scan3A_317 = arith.constant 16 : i32
      %add3A_318 = arith.constant 1 : i32
      %add3A_319 = arith.addi %scan3A_316, %add3A_318 : i32
      %while3A_320 = arith.constant 0 : i32
      %while3A_321 = arith.constant 0 : i32
      %while3A_322 = arith.subi %add3A_319, %while3A_320 : i32
      %while3A_323 = arith.addi %while3A_320, %while3A_322 : i32
      %while3A_324 = arith.constant 1 : i32
      %while3A_325 = arith.divsi %while3A_322, %while3A_324 : i32
      %while3A_326 = arith.muli %while3A_325, %while3A_324 : i32
      %while3A_327 = arith.addi %while3A_320, %while3A_326 : i32
      %while3A_328 = arith.constant 1 : i32
      %while3A_329:10 = scf.for %while3A_351 = %while3A_320 to %while3A_327 step %while3A_328 iter_args(%while3A_352 = %while3A_321, %while3A_353 = %while3A_270#1, %while3A_354 = %while3A_270#2, %while3A_355 = %while3A_270#3, %while3A_356 = %while3A_270#4, %while3A_357 = %while3A_270#5, %while3A_358 = %while3A_270#6, %while3A_359 = %while3A_270#7, %while3A_360 = %while3A_270#8, %while3A_361 = %while3A_270#9) -> (i32, i32, vector<16xf32>, vector<16xf32>, vector<16xf32>, vector<16xf32>, vector<16xf32>, vector<16xf32>, vector<16xf32>, vector<16xf32>)  : i32 {
        %sub3A_362 = arith.subi %while3A_353, %mul3A_2 : i32
        %min3A_363 = arith.constant 313 : i32
        %min3A_364 = arith.minui %sub3A_362, %min3A_363 : i32
        %mul3A_365 = arith.constant 128 : i32
        %mul3A_366 = arith.muli %min3A_364, %mul3A_365 : i32
        %add3A_367 = arith.constant 0 : i32
        %add3A_368 = arith.addi %mul3A_366, %add3A_367 : i32
        %get3A_369 = arith.index_cast %add3A_368 : i32 to index
        %get3A_370 = tpu.vector_load %arg12[%get3A_369] {strides = array<i32>} : memref<40192xf32, #tpu.memory_space<vmem>>, vector<16xf32>,
        %max3A_371 = arith.maximumf %get3A_370, %while3A_354 : vector<16xf32>
        %add3A_372 = arith.constant 0 : i32
        %add3A_373 = arith.addi %mul3A_366, %add3A_372 : i32
        %swap3A_374 = arith.index_cast %add3A_373 : i32 to index
        %swap3A_375 = tpu.vector_load %arg12[%swap3A_374] {strides = array<i32>} : memref<40192xf32, #tpu.memory_space<vmem>>, vector<16xf32>,
        tpu.vector_store %arg12[%swap3A_374], %max3A_371 {strides = array<i32>} : memref<40192xf32, #tpu.memory_space<vmem>>, vector<16xf32>,
        %add3A_376 = arith.constant 16 : i32
        %add3A_377 = arith.addi %mul3A_366, %add3A_376 : i32
        %get3A_378 = arith.index_cast %add3A_377 : i32 to index
        %get3A_379 = tpu.vector_load %arg12[%get3A_378] {strides = array<i32>} : memref<40192xf32, #tpu.memory_space<vmem>>, vector<16xf32>,
        %max3A_380 = arith.maximumf %get3A_379, %while3A_355 : vector<16xf32>
        %add3A_381 = arith.constant 16 : i32
        %add3A_382 = arith.addi %mul3A_366, %add3A_381 : i32
        %swap3A_383 = arith.index_cast %add3A_382 : i32 to index
        %swap3A_384 = tpu.vector_load %arg12[%swap3A_383] {strides = array<i32>} : memref<40192xf32, #tpu.memory_space<vmem>>, vector<16xf32>,
        tpu.vector_store %arg12[%swap3A_383], %max3A_380 {strides = array<i32>} : memref<40192xf32, #tpu.memory_space<vmem>>, vector<16xf32>,
        %add3A_385 = arith.constant 32 : i32
        %add3A_386 = arith.addi %mul3A_366, %add3A_385 : i32
        %get3A_387 = arith.index_cast %add3A_386 : i32 to index
        %get3A_388 = tpu.vector_load %arg12[%get3A_387] {strides = array<i32>} : memref<40192xf32, #tpu.memory_space<vmem>>, vector<16xf32>,
        %max3A_389 = arith.maximumf %get3A_388, %while3A_356 : vector<16xf32>
        %add3A_390 = arith.constant 32 : i32
        %add3A_391 = arith.addi %mul3A_366, %add3A_390 : i32
        %swap3A_392 = arith.index_cast %add3A_391 : i32 to index
        %swap3A_393 = tpu.vector_load %arg12[%swap3A_392] {strides = array<i32>} : memref<40192xf32, #tpu.memory_space<vmem>>, vector<16xf32>,
        tpu.vector_store %arg12[%swap3A_392], %max3A_389 {strides = array<i32>} : memref<40192xf32, #tpu.memory_space<vmem>>, vector<16xf32>,
        %add3A_394 = arith.constant 48 : i32
        %add3A_395 = arith.addi %mul3A_366, %add3A_394 : i32
        %get3A_396 = arith.index_cast %add3A_395 : i32 to index
        %get3A_397 = tpu.vector_load %arg12[%get3A_396] {strides = array<i32>} : memref<40192xf32, #tpu.memory_space<vmem>>, vector<16xf32>,
        %max3A_398 = arith.maximumf %get3A_397, %while3A_357 : vector<16xf32>
        %add3A_399 = arith.constant 48 : i32
        %add3A_400 = arith.addi %mul3A_366, %add3A_399 : i32
        %swap3A_401 = arith.index_cast %add3A_400 : i32 to index
        %swap3A_402 = tpu.vector_load %arg12[%swap3A_401] {strides = array<i32>} : memref<40192xf32, #tpu.memory_space<vmem>>, vector<16xf32>,
        tpu.vector_store %arg12[%swap3A_401], %max3A_398 {strides = array<i32>} : memref<40192xf32, #tpu.memory_space<vmem>>, vector<16xf32>,
        %add3A_403 = arith.constant 64 : i32
        %add3A_404 = arith.addi %mul3A_366, %add3A_403 : i32
        %get3A_405 = arith.index_cast %add3A_404 : i32 to index
        %get3A_406 = tpu.vector_load %arg12[%get3A_405] {strides = array<i32>} : memref<40192xf32, #tpu.memory_space<vmem>>, vector<16xf32>,
        %max3A_407 = arith.maximumf %get3A_406, %while3A_358 : vector<16xf32>
        %add3A_408 = arith.constant 64 : i32
        %add3A_409 = arith.addi %mul3A_366, %add3A_408 : i32
        %swap3A_410 = arith.index_cast %add3A_409 : i32 to index
        %swap3A_411 = tpu.vector_load %arg12[%swap3A_410] {strides = array<i32>} : memref<40192xf32, #tpu.memory_space<vmem>>, vector<16xf32>,
        tpu.vector_store %arg12[%swap3A_410], %max3A_407 {strides = array<i32>} : memref<40192xf32, #tpu.memory_space<vmem>>, vector<16xf32>,
        %add3A_412 = arith.constant 80 : i32
        %add3A_413 = arith.addi %mul3A_366, %add3A_412 : i32
        %get3A_414 = arith.index_cast %add3A_413 : i32 to index
        %get3A_415 = tpu.vector_load %arg12[%get3A_414] {strides = array<i32>} : memref<40192xf32, #tpu.memory_space<vmem>>, vector<16xf32>,
        %max3A_416 = arith.maximumf %get3A_415, %while3A_359 : vector<16xf32>
        %add3A_417 = arith.constant 80 : i32
        %add3A_418 = arith.addi %mul3A_366, %add3A_417 : i32
        %swap3A_419 = arith.index_cast %add3A_418 : i32 to index
        %swap3A_420 = tpu.vector_load %arg12[%swap3A_419] {strides = array<i32>} : memref<40192xf32, #tpu.memory_space<vmem>>, vector<16xf32>,
        tpu.vector_store %arg12[%swap3A_419], %max3A_416 {strides = array<i32>} : memref<40192xf32, #tpu.memory_space<vmem>>, vector<16xf32>,
        %add3A_421 = arith.constant 96 : i32
        %add3A_422 = arith.addi %mul3A_366, %add3A_421 : i32
        %get3A_423 = arith.index_cast %add3A_422 : i32 to index
        %get3A_424 = tpu.vector_load %arg12[%get3A_423] {strides = array<i32>} : memref<40192xf32, #tpu.memory_space<vmem>>, vector<16xf32>,
        %max3A_425 = arith.maximumf %get3A_424, %while3A_360 : vector<16xf32>
        %add3A_426 = arith.constant 96 : i32
        %add3A_427 = arith.addi %mul3A_366, %add3A_426 : i32
        %swap3A_428 = arith.index_cast %add3A_427 : i32 to index
        %swap3A_429 = tpu.vector_load %arg12[%swap3A_428] {strides = array<i32>} : memref<40192xf32, #tpu.memory_space<vmem>>, vector<16xf32>,
        tpu.vector_store %arg12[%swap3A_428], %max3A_425 {strides = array<i32>} : memref<40192xf32, #tpu.memory_space<vmem>>, vector<16xf32>,
        %add3A_430 = arith.constant 112 : i32
        %add3A_431 = arith.addi %mul3A_366, %add3A_430 : i32
        %get3A_432 = arith.index_cast %add3A_431 : i32 to index
        %get3A_433 = tpu.vector_load %arg12[%get3A_432] {strides = array<i32>} : memref<40192xf32, #tpu.memory_space<vmem>>, vector<16xf32>,
        %max3A_434 = arith.maximumf %get3A_433, %while3A_361 : vector<16xf32>
        %add3A_435 = arith.constant 112 : i32
        %add3A_436 = arith.addi %mul3A_366, %add3A_435 : i32
        %swap3A_437 = arith.index_cast %add3A_436 : i32 to index
        %swap3A_438 = tpu.vector_load %arg12[%swap3A_437] {strides = array<i32>} : memref<40192xf32, #tpu.memory_space<vmem>>, vector<16xf32>,
        tpu.vector_store %arg12[%swap3A_437], %max3A_434 {strides = array<i32>} : memref<40192xf32, #tpu.memory_space<vmem>>, vector<16xf32>,
        %add3A_439 = arith.constant 8 : i32
        %add3A_440 = arith.addi %add3A_439, %while3A_352 : i32
        %get3A_441 = arith.index_cast %add3A_440 : i32 to index
        %get3A_442 = tpu.vector_load %arg10[%get3A_441] {strides = array<i32>} : memref<280xi32, #tpu.memory_space<vmem>>, vector<16xi32>,
        %slice3A_443 = vector.extract_strided_slice %get3A_442 {offsets = [0], sizes = [1], strides = [1]} : vector<16xi32> to vector<1xi32>
        %squeeze3A_444 = vector.extract %slice3A_443[0] : i32 from vector<1xi32>
        %lt3A_445 = arith.cmpi slt, %while3A_351, %scan3A_316 : i32
        %get3A_446 = arith.index_cast %while3A_351 : i32 to index
        %get3A_447 = tpu.vector_load %arg11[%get3A_446] {strides = array<i32>} : memref<272xi32, #tpu.memory_space<vmem>>, vector<16xi32>,
        %slice3A_448 = vector.extract_strided_slice %get3A_447 {offsets = [0], sizes = [1], strides = [1]} : vector<16xi32> to vector<1xi32>
        %squeeze3A_449 = vector.extract %slice3A_448[0] : i32 from vector<1xi32>
        %jit3A_450 = arith.constant 256 : i32
        %select_n3A_451 = arith.select %lt3A_445, %squeeze3A_449, %jit3A_450 : i32
        %while3A_452 = arith.subi %select_n3A_451, %while3A_352 : i32
        %while3A_453 = arith.addi %while3A_352, %while3A_452 : i32
        %while3A_454 = arith.constant 1 : i32
        %while3A_455 = arith.divsi %while3A_452, %while3A_454 : i32
        %while3A_456 = arith.muli %while3A_455, %while3A_454 : i32
        %while3A_457 = arith.addi %while3A_352, %while3A_456 : i32
        %while3A_458 = arith.constant 1 : i32
        %while3A_459:8 = scf.for %while3A_462 = %while3A_352 to %while3A_457 step %while3A_458 iter_args(%while3A_463 = %broadcast_in_dim3A_3, %while3A_464 = %broadcast_in_dim3A_3, %while3A_465 = %broadcast_in_dim3A_3, %while3A_466 = %broadcast_in_dim3A_3, %while3A_467 = %broadcast_in_dim3A_3, %while3A_468 = %broadcast_in_dim3A_3, %while3A_469 = %broadcast_in_dim3A_3, %while3A_470 = %broadcast_in_dim3A_3) -> (vector<16xf32>, vector<16xf32>, vector<16xf32>, vector<16xf32>, vector<16xf32>, vector<16xf32>, vector<16xf32>, vector<16xf32>)  : i32 {
          %mul3A_471 = arith.constant 128 : i32
          %mul3A_472 = arith.muli %while3A_462, %mul3A_471 : i32
          %add3A_473 = arith.constant 0 : i32
          %add3A_474 = arith.addi %mul3A_472, %add3A_473 : i32
          %get3A_475 = arith.index_cast %add3A_474 : i32 to index
          %get3A_476 = tpu.vector_load %arg8[%get3A_475] {strides = array<i32>} : memref<32768xf32, #tpu.memory_space<vmem>>, vector<16xf32>,
          %max3A_477 = arith.maximumf %while3A_463, %get3A_476 : vector<16xf32>
          %mul3A_478 = arith.constant 128 : i32
          %mul3A_479 = arith.muli %while3A_462, %mul3A_478 : i32
          %add3A_480 = arith.constant 16 : i32
          %add3A_481 = arith.addi %mul3A_479, %add3A_480 : i32
          %get3A_482 = arith.index_cast %add3A_481 : i32 to index
          %get3A_483 = tpu.vector_load %arg8[%get3A_482] {strides = array<i32>} : memref<32768xf32, #tpu.memory_space<vmem>>, vector<16xf32>,
          %max3A_484 = arith.maximumf %while3A_464, %get3A_483 : vector<16xf32>
          %mul3A_485 = arith.constant 128 : i32
          %mul3A_486 = arith.muli %while3A_462, %mul3A_485 : i32
          %add3A_487 = arith.constant 32 : i32
          %add3A_488 = arith.addi %mul3A_486, %add3A_487 : i32
          %get3A_489 = arith.index_cast %add3A_488 : i32 to index
          %get3A_490 = tpu.vector_load %arg8[%get3A_489] {strides = array<i32>} : memref<32768xf32, #tpu.memory_space<vmem>>, vector<16xf32>,
          %max3A_491 = arith.maximumf %while3A_465, %get3A_490 : vector<16xf32>
          %mul3A_492 = arith.constant 128 : i32
          %mul3A_493 = arith.muli %while3A_462, %mul3A_492 : i32
          %add3A_494 = arith.constant 48 : i32
          %add3A_495 = arith.addi %mul3A_493, %add3A_494 : i32
          %get3A_496 = arith.index_cast %add3A_495 : i32 to index
          %get3A_497 = tpu.vector_load %arg8[%get3A_496] {strides = array<i32>} : memref<32768xf32, #tpu.memory_space<vmem>>, vector<16xf32>,
          %max3A_498 = arith.maximumf %while3A_466, %get3A_497 : vector<16xf32>
          %mul3A_499 = arith.constant 128 : i32
          %mul3A_500 = arith.muli %while3A_462, %mul3A_499 : i32
          %add3A_501 = arith.constant 64 : i32
          %add3A_502 = arith.addi %mul3A_500, %add3A_501 : i32
          %get3A_503 = arith.index_cast %add3A_502 : i32 to index
          %get3A_504 = tpu.vector_load %arg8[%get3A_503] {strides = array<i32>} : memref<32768xf32, #tpu.memory_space<vmem>>, vector<16xf32>,
          %max3A_505 = arith.maximumf %while3A_467, %get3A_504 : vector<16xf32>
          %mul3A_506 = arith.constant 128 : i32
          %mul3A_507 = arith.muli %while3A_462, %mul3A_506 : i32
          %add3A_508 = arith.constant 80 : i32
          %add3A_509 = arith.addi %mul3A_507, %add3A_508 : i32
          %get3A_510 = arith.index_cast %add3A_509 : i32 to index
          %get3A_511 = tpu.vector_load %arg8[%get3A_510] {strides = array<i32>} : memref<32768xf32, #tpu.memory_space<vmem>>, vector<16xf32>,
          %max3A_512 = arith.maximumf %while3A_468, %get3A_511 : vector<16xf32>
          %mul3A_513 = arith.constant 128 : i32
          %mul3A_514 = arith.muli %while3A_462, %mul3A_513 : i32
          %add3A_515 = arith.constant 96 : i32
          %add3A_516 = arith.addi %mul3A_514, %add3A_515 : i32
          %get3A_517 = arith.index_cast %add3A_516 : i32 to index
          %get3A_518 = tpu.vector_load %arg8[%get3A_517] {strides = array<i32>} : memref<32768xf32, #tpu.memory_space<vmem>>, vector<16xf32>,
          %max3A_519 = arith.maximumf %while3A_469, %get3A_518 : vector<16xf32>
          %mul3A_520 = arith.constant 128 : i32
          %mul3A_521 = arith.muli %while3A_462, %mul3A_520 : i32
          %add3A_522 = arith.constant 112 : i32
          %add3A_523 = arith.addi %mul3A_521, %add3A_522 : i32
          %get3A_524 = arith.index_cast %add3A_523 : i32 to index
          %get3A_525 = tpu.vector_load %arg8[%get3A_524] {strides = array<i32>} : memref<32768xf32, #tpu.memory_space<vmem>>, vector<16xf32>,
          %max3A_526 = arith.maximumf %while3A_470, %get3A_525 : vector<16xf32>
          scf.yield %max3A_477, %max3A_484, %max3A_491, %max3A_498, %max3A_505, %max3A_512, %max3A_519, %max3A_526 : vector<16xf32>, vector<16xf32>, vector<16xf32>, vector<16xf32>, vector<16xf32>, vector<16xf32>, vector<16xf32>, vector<16xf32>
        }
        %while3A_460 = arith.constant 1 : i32
        %while3A_461:8 = scf.for %while3A_462 = %while3A_457 to %while3A_453 step %while3A_460 iter_args(%while3A_463 = %while3A_459#0, %while3A_464 = %while3A_459#1, %while3A_465 = %while3A_459#2, %while3A_466 = %while3A_459#3, %while3A_467 = %while3A_459#4, %while3A_468 = %while3A_459#5, %while3A_469 = %while3A_459#6, %while3A_470 = %while3A_459#7) -> (vector<16xf32>, vector<16xf32>, vector<16xf32>, vector<16xf32>, vector<16xf32>, vector<16xf32>, vector<16xf32>, vector<16xf32>)  : i32 {
          %mul3A_471 = arith.constant 128 : i32
          %mul3A_472 = arith.muli %while3A_462, %mul3A_471 : i32
          %add3A_473 = arith.constant 0 : i32
          %add3A_474 = arith.addi %mul3A_472, %add3A_473 : i32
          %get3A_475 = arith.index_cast %add3A_474 : i32 to index
          %get3A_476 = tpu.vector_load %arg8[%get3A_475] {strides = array<i32>} : memref<32768xf32, #tpu.memory_space<vmem>>, vector<16xf32>,
          %max3A_477 = arith.maximumf %while3A_463, %get3A_476 : vector<16xf32>
          %mul3A_478 = arith.constant 128 : i32
          %mul3A_479 = arith.muli %while3A_462, %mul3A_478 : i32
          %add3A_480 = arith.constant 16 : i32
          %add3A_481 = arith.addi %mul3A_479, %add3A_480 : i32
          %get3A_482 = arith.index_cast %add3A_481 : i32 to index
          %get3A_483 = tpu.vector_load %arg8[%get3A_482] {strides = array<i32>} : memref<32768xf32, #tpu.memory_space<vmem>>, vector<16xf32>,
          %max3A_484 = arith.maximumf %while3A_464, %get3A_483 : vector<16xf32>
          %mul3A_485 = arith.constant 128 : i32
          %mul3A_486 = arith.muli %while3A_462, %mul3A_485 : i32
          %add3A_487 = arith.constant 32 : i32
          %add3A_488 = arith.addi %mul3A_486, %add3A_487 : i32
          %get3A_489 = arith.index_cast %add3A_488 : i32 to index
          %get3A_490 = tpu.vector_load %arg8[%get3A_489] {strides = array<i32>} : memref<32768xf32, #tpu.memory_space<vmem>>, vector<16xf32>,
          %max3A_491 = arith.maximumf %while3A_465, %get3A_490 : vector<16xf32>
          %mul3A_492 = arith.constant 128 : i32
          %mul3A_493 = arith.muli %while3A_462, %mul3A_492 : i32
          %add3A_494 = arith.constant 48 : i32
          %add3A_495 = arith.addi %mul3A_493, %add3A_494 : i32
          %get3A_496 = arith.index_cast %add3A_495 : i32 to index
          %get3A_497 = tpu.vector_load %arg8[%get3A_496] {strides = array<i32>} : memref<32768xf32, #tpu.memory_space<vmem>>, vector<16xf32>,
          %max3A_498 = arith.maximumf %while3A_466, %get3A_497 : vector<16xf32>
          %mul3A_499 = arith.constant 128 : i32
          %mul3A_500 = arith.muli %while3A_462, %mul3A_499 : i32
          %add3A_501 = arith.constant 64 : i32
          %add3A_502 = arith.addi %mul3A_500, %add3A_501 : i32
          %get3A_503 = arith.index_cast %add3A_502 : i32 to index
          %get3A_504 = tpu.vector_load %arg8[%get3A_503] {strides = array<i32>} : memref<32768xf32, #tpu.memory_space<vmem>>, vector<16xf32>,
          %max3A_505 = arith.maximumf %while3A_467, %get3A_504 : vector<16xf32>
          %mul3A_506 = arith.constant 128 : i32
          %mul3A_507 = arith.muli %while3A_462, %mul3A_506 : i32
          %add3A_508 = arith.constant 80 : i32
          %add3A_509 = arith.addi %mul3A_507, %add3A_508 : i32
          %get3A_510 = arith.index_cast %add3A_509 : i32 to index
          %get3A_511 = tpu.vector_load %arg8[%get3A_510] {strides = array<i32>} : memref<32768xf32, #tpu.memory_space<vmem>>, vector<16xf32>,
          %max3A_512 = arith.maximumf %while3A_468, %get3A_511 : vector<16xf32>
          %mul3A_513 = arith.constant 128 : i32
          %mul3A_514 = arith.muli %while3A_462, %mul3A_513 : i32
          %add3A_515 = arith.constant 96 : i32
          %add3A_516 = arith.addi %mul3A_514, %add3A_515 : i32
          %get3A_517 = arith.index_cast %add3A_516 : i32 to index
          %get3A_518 = tpu.vector_load %arg8[%get3A_517] {strides = array<i32>} : memref<32768xf32, #tpu.memory_space<vmem>>, vector<16xf32>,
          %max3A_519 = arith.maximumf %while3A_469, %get3A_518 : vector<16xf32>
          %mul3A_520 = arith.constant 128 : i32
          %mul3A_521 = arith.muli %while3A_462, %mul3A_520 : i32
          %add3A_522 = arith.constant 112 : i32
          %add3A_523 = arith.addi %mul3A_521, %add3A_522 : i32
          %get3A_524 = arith.index_cast %add3A_523 : i32 to index
          %get3A_525 = tpu.vector_load %arg8[%get3A_524] {strides = array<i32>} : memref<32768xf32, #tpu.memory_space<vmem>>, vector<16xf32>,
          %max3A_526 = arith.maximumf %while3A_470, %get3A_525 : vector<16xf32>
          scf.yield %max3A_477, %max3A_484, %max3A_491, %max3A_498, %max3A_505, %max3A_512, %max3A_519, %max3A_526 : vector<16xf32>, vector<16xf32>, vector<16xf32>, vector<16xf32>, vector<16xf32>, vector<16xf32>, vector<16xf32>, vector<16xf32>
        }
        scf.yield %select_n3A_451, %squeeze3A_444, %while3A_461#0, %while3A_461#1, %while3A_461#2, %while3A_461#3, %while3A_461#4, %while3A_461#5, %while3A_461#6, %while3A_461#7 : i32, i32, vector<16xf32>, vector<16xf32>, vector<16xf32>, vector<16xf32>, vector<16xf32>, vector<16xf32>, vector<16xf32>, vector<16xf32>
      }
      %while3A_330 = arith.constant 1 : i32
      %while3A_331:10 = scf.for %while3A_351 = %while3A_327 to %while3A_323 step %while3A_330 iter_args(%while3A_352 = %while3A_329#0, %while3A_353 = %while3A_329#1, %while3A_354 = %while3A_329#2, %while3A_355 = %while3A_329#3, %while3A_356 = %while3A_329#4, %while3A_357 = %while3A_329#5, %while3A_358 = %while3A_329#6, %while3A_359 = %while3A_329#7, %while3A_360 = %while3A_329#8, %while3A_361 = %while3A_329#9) -> (i32, i32, vector<16xf32>, vector<16xf32>, vector<16xf32>, vector<16xf32>, vector<16xf32>, vector<16xf32>, vector<16xf32>, vector<16xf32>)  : i32 {
        %sub3A_362 = arith.subi %while3A_353, %mul3A_2 : i32
        %min3A_363 = arith.constant 313 : i32
        %min3A_364 = arith.minui %sub3A_362, %min3A_363 : i32
        %mul3A_365 = arith.constant 128 : i32
        %mul3A_366 = arith.muli %min3A_364, %mul3A_365 : i32
        %add3A_367 = arith.constant 0 : i32
        %add3A_368 = arith.addi %mul3A_366, %add3A_367 : i32
        %get3A_369 = arith.index_cast %add3A_368 : i32 to index
        %get3A_370 = tpu.vector_load %arg12[%get3A_369] {strides = array<i32>} : memref<40192xf32, #tpu.memory_space<vmem>>, vector<16xf32>,
        %max3A_371 = arith.maximumf %get3A_370, %while3A_354 : vector<16xf32>
        %add3A_372 = arith.constant 0 : i32
        %add3A_373 = arith.addi %mul3A_366, %add3A_372 : i32
        %swap3A_374 = arith.index_cast %add3A_373 : i32 to index
        %swap3A_375 = tpu.vector_load %arg12[%swap3A_374] {strides = array<i32>} : memref<40192xf32, #tpu.memory_space<vmem>>, vector<16xf32>,
        tpu.vector_store %arg12[%swap3A_374], %max3A_371 {strides = array<i32>} : memref<40192xf32, #tpu.memory_space<vmem>>, vector<16xf32>,
        %add3A_376 = arith.constant 16 : i32
        %add3A_377 = arith.addi %mul3A_366, %add3A_376 : i32
        %get3A_378 = arith.index_cast %add3A_377 : i32 to index
        %get3A_379 = tpu.vector_load %arg12[%get3A_378] {strides = array<i32>} : memref<40192xf32, #tpu.memory_space<vmem>>, vector<16xf32>,
        %max3A_380 = arith.maximumf %get3A_379, %while3A_355 : vector<16xf32>
        %add3A_381 = arith.constant 16 : i32
        %add3A_382 = arith.addi %mul3A_366, %add3A_381 : i32
        %swap3A_383 = arith.index_cast %add3A_382 : i32 to index
        %swap3A_384 = tpu.vector_load %arg12[%swap3A_383] {strides = array<i32>} : memref<40192xf32, #tpu.memory_space<vmem>>, vector<16xf32>,
        tpu.vector_store %arg12[%swap3A_383], %max3A_380 {strides = array<i32>} : memref<40192xf32, #tpu.memory_space<vmem>>, vector<16xf32>,
        %add3A_385 = arith.constant 32 : i32
        %add3A_386 = arith.addi %mul3A_366, %add3A_385 : i32
        %get3A_387 = arith.index_cast %add3A_386 : i32 to index
        %get3A_388 = tpu.vector_load %arg12[%get3A_387] {strides = array<i32>} : memref<40192xf32, #tpu.memory_space<vmem>>, vector<16xf32>,
        %max3A_389 = arith.maximumf %get3A_388, %while3A_356 : vector<16xf32>
        %add3A_390 = arith.constant 32 : i32
        %add3A_391 = arith.addi %mul3A_366, %add3A_390 : i32
        %swap3A_392 = arith.index_cast %add3A_391 : i32 to index
        %swap3A_393 = tpu.vector_load %arg12[%swap3A_392] {strides = array<i32>} : memref<40192xf32, #tpu.memory_space<vmem>>, vector<16xf32>,
        tpu.vector_store %arg12[%swap3A_392], %max3A_389 {strides = array<i32>} : memref<40192xf32, #tpu.memory_space<vmem>>, vector<16xf32>,
        %add3A_394 = arith.constant 48 : i32
        %add3A_395 = arith.addi %mul3A_366, %add3A_394 : i32
        %get3A_396 = arith.index_cast %add3A_395 : i32 to index
        %get3A_397 = tpu.vector_load %arg12[%get3A_396] {strides = array<i32>} : memref<40192xf32, #tpu.memory_space<vmem>>, vector<16xf32>,
        %max3A_398 = arith.maximumf %get3A_397, %while3A_357 : vector<16xf32>
        %add3A_399 = arith.constant 48 : i32
        %add3A_400 = arith.addi %mul3A_366, %add3A_399 : i32
        %swap3A_401 = arith.index_cast %add3A_400 : i32 to index
        %swap3A_402 = tpu.vector_load %arg12[%swap3A_401] {strides = array<i32>} : memref<40192xf32, #tpu.memory_space<vmem>>, vector<16xf32>,
        tpu.vector_store %arg12[%swap3A_401], %max3A_398 {strides = array<i32>} : memref<40192xf32, #tpu.memory_space<vmem>>, vector<16xf32>,
        %add3A_403 = arith.constant 64 : i32
        %add3A_404 = arith.addi %mul3A_366, %add3A_403 : i32
        %get3A_405 = arith.index_cast %add3A_404 : i32 to index
        %get3A_406 = tpu.vector_load %arg12[%get3A_405] {strides = array<i32>} : memref<40192xf32, #tpu.memory_space<vmem>>, vector<16xf32>,
        %max3A_407 = arith.maximumf %get3A_406, %while3A_358 : vector<16xf32>
        %add3A_408 = arith.constant 64 : i32
        %add3A_409 = arith.addi %mul3A_366, %add3A_408 : i32
        %swap3A_410 = arith.index_cast %add3A_409 : i32 to index
        %swap3A_411 = tpu.vector_load %arg12[%swap3A_410] {strides = array<i32>} : memref<40192xf32, #tpu.memory_space<vmem>>, vector<16xf32>,
        tpu.vector_store %arg12[%swap3A_410], %max3A_407 {strides = array<i32>} : memref<40192xf32, #tpu.memory_space<vmem>>, vector<16xf32>,
        %add3A_412 = arith.constant 80 : i32
        %add3A_413 = arith.addi %mul3A_366, %add3A_412 : i32
        %get3A_414 = arith.index_cast %add3A_413 : i32 to index
        %get3A_415 = tpu.vector_load %arg12[%get3A_414] {strides = array<i32>} : memref<40192xf32, #tpu.memory_space<vmem>>, vector<16xf32>,
        %max3A_416 = arith.maximumf %get3A_415, %while3A_359 : vector<16xf32>
        %add3A_417 = arith.constant 80 : i32
        %add3A_418 = arith.addi %mul3A_366, %add3A_417 : i32
        %swap3A_419 = arith.index_cast %add3A_418 : i32 to index
        %swap3A_420 = tpu.vector_load %arg12[%swap3A_419] {strides = array<i32>} : memref<40192xf32, #tpu.memory_space<vmem>>, vector<16xf32>,
        tpu.vector_store %arg12[%swap3A_419], %max3A_416 {strides = array<i32>} : memref<40192xf32, #tpu.memory_space<vmem>>, vector<16xf32>,
        %add3A_421 = arith.constant 96 : i32
        %add3A_422 = arith.addi %mul3A_366, %add3A_421 : i32
        %get3A_423 = arith.index_cast %add3A_422 : i32 to index
        %get3A_424 = tpu.vector_load %arg12[%get3A_423] {strides = array<i32>} : memref<40192xf32, #tpu.memory_space<vmem>>, vector<16xf32>,
        %max3A_425 = arith.maximumf %get3A_424, %while3A_360 : vector<16xf32>
        %add3A_426 = arith.constant 96 : i32
        %add3A_427 = arith.addi %mul3A_366, %add3A_426 : i32
        %swap3A_428 = arith.index_cast %add3A_427 : i32 to index
        %swap3A_429 = tpu.vector_load %arg12[%swap3A_428] {strides = array<i32>} : memref<40192xf32, #tpu.memory_space<vmem>>, vector<16xf32>,
        tpu.vector_store %arg12[%swap3A_428], %max3A_425 {strides = array<i32>} : memref<40192xf32, #tpu.memory_space<vmem>>, vector<16xf32>,
        %add3A_430 = arith.constant 112 : i32
        %add3A_431 = arith.addi %mul3A_366, %add3A_430 : i32
        %get3A_432 = arith.index_cast %add3A_431 : i32 to index
        %get3A_433 = tpu.vector_load %arg12[%get3A_432] {strides = array<i32>} : memref<40192xf32, #tpu.memory_space<vmem>>, vector<16xf32>,
        %max3A_434 = arith.maximumf %get3A_433, %while3A_361 : vector<16xf32>
        %add3A_435 = arith.constant 112 : i32
        %add3A_436 = arith.addi %mul3A_366, %add3A_435 : i32
        %swap3A_437 = arith.index_cast %add3A_436 : i32 to index
        %swap3A_438 = tpu.vector_load %arg12[%swap3A_437] {strides = array<i32>} : memref<40192xf32, #tpu.memory_space<vmem>>, vector<16xf32>,
        tpu.vector_store %arg12[%swap3A_437], %max3A_434 {strides = array<i32>} : memref<40192xf32, #tpu.memory_space<vmem>>, vector<16xf32>,
        %add3A_439 = arith.constant 8 : i32
        %add3A_440 = arith.addi %add3A_439, %while3A_352 : i32
        %get3A_441 = arith.index_cast %add3A_440 : i32 to index
        %get3A_442 = tpu.vector_load %arg10[%get3A_441] {strides = array<i32>} : memref<280xi32, #tpu.memory_space<vmem>>, vector<16xi32>,
        %slice3A_443 = vector.extract_strided_slice %get3A_442 {offsets = [0], sizes = [1], strides = [1]} : vector<16xi32> to vector<1xi32>
        %squeeze3A_444 = vector.extract %slice3A_443[0] : i32 from vector<1xi32>
        %lt3A_445 = arith.cmpi slt, %while3A_351, %scan3A_316 : i32
        %get3A_446 = arith.index_cast %while3A_351 : i32 to index
        %get3A_447 = tpu.vector_load %arg11[%get3A_446] {strides = array<i32>} : memref<272xi32, #tpu.memory_space<vmem>>, vector<16xi32>,
        %slice3A_448 = vector.extract_strided_slice %get3A_447 {offsets = [0], sizes = [1], strides = [1]} : vector<16xi32> to vector<1xi32>
        %squeeze3A_449 = vector.extract %slice3A_448[0] : i32 from vector<1xi32>
        %jit3A_450 = arith.constant 256 : i32
        %select_n3A_451 = arith.select %lt3A_445, %squeeze3A_449, %jit3A_450 : i32
        %while3A_452 = arith.subi %select_n3A_451, %while3A_352 : i32
        %while3A_453 = arith.addi %while3A_352, %while3A_452 : i32
        %while3A_454 = arith.constant 1 : i32
        %while3A_455 = arith.divsi %while3A_452, %while3A_454 : i32
        %while3A_456 = arith.muli %while3A_455, %while3A_454 : i32
        %while3A_457 = arith.addi %while3A_352, %while3A_456 : i32
        %while3A_458 = arith.constant 1 : i32
        %while3A_459:8 = scf.for %while3A_462 = %while3A_352 to %while3A_457 step %while3A_458 iter_args(%while3A_463 = %broadcast_in_dim3A_3, %while3A_464 = %broadcast_in_dim3A_3, %while3A_465 = %broadcast_in_dim3A_3, %while3A_466 = %broadcast_in_dim3A_3, %while3A_467 = %broadcast_in_dim3A_3, %while3A_468 = %broadcast_in_dim3A_3, %while3A_469 = %broadcast_in_dim3A_3, %while3A_470 = %broadcast_in_dim3A_3) -> (vector<16xf32>, vector<16xf32>, vector<16xf32>, vector<16xf32>, vector<16xf32>, vector<16xf32>, vector<16xf32>, vector<16xf32>)  : i32 {
          %mul3A_471 = arith.constant 128 : i32
          %mul3A_472 = arith.muli %while3A_462, %mul3A_471 : i32
          %add3A_473 = arith.constant 0 : i32
          %add3A_474 = arith.addi %mul3A_472, %add3A_473 : i32
          %get3A_475 = arith.index_cast %add3A_474 : i32 to index
          %get3A_476 = tpu.vector_load %arg8[%get3A_475] {strides = array<i32>} : memref<32768xf32, #tpu.memory_space<vmem>>, vector<16xf32>,
          %max3A_477 = arith.maximumf %while3A_463, %get3A_476 : vector<16xf32>
          %mul3A_478 = arith.constant 128 : i32
          %mul3A_479 = arith.muli %while3A_462, %mul3A_478 : i32
          %add3A_480 = arith.constant 16 : i32
          %add3A_481 = arith.addi %mul3A_479, %add3A_480 : i32
          %get3A_482 = arith.index_cast %add3A_481 : i32 to index
          %get3A_483 = tpu.vector_load %arg8[%get3A_482] {strides = array<i32>} : memref<32768xf32, #tpu.memory_space<vmem>>, vector<16xf32>,
          %max3A_484 = arith.maximumf %while3A_464, %get3A_483 : vector<16xf32>
          %mul3A_485 = arith.constant 128 : i32
          %mul3A_486 = arith.muli %while3A_462, %mul3A_485 : i32
          %add3A_487 = arith.constant 32 : i32
          %add3A_488 = arith.addi %mul3A_486, %add3A_487 : i32
          %get3A_489 = arith.index_cast %add3A_488 : i32 to index
          %get3A_490 = tpu.vector_load %arg8[%get3A_489] {strides = array<i32>} : memref<32768xf32, #tpu.memory_space<vmem>>, vector<16xf32>,
          %max3A_491 = arith.maximumf %while3A_465, %get3A_490 : vector<16xf32>
          %mul3A_492 = arith.constant 128 : i32
          %mul3A_493 = arith.muli %while3A_462, %mul3A_492 : i32
          %add3A_494 = arith.constant 48 : i32
          %add3A_495 = arith.addi %mul3A_493, %add3A_494 : i32
          %get3A_496 = arith.index_cast %add3A_495 : i32 to index
          %get3A_497 = tpu.vector_load %arg8[%get3A_496] {strides = array<i32>} : memref<32768xf32, #tpu.memory_space<vmem>>, vector<16xf32>,
          %max3A_498 = arith.maximumf %while3A_466, %get3A_497 : vector<16xf32>
          %mul3A_499 = arith.constant 128 : i32
          %mul3A_500 = arith.muli %while3A_462, %mul3A_499 : i32
          %add3A_501 = arith.constant 64 : i32
          %add3A_502 = arith.addi %mul3A_500, %add3A_501 : i32
          %get3A_503 = arith.index_cast %add3A_502 : i32 to index
          %get3A_504 = tpu.vector_load %arg8[%get3A_503] {strides = array<i32>} : memref<32768xf32, #tpu.memory_space<vmem>>, vector<16xf32>,
          %max3A_505 = arith.maximumf %while3A_467, %get3A_504 : vector<16xf32>
          %mul3A_506 = arith.constant 128 : i32
          %mul3A_507 = arith.muli %while3A_462, %mul3A_506 : i32
          %add3A_508 = arith.constant 80 : i32
          %add3A_509 = arith.addi %mul3A_507, %add3A_508 : i32
          %get3A_510 = arith.index_cast %add3A_509 : i32 to index
          %get3A_511 = tpu.vector_load %arg8[%get3A_510] {strides = array<i32>} : memref<32768xf32, #tpu.memory_space<vmem>>, vector<16xf32>,
          %max3A_512 = arith.maximumf %while3A_468, %get3A_511 : vector<16xf32>
          %mul3A_513 = arith.constant 128 : i32
          %mul3A_514 = arith.muli %while3A_462, %mul3A_513 : i32
          %add3A_515 = arith.constant 96 : i32
          %add3A_516 = arith.addi %mul3A_514, %add3A_515 : i32
          %get3A_517 = arith.index_cast %add3A_516 : i32 to index
          %get3A_518 = tpu.vector_load %arg8[%get3A_517] {strides = array<i32>} : memref<32768xf32, #tpu.memory_space<vmem>>, vector<16xf32>,
          %max3A_519 = arith.maximumf %while3A_469, %get3A_518 : vector<16xf32>
          %mul3A_520 = arith.constant 128 : i32
          %mul3A_521 = arith.muli %while3A_462, %mul3A_520 : i32
          %add3A_522 = arith.constant 112 : i32
          %add3A_523 = arith.addi %mul3A_521, %add3A_522 : i32
          %get3A_524 = arith.index_cast %add3A_523 : i32 to index
          %get3A_525 = tpu.vector_load %arg8[%get3A_524] {strides = array<i32>} : memref<32768xf32, #tpu.memory_space<vmem>>, vector<16xf32>,
          %max3A_526 = arith.maximumf %while3A_470, %get3A_525 : vector<16xf32>
          scf.yield %max3A_477, %max3A_484, %max3A_491, %max3A_498, %max3A_505, %max3A_512, %max3A_519, %max3A_526 : vector<16xf32>, vector<16xf32>, vector<16xf32>, vector<16xf32>, vector<16xf32>, vector<16xf32>, vector<16xf32>, vector<16xf32>
        }
        %while3A_460 = arith.constant 1 : i32
        %while3A_461:8 = scf.for %while3A_462 = %while3A_457 to %while3A_453 step %while3A_460 iter_args(%while3A_463 = %while3A_459#0, %while3A_464 = %while3A_459#1, %while3A_465 = %while3A_459#2, %while3A_466 = %while3A_459#3, %while3A_467 = %while3A_459#4, %while3A_468 = %while3A_459#5, %while3A_469 = %while3A_459#6, %while3A_470 = %while3A_459#7) -> (vector<16xf32>, vector<16xf32>, vector<16xf32>, vector<16xf32>, vector<16xf32>, vector<16xf32>, vector<16xf32>, vector<16xf32>)  : i32 {
          %mul3A_471 = arith.constant 128 : i32
          %mul3A_472 = arith.muli %while3A_462, %mul3A_471 : i32
          %add3A_473 = arith.constant 0 : i32
          %add3A_474 = arith.addi %mul3A_472, %add3A_473 : i32
          %get3A_475 = arith.index_cast %add3A_474 : i32 to index
          %get3A_476 = tpu.vector_load %arg8[%get3A_475] {strides = array<i32>} : memref<32768xf32, #tpu.memory_space<vmem>>, vector<16xf32>,
          %max3A_477 = arith.maximumf %while3A_463, %get3A_476 : vector<16xf32>
          %mul3A_478 = arith.constant 128 : i32
          %mul3A_479 = arith.muli %while3A_462, %mul3A_478 : i32
          %add3A_480 = arith.constant 16 : i32
          %add3A_481 = arith.addi %mul3A_479, %add3A_480 : i32
          %get3A_482 = arith.index_cast %add3A_481 : i32 to index
          %get3A_483 = tpu.vector_load %arg8[%get3A_482] {strides = array<i32>} : memref<32768xf32, #tpu.memory_space<vmem>>, vector<16xf32>,
          %max3A_484 = arith.maximumf %while3A_464, %get3A_483 : vector<16xf32>
          %mul3A_485 = arith.constant 128 : i32
          %mul3A_486 = arith.muli %while3A_462, %mul3A_485 : i32
          %add3A_487 = arith.constant 32 : i32
          %add3A_488 = arith.addi %mul3A_486, %add3A_487 : i32
          %get3A_489 = arith.index_cast %add3A_488 : i32 to index
          %get3A_490 = tpu.vector_load %arg8[%get3A_489] {strides = array<i32>} : memref<32768xf32, #tpu.memory_space<vmem>>, vector<16xf32>,
          %max3A_491 = arith.maximumf %while3A_465, %get3A_490 : vector<16xf32>
          %mul3A_492 = arith.constant 128 : i32
          %mul3A_493 = arith.muli %while3A_462, %mul3A_492 : i32
          %add3A_494 = arith.constant 48 : i32
          %add3A_495 = arith.addi %mul3A_493, %add3A_494 : i32
          %get3A_496 = arith.index_cast %add3A_495 : i32 to index
          %get3A_497 = tpu.vector_load %arg8[%get3A_496] {strides = array<i32>} : memref<32768xf32, #tpu.memory_space<vmem>>, vector<16xf32>,
          %max3A_498 = arith.maximumf %while3A_466, %get3A_497 : vector<16xf32>
          %mul3A_499 = arith.constant 128 : i32
          %mul3A_500 = arith.muli %while3A_462, %mul3A_499 : i32
          %add3A_501 = arith.constant 64 : i32
          %add3A_502 = arith.addi %mul3A_500, %add3A_501 : i32
          %get3A_503 = arith.index_cast %add3A_502 : i32 to index
          %get3A_504 = tpu.vector_load %arg8[%get3A_503] {strides = array<i32>} : memref<32768xf32, #tpu.memory_space<vmem>>, vector<16xf32>,
          %max3A_505 = arith.maximumf %while3A_467, %get3A_504 : vector<16xf32>
          %mul3A_506 = arith.constant 128 : i32
          %mul3A_507 = arith.muli %while3A_462, %mul3A_506 : i32
          %add3A_508 = arith.constant 80 : i32
          %add3A_509 = arith.addi %mul3A_507, %add3A_508 : i32
          %get3A_510 = arith.index_cast %add3A_509 : i32 to index
          %get3A_511 = tpu.vector_load %arg8[%get3A_510] {strides = array<i32>} : memref<32768xf32, #tpu.memory_space<vmem>>, vector<16xf32>,
          %max3A_512 = arith.maximumf %while3A_468, %get3A_511 : vector<16xf32>
          %mul3A_513 = arith.constant 128 : i32
          %mul3A_514 = arith.muli %while3A_462, %mul3A_513 : i32
          %add3A_515 = arith.constant 96 : i32
          %add3A_516 = arith.addi %mul3A_514, %add3A_515 : i32
          %get3A_517 = arith.index_cast %add3A_516 : i32 to index
          %get3A_518 = tpu.vector_load %arg8[%get3A_517] {strides = array<i32>} : memref<32768xf32, #tpu.memory_space<vmem>>, vector<16xf32>,
          %max3A_519 = arith.maximumf %while3A_469, %get3A_518 : vector<16xf32>
          %mul3A_520 = arith.constant 128 : i32
          %mul3A_521 = arith.muli %while3A_462, %mul3A_520 : i32
          %add3A_522 = arith.constant 112 : i32
          %add3A_523 = arith.addi %mul3A_521, %add3A_522 : i32
          %get3A_524 = arith.index_cast %add3A_523 : i32 to index
          %get3A_525 = tpu.vector_load %arg8[%get3A_524] {strides = array<i32>} : memref<32768xf32, #tpu.memory_space<vmem>>, vector<16xf32>,
          %max3A_526 = arith.maximumf %while3A_470, %get3A_525 : vector<16xf32>
          scf.yield %max3A_477, %max3A_484, %max3A_491, %max3A_498, %max3A_505, %max3A_512, %max3A_519, %max3A_526 : vector<16xf32>, vector<16xf32>, vector<16xf32>, vector<16xf32>, vector<16xf32>, vector<16xf32>, vector<16xf32>, vector<16xf32>
        }
        scf.yield %select_n3A_451, %squeeze3A_444, %while3A_461#0, %while3A_461#1, %while3A_461#2, %while3A_461#3, %while3A_461#4, %while3A_461#5, %while3A_461#6, %while3A_461#7 : i32, i32, vector<16xf32>, vector<16xf32>, vector<16xf32>, vector<16xf32>, vector<16xf32>, vector<16xf32>, vector<16xf32>, vector<16xf32>
      }
      %add3A_332 = arith.constant 2 : i32
      %add3A_333 = arith.addi %add3A_293, %add3A_332 : i32
      %mul3A_334 = arith.constant 256 : i32
      %mul3A_335 = arith.muli %add3A_333, %mul3A_334 : i32
      %add3A_336 = arith.addi %and3A_12, %mul3A_335 : i32
      %min3A_337 = arith.constant 319744 : i32
      %min3A_338 = arith.minsi %add3A_336, %min3A_337 : i32
      %multiple_of3A_339 = tpu.assume_multiple %min3A_338, 8 : i32
      %mul3A_340 = arith.constant 128 : i32
      %mul3A_341 = arith.muli %multiple_of3A_339, %mul3A_340 : i32
      %multiple_of3A_342 = tpu.assume_multiple %mul3A_341, 8 : i32
      %dma_start3A_343 = tpu.memref_slice %arg2[%multiple_of3A_342] : memref<40960000xf32, #tpu.memory_space<hbm>> -> memref<32768xf32, #tpu.memory_space<hbm>>
      %dma_start3A_344 = tpu.memref_slice %arg2[%multiple_of3A_342] : memref<40960000xf32, #tpu.memory_space<hbm>> -> memref<32768xf32, #tpu.memory_space<hbm>>
      tpu.enqueue_dma source(%dma_start3A_344 : memref<32768xf32, #tpu.memory_space<hbm>>) target(%arg8 : memref<32768xf32, #tpu.memory_space<vmem>>) target_semaphore(%arg14 : memref<!tpu.dma_semaphore, #tpu.memory_space<semaphore_mem>>)
      %dma_start3A_345 = arith.constant 8 : i32
      %dma_start3A_346 = tpu.memref_slice %arg10[%dma_start3A_345] : memref<280xi32, #tpu.memory_space<vmem>> -> memref<256xi32, #tpu.memory_space<vmem>>
      %dma_start3A_347 = tpu.memref_slice %arg3[%multiple_of3A_339] : memref<320000xi32, #tpu.memory_space<hbm>> -> memref<256xi32, #tpu.memory_space<hbm>>
      %dma_start3A_348 = arith.constant 8 : i32
      %dma_start3A_349 = tpu.memref_slice %arg10[%dma_start3A_348] : memref<280xi32, #tpu.memory_space<vmem>> -> memref<256xi32, #tpu.memory_space<vmem>>
      %dma_start3A_350 = tpu.memref_slice %arg3[%multiple_of3A_339] : memref<320000xi32, #tpu.memory_space<hbm>> -> memref<256xi32, #tpu.memory_space<hbm>>
      tpu.enqueue_dma source(%dma_start3A_350 : memref<256xi32, #tpu.memory_space<hbm>>) target(%dma_start3A_349 : memref<256xi32, #tpu.memory_space<vmem>>) target_semaphore(%arg16 : memref<!tpu.dma_semaphore, #tpu.memory_space<semaphore_mem>>)
      scf.yield %while3A_331#1, %while3A_331#2, %while3A_331#3, %while3A_331#4, %while3A_331#5, %while3A_331#6, %while3A_331#7, %while3A_331#8, %while3A_331#9 : i32, vector<16xf32>, vector<16xf32>, vector<16xf32>, vector<16xf32>, vector<16xf32>, vector<16xf32>, vector<16xf32>, vector<16xf32>
    }
    %while3A_97 = arith.constant 1 : i32
    %while3A_98:9 = scf.for %while3A_219 = %while3A_94 to %while3A_90 step %while3A_97 iter_args(%while3A_220 = %while3A_96#0, %while3A_221 = %while3A_96#1, %while3A_222 = %while3A_96#2, %while3A_223 = %while3A_96#3, %while3A_224 = %while3A_96#4, %while3A_225 = %while3A_96#5, %while3A_226 = %while3A_96#6, %while3A_227 = %while3A_96#7, %while3A_228 = %while3A_96#8) -> (i32, vector<16xf32>, vector<16xf32>, vector<16xf32>, vector<16xf32>, vector<16xf32>, vector<16xf32>, vector<16xf32>, vector<16xf32>)  : i32 {
      %mul3A_229 = arith.constant 2 : i32
      %mul3A_230 = arith.muli %mul3A_229, %while3A_219 : i32
      %add3A_231 = arith.constant 0 : i32
      %add3A_232 = arith.addi %mul3A_230, %add3A_231 : i32
      %mul3A_233 = arith.constant 256 : i32
      %mul3A_234 = arith.muli %add3A_232, %mul3A_233 : i32
      %add3A_235 = arith.addi %and3A_12, %mul3A_234 : i32
      %min3A_236 = arith.constant 319744 : i32
      %min3A_237 = arith.minsi %add3A_235, %min3A_236 : i32
      %multiple_of3A_238 = tpu.assume_multiple %min3A_237, 8 : i32
      %mul3A_239 = arith.constant 128 : i32
      %mul3A_240 = arith.muli %multiple_of3A_238, %mul3A_239 : i32
      %multiple_of3A_241 = tpu.assume_multiple %mul3A_240, 8 : i32
      %dma_wait3A_242 = tpu.memref_slice %arg2[%multiple_of3A_241] : memref<40960000xf32, #tpu.memory_space<hbm>> -> memref<32768xf32, #tpu.memory_space<hbm>>
      %dma_wait3A_243 = tpu.memref_slice %arg2[%multiple_of3A_241] : memref<40960000xf32, #tpu.memory_space<hbm>> -> memref<32768xf32, #tpu.memory_space<hbm>>
      tpu.wait_dma2 semaphore(%arg13 : memref<!tpu.dma_semaphore, #tpu.memory_space<semaphore_mem>>) src(%dma_wait3A_243 : memref<32768xf32, #tpu.memory_space<hbm>>) dst(%arg7 : memref<32768xf32, #tpu.memory_space<vmem>>)
      %dma_wait3A_244 = arith.constant 8 : i32
      %dma_wait3A_245 = tpu.memref_slice %arg9[%dma_wait3A_244] : memref<280xi32, #tpu.memory_space<vmem>> -> memref<256xi32, #tpu.memory_space<vmem>>
      %dma_wait3A_246 = tpu.memref_slice %arg3[%multiple_of3A_238] : memref<320000xi32, #tpu.memory_space<hbm>> -> memref<256xi32, #tpu.memory_space<hbm>>
      %dma_wait3A_247 = arith.constant 8 : i32
      %dma_wait3A_248 = tpu.memref_slice %arg9[%dma_wait3A_247] : memref<280xi32, #tpu.memory_space<vmem>> -> memref<256xi32, #tpu.memory_space<vmem>>
      %dma_wait3A_249 = tpu.memref_slice %arg3[%multiple_of3A_238] : memref<320000xi32, #tpu.memory_space<hbm>> -> memref<256xi32, #tpu.memory_space<hbm>>
      tpu.wait_dma2 semaphore(%arg15 : memref<!tpu.dma_semaphore, #tpu.memory_space<semaphore_mem>>) src(%dma_wait3A_249 : memref<256xi32, #tpu.memory_space<hbm>>) dst(%dma_wait3A_248 : memref<256xi32, #tpu.memory_space<vmem>>)
      %scan3A_250 = arith.constant 0 : i32
      %scan3A_251 = arith.constant 0 : i32
      %scan3A_252 = arith.constant 16 : i32
      %scan3A_253 = arith.addi %scan3A_251, %scan3A_252 : i32
      %scan3A_254 = arith.constant 1 : i32
      %scan3A_255 = scf.for %scan3A_351 = %scan3A_251 to %scan3A_253 step %scan3A_254 iter_args(%scan3A_352 = %scan3A_250) -> (i32)  : i32 {
        %mul3A_353 = arith.constant 16 : i32
        %mul3A_354 = arith.muli %scan3A_351, %mul3A_353 : i32
        %add3A_355 = arith.constant 8 : i32
        %add3A_356 = arith.addi %add3A_355, %mul3A_354 : i32
        %get3A_357 = arith.index_cast %add3A_356 : i32 to index
        %get3A_358 = tpu.vector_load %arg9[%get3A_357] {strides = array<i32>} : memref<280xi32, #tpu.memory_space<vmem>>, vector<16xi32>,
        %mul3A_359 = arith.constant 16 : i32
        %mul3A_360 = arith.muli %scan3A_351, %mul3A_359 : i32
        %add3A_361 = arith.constant 7 : i32
        %add3A_362 = arith.addi %add3A_361, %mul3A_360 : i32
        %get3A_363 = arith.index_cast %add3A_362 : i32 to index
        %get3A_364 = tpu.vector_load %arg9[%get3A_363] {strides = array<i32>} : memref<280xi32, #tpu.memory_space<vmem>>, vector<16xi32>,
        %ne3A_365 = arith.cmpi ne, %get3A_358, %get3A_364 : vector<16xi32>
        %mul3A_366 = arith.constant 16 : i32
        %mul3A_367 = arith.muli %scan3A_351, %mul3A_366 : i32
        %add3A_368 = vector.broadcast %mul3A_367 : i32 to vector<16xi32>
        %add3A_369 = arith.addi %iota3A, %add3A_368 : vector<16xi32>
        %swap3A_370 = arith.index_cast %scan3A_352 : i32 to index
        %swap3A_371 = tpu.vector_load %arg11[%swap3A_370] masked %ne3A_365 {strides = array<i32>} : memref<272xi32, #tpu.memory_space<vmem>>, vector<16xi32>, vector<16xi1>
        tpu.vector_store %arg11[%swap3A_370], %add3A_369 masked %ne3A_365 {strides = array<i32>} : memref<272xi32, #tpu.memory_space<vmem>>, vector<16xi32>, vector<16xi1>
        %all_reduce_population_count3A = tpu.all_reduce %ne3A_365 {dim = 0 : i64, kind = #tpu.reduction_kind<sum>} : vector<16xi1> -> vector<16xi32>
        %slice3A_372 = vector.extract_strided_slice %all_reduce_population_count3A {offsets = [0], sizes = [1], strides = [1]} : vector<16xi32> to vector<1xi32>
        %squeeze3A_373 = vector.extract %slice3A_372[0] : i32 from vector<1xi32>
        %add3A_374 = arith.addi %scan3A_352, %squeeze3A_373 : i32
        scf.yield %add3A_374 : i32
      }
      %scan3A_256 = arith.constant 16 : i32
      %add3A_257 = arith.constant 1 : i32
      %add3A_258 = arith.addi %scan3A_255, %add3A_257 : i32
      %while3A_259 = arith.constant 0 : i32
      %while3A_260 = arith.constant 0 : i32
      %while3A_261 = arith.subi %add3A_258, %while3A_259 : i32
      %while3A_262 = arith.addi %while3A_259, %while3A_261 : i32
      %while3A_263 = arith.constant 1 : i32
      %while3A_264 = arith.divsi %while3A_261, %while3A_263 : i32
      %while3A_265 = arith.muli %while3A_264, %while3A_263 : i32
      %while3A_266 = arith.addi %while3A_259, %while3A_265 : i32
      %while3A_267 = arith.constant 1 : i32
      %while3A_268:10 = scf.for %while3A_351 = %while3A_259 to %while3A_266 step %while3A_267 iter_args(%while3A_352 = %while3A_260, %while3A_353 = %while3A_220, %while3A_354 = %while3A_221, %while3A_355 = %while3A_222, %while3A_356 = %while3A_223, %while3A_357 = %while3A_224, %while3A_358 = %while3A_225, %while3A_359 = %while3A_226, %while3A_360 = %while3A_227, %while3A_361 = %while3A_228) -> (i32, i32, vector<16xf32>, vector<16xf32>, vector<16xf32>, vector<16xf32>, vector<16xf32>, vector<16xf32>, vector<16xf32>, vector<16xf32>)  : i32 {
        %sub3A_362 = arith.subi %while3A_353, %mul3A_2 : i32
        %min3A_363 = arith.constant 313 : i32
        %min3A_364 = arith.minui %sub3A_362, %min3A_363 : i32
        %mul3A_365 = arith.constant 128 : i32
        %mul3A_366 = arith.muli %min3A_364, %mul3A_365 : i32
        %add3A_367 = arith.constant 0 : i32
        %add3A_368 = arith.addi %mul3A_366, %add3A_367 : i32
        %get3A_369 = arith.index_cast %add3A_368 : i32 to index
        %get3A_370 = tpu.vector_load %arg12[%get3A_369] {strides = array<i32>} : memref<40192xf32, #tpu.memory_space<vmem>>, vector<16xf32>,
        %max3A_371 = arith.maximumf %get3A_370, %while3A_354 : vector<16xf32>
        %add3A_372 = arith.constant 0 : i32
        %add3A_373 = arith.addi %mul3A_366, %add3A_372 : i32
        %swap3A_374 = arith.index_cast %add3A_373 : i32 to index
        %swap3A_375 = tpu.vector_load %arg12[%swap3A_374] {strides = array<i32>} : memref<40192xf32, #tpu.memory_space<vmem>>, vector<16xf32>,
        tpu.vector_store %arg12[%swap3A_374], %max3A_371 {strides = array<i32>} : memref<40192xf32, #tpu.memory_space<vmem>>, vector<16xf32>,
        %add3A_376 = arith.constant 16 : i32
        %add3A_377 = arith.addi %mul3A_366, %add3A_376 : i32
        %get3A_378 = arith.index_cast %add3A_377 : i32 to index
        %get3A_379 = tpu.vector_load %arg12[%get3A_378] {strides = array<i32>} : memref<40192xf32, #tpu.memory_space<vmem>>, vector<16xf32>,
        %max3A_380 = arith.maximumf %get3A_379, %while3A_355 : vector<16xf32>
        %add3A_381 = arith.constant 16 : i32
        %add3A_382 = arith.addi %mul3A_366, %add3A_381 : i32
        %swap3A_383 = arith.index_cast %add3A_382 : i32 to index
        %swap3A_384 = tpu.vector_load %arg12[%swap3A_383] {strides = array<i32>} : memref<40192xf32, #tpu.memory_space<vmem>>, vector<16xf32>,
        tpu.vector_store %arg12[%swap3A_383], %max3A_380 {strides = array<i32>} : memref<40192xf32, #tpu.memory_space<vmem>>, vector<16xf32>,
        %add3A_385 = arith.constant 32 : i32
        %add3A_386 = arith.addi %mul3A_366, %add3A_385 : i32
        %get3A_387 = arith.index_cast %add3A_386 : i32 to index
        %get3A_388 = tpu.vector_load %arg12[%get3A_387] {strides = array<i32>} : memref<40192xf32, #tpu.memory_space<vmem>>, vector<16xf32>,
        %max3A_389 = arith.maximumf %get3A_388, %while3A_356 : vector<16xf32>
        %add3A_390 = arith.constant 32 : i32
        %add3A_391 = arith.addi %mul3A_366, %add3A_390 : i32
        %swap3A_392 = arith.index_cast %add3A_391 : i32 to index
        %swap3A_393 = tpu.vector_load %arg12[%swap3A_392] {strides = array<i32>} : memref<40192xf32, #tpu.memory_space<vmem>>, vector<16xf32>,
        tpu.vector_store %arg12[%swap3A_392], %max3A_389 {strides = array<i32>} : memref<40192xf32, #tpu.memory_space<vmem>>, vector<16xf32>,
        %add3A_394 = arith.constant 48 : i32
        %add3A_395 = arith.addi %mul3A_366, %add3A_394 : i32
        %get3A_396 = arith.index_cast %add3A_395 : i32 to index
        %get3A_397 = tpu.vector_load %arg12[%get3A_396] {strides = array<i32>} : memref<40192xf32, #tpu.memory_space<vmem>>, vector<16xf32>,
        %max3A_398 = arith.maximumf %get3A_397, %while3A_357 : vector<16xf32>
        %add3A_399 = arith.constant 48 : i32
        %add3A_400 = arith.addi %mul3A_366, %add3A_399 : i32
        %swap3A_401 = arith.index_cast %add3A_400 : i32 to index
        %swap3A_402 = tpu.vector_load %arg12[%swap3A_401] {strides = array<i32>} : memref<40192xf32, #tpu.memory_space<vmem>>, vector<16xf32>,
        tpu.vector_store %arg12[%swap3A_401], %max3A_398 {strides = array<i32>} : memref<40192xf32, #tpu.memory_space<vmem>>, vector<16xf32>,
        %add3A_403 = arith.constant 64 : i32
        %add3A_404 = arith.addi %mul3A_366, %add3A_403 : i32
        %get3A_405 = arith.index_cast %add3A_404 : i32 to index
        %get3A_406 = tpu.vector_load %arg12[%get3A_405] {strides = array<i32>} : memref<40192xf32, #tpu.memory_space<vmem>>, vector<16xf32>,
        %max3A_407 = arith.maximumf %get3A_406, %while3A_358 : vector<16xf32>
        %add3A_408 = arith.constant 64 : i32
        %add3A_409 = arith.addi %mul3A_366, %add3A_408 : i32
        %swap3A_410 = arith.index_cast %add3A_409 : i32 to index
        %swap3A_411 = tpu.vector_load %arg12[%swap3A_410] {strides = array<i32>} : memref<40192xf32, #tpu.memory_space<vmem>>, vector<16xf32>,
        tpu.vector_store %arg12[%swap3A_410], %max3A_407 {strides = array<i32>} : memref<40192xf32, #tpu.memory_space<vmem>>, vector<16xf32>,
        %add3A_412 = arith.constant 80 : i32
        %add3A_413 = arith.addi %mul3A_366, %add3A_412 : i32
        %get3A_414 = arith.index_cast %add3A_413 : i32 to index
        %get3A_415 = tpu.vector_load %arg12[%get3A_414] {strides = array<i32>} : memref<40192xf32, #tpu.memory_space<vmem>>, vector<16xf32>,
        %max3A_416 = arith.maximumf %get3A_415, %while3A_359 : vector<16xf32>
        %add3A_417 = arith.constant 80 : i32
        %add3A_418 = arith.addi %mul3A_366, %add3A_417 : i32
        %swap3A_419 = arith.index_cast %add3A_418 : i32 to index
        %swap3A_420 = tpu.vector_load %arg12[%swap3A_419] {strides = array<i32>} : memref<40192xf32, #tpu.memory_space<vmem>>, vector<16xf32>,
        tpu.vector_store %arg12[%swap3A_419], %max3A_416 {strides = array<i32>} : memref<40192xf32, #tpu.memory_space<vmem>>, vector<16xf32>,
        %add3A_421 = arith.constant 96 : i32
        %add3A_422 = arith.addi %mul3A_366, %add3A_421 : i32
        %get3A_423 = arith.index_cast %add3A_422 : i32 to index
        %get3A_424 = tpu.vector_load %arg12[%get3A_423] {strides = array<i32>} : memref<40192xf32, #tpu.memory_space<vmem>>, vector<16xf32>,
        %max3A_425 = arith.maximumf %get3A_424, %while3A_360 : vector<16xf32>
        %add3A_426 = arith.constant 96 : i32
        %add3A_427 = arith.addi %mul3A_366, %add3A_426 : i32
        %swap3A_428 = arith.index_cast %add3A_427 : i32 to index
        %swap3A_429 = tpu.vector_load %arg12[%swap3A_428] {strides = array<i32>} : memref<40192xf32, #tpu.memory_space<vmem>>, vector<16xf32>,
        tpu.vector_store %arg12[%swap3A_428], %max3A_425 {strides = array<i32>} : memref<40192xf32, #tpu.memory_space<vmem>>, vector<16xf32>,
        %add3A_430 = arith.constant 112 : i32
        %add3A_431 = arith.addi %mul3A_366, %add3A_430 : i32
        %get3A_432 = arith.index_cast %add3A_431 : i32 to index
        %get3A_433 = tpu.vector_load %arg12[%get3A_432] {strides = array<i32>} : memref<40192xf32, #tpu.memory_space<vmem>>, vector<16xf32>,
        %max3A_434 = arith.maximumf %get3A_433, %while3A_361 : vector<16xf32>
        %add3A_435 = arith.constant 112 : i32
        %add3A_436 = arith.addi %mul3A_366, %add3A_435 : i32
        %swap3A_437 = arith.index_cast %add3A_436 : i32 to index
        %swap3A_438 = tpu.vector_load %arg12[%swap3A_437] {strides = array<i32>} : memref<40192xf32, #tpu.memory_space<vmem>>, vector<16xf32>,
        tpu.vector_store %arg12[%swap3A_437], %max3A_434 {strides = array<i32>} : memref<40192xf32, #tpu.memory_space<vmem>>, vector<16xf32>,
        %add3A_439 = arith.constant 8 : i32
        %add3A_440 = arith.addi %add3A_439, %while3A_352 : i32
        %get3A_441 = arith.index_cast %add3A_440 : i32 to index
        %get3A_442 = tpu.vector_load %arg9[%get3A_441] {strides = array<i32>} : memref<280xi32, #tpu.memory_space<vmem>>, vector<16xi32>,
        %slice3A_443 = vector.extract_strided_slice %get3A_442 {offsets = [0], sizes = [1], strides = [1]} : vector<16xi32> to vector<1xi32>
        %squeeze3A_444 = vector.extract %slice3A_443[0] : i32 from vector<1xi32>
        %lt3A_445 = arith.cmpi slt, %while3A_351, %scan3A_255 : i32
        %get3A_446 = arith.index_cast %while3A_351 : i32 to index
        %get3A_447 = tpu.vector_load %arg11[%get3A_446] {strides = array<i32>} : memref<272xi32, #tpu.memory_space<vmem>>, vector<16xi32>,
        %slice3A_448 = vector.extract_strided_slice %get3A_447 {offsets = [0], sizes = [1], strides = [1]} : vector<16xi32> to vector<1xi32>
        %squeeze3A_449 = vector.extract %slice3A_448[0] : i32 from vector<1xi32>
        %jit3A_450 = arith.constant 256 : i32
        %select_n3A_451 = arith.select %lt3A_445, %squeeze3A_449, %jit3A_450 : i32
        %while3A_452 = arith.subi %select_n3A_451, %while3A_352 : i32
        %while3A_453 = arith.addi %while3A_352, %while3A_452 : i32
        %while3A_454 = arith.constant 1 : i32
        %while3A_455 = arith.divsi %while3A_452, %while3A_454 : i32
        %while3A_456 = arith.muli %while3A_455, %while3A_454 : i32
        %while3A_457 = arith.addi %while3A_352, %while3A_456 : i32
        %while3A_458 = arith.constant 1 : i32
        %while3A_459:8 = scf.for %while3A_462 = %while3A_352 to %while3A_457 step %while3A_458 iter_args(%while3A_463 = %broadcast_in_dim3A_3, %while3A_464 = %broadcast_in_dim3A_3, %while3A_465 = %broadcast_in_dim3A_3, %while3A_466 = %broadcast_in_dim3A_3, %while3A_467 = %broadcast_in_dim3A_3, %while3A_468 = %broadcast_in_dim3A_3, %while3A_469 = %broadcast_in_dim3A_3, %while3A_470 = %broadcast_in_dim3A_3) -> (vector<16xf32>, vector<16xf32>, vector<16xf32>, vector<16xf32>, vector<16xf32>, vector<16xf32>, vector<16xf32>, vector<16xf32>)  : i32 {
          %mul3A_471 = arith.constant 128 : i32
          %mul3A_472 = arith.muli %while3A_462, %mul3A_471 : i32
          %add3A_473 = arith.constant 0 : i32
          %add3A_474 = arith.addi %mul3A_472, %add3A_473 : i32
          %get3A_475 = arith.index_cast %add3A_474 : i32 to index
          %get3A_476 = tpu.vector_load %arg7[%get3A_475] {strides = array<i32>} : memref<32768xf32, #tpu.memory_space<vmem>>, vector<16xf32>,
          %max3A_477 = arith.maximumf %while3A_463, %get3A_476 : vector<16xf32>
          %mul3A_478 = arith.constant 128 : i32
          %mul3A_479 = arith.muli %while3A_462, %mul3A_478 : i32
          %add3A_480 = arith.constant 16 : i32
          %add3A_481 = arith.addi %mul3A_479, %add3A_480 : i32
          %get3A_482 = arith.index_cast %add3A_481 : i32 to index
          %get3A_483 = tpu.vector_load %arg7[%get3A_482] {strides = array<i32>} : memref<32768xf32, #tpu.memory_space<vmem>>, vector<16xf32>,
          %max3A_484 = arith.maximumf %while3A_464, %get3A_483 : vector<16xf32>
          %mul3A_485 = arith.constant 128 : i32
          %mul3A_486 = arith.muli %while3A_462, %mul3A_485 : i32
          %add3A_487 = arith.constant 32 : i32
          %add3A_488 = arith.addi %mul3A_486, %add3A_487 : i32
          %get3A_489 = arith.index_cast %add3A_488 : i32 to index
          %get3A_490 = tpu.vector_load %arg7[%get3A_489] {strides = array<i32>} : memref<32768xf32, #tpu.memory_space<vmem>>, vector<16xf32>,
          %max3A_491 = arith.maximumf %while3A_465, %get3A_490 : vector<16xf32>
          %mul3A_492 = arith.constant 128 : i32
          %mul3A_493 = arith.muli %while3A_462, %mul3A_492 : i32
          %add3A_494 = arith.constant 48 : i32
          %add3A_495 = arith.addi %mul3A_493, %add3A_494 : i32
          %get3A_496 = arith.index_cast %add3A_495 : i32 to index
          %get3A_497 = tpu.vector_load %arg7[%get3A_496] {strides = array<i32>} : memref<32768xf32, #tpu.memory_space<vmem>>, vector<16xf32>,
          %max3A_498 = arith.maximumf %while3A_466, %get3A_497 : vector<16xf32>
          %mul3A_499 = arith.constant 128 : i32
          %mul3A_500 = arith.muli %while3A_462, %mul3A_499 : i32
          %add3A_501 = arith.constant 64 : i32
          %add3A_502 = arith.addi %mul3A_500, %add3A_501 : i32
          %get3A_503 = arith.index_cast %add3A_502 : i32 to index
          %get3A_504 = tpu.vector_load %arg7[%get3A_503] {strides = array<i32>} : memref<32768xf32, #tpu.memory_space<vmem>>, vector<16xf32>,
          %max3A_505 = arith.maximumf %while3A_467, %get3A_504 : vector<16xf32>
          %mul3A_506 = arith.constant 128 : i32
          %mul3A_507 = arith.muli %while3A_462, %mul3A_506 : i32
          %add3A_508 = arith.constant 80 : i32
          %add3A_509 = arith.addi %mul3A_507, %add3A_508 : i32
          %get3A_510 = arith.index_cast %add3A_509 : i32 to index
          %get3A_511 = tpu.vector_load %arg7[%get3A_510] {strides = array<i32>} : memref<32768xf32, #tpu.memory_space<vmem>>, vector<16xf32>,
          %max3A_512 = arith.maximumf %while3A_468, %get3A_511 : vector<16xf32>
          %mul3A_513 = arith.constant 128 : i32
          %mul3A_514 = arith.muli %while3A_462, %mul3A_513 : i32
          %add3A_515 = arith.constant 96 : i32
          %add3A_516 = arith.addi %mul3A_514, %add3A_515 : i32
          %get3A_517 = arith.index_cast %add3A_516 : i32 to index
          %get3A_518 = tpu.vector_load %arg7[%get3A_517] {strides = array<i32>} : memref<32768xf32, #tpu.memory_space<vmem>>, vector<16xf32>,
          %max3A_519 = arith.maximumf %while3A_469, %get3A_518 : vector<16xf32>
          %mul3A_520 = arith.constant 128 : i32
          %mul3A_521 = arith.muli %while3A_462, %mul3A_520 : i32
          %add3A_522 = arith.constant 112 : i32
          %add3A_523 = arith.addi %mul3A_521, %add3A_522 : i32
          %get3A_524 = arith.index_cast %add3A_523 : i32 to index
          %get3A_525 = tpu.vector_load %arg7[%get3A_524] {strides = array<i32>} : memref<32768xf32, #tpu.memory_space<vmem>>, vector<16xf32>,
          %max3A_526 = arith.maximumf %while3A_470, %get3A_525 : vector<16xf32>
          scf.yield %max3A_477, %max3A_484, %max3A_491, %max3A_498, %max3A_505, %max3A_512, %max3A_519, %max3A_526 : vector<16xf32>, vector<16xf32>, vector<16xf32>, vector<16xf32>, vector<16xf32>, vector<16xf32>, vector<16xf32>, vector<16xf32>
        }
        %while3A_460 = arith.constant 1 : i32
        %while3A_461:8 = scf.for %while3A_462 = %while3A_457 to %while3A_453 step %while3A_460 iter_args(%while3A_463 = %while3A_459#0, %while3A_464 = %while3A_459#1, %while3A_465 = %while3A_459#2, %while3A_466 = %while3A_459#3, %while3A_467 = %while3A_459#4, %while3A_468 = %while3A_459#5, %while3A_469 = %while3A_459#6, %while3A_470 = %while3A_459#7) -> (vector<16xf32>, vector<16xf32>, vector<16xf32>, vector<16xf32>, vector<16xf32>, vector<16xf32>, vector<16xf32>, vector<16xf32>)  : i32 {
          %mul3A_471 = arith.constant 128 : i32
          %mul3A_472 = arith.muli %while3A_462, %mul3A_471 : i32
          %add3A_473 = arith.constant 0 : i32
          %add3A_474 = arith.addi %mul3A_472, %add3A_473 : i32
          %get3A_475 = arith.index_cast %add3A_474 : i32 to index
          %get3A_476 = tpu.vector_load %arg7[%get3A_475] {strides = array<i32>} : memref<32768xf32, #tpu.memory_space<vmem>>, vector<16xf32>,
          %max3A_477 = arith.maximumf %while3A_463, %get3A_476 : vector<16xf32>
          %mul3A_478 = arith.constant 128 : i32
          %mul3A_479 = arith.muli %while3A_462, %mul3A_478 : i32
          %add3A_480 = arith.constant 16 : i32
          %add3A_481 = arith.addi %mul3A_479, %add3A_480 : i32
          %get3A_482 = arith.index_cast %add3A_481 : i32 to index
          %get3A_483 = tpu.vector_load %arg7[%get3A_482] {strides = array<i32>} : memref<32768xf32, #tpu.memory_space<vmem>>, vector<16xf32>,
          %max3A_484 = arith.maximumf %while3A_464, %get3A_483 : vector<16xf32>
          %mul3A_485 = arith.constant 128 : i32
          %mul3A_486 = arith.muli %while3A_462, %mul3A_485 : i32
          %add3A_487 = arith.constant 32 : i32
          %add3A_488 = arith.addi %mul3A_486, %add3A_487 : i32
          %get3A_489 = arith.index_cast %add3A_488 : i32 to index
          %get3A_490 = tpu.vector_load %arg7[%get3A_489] {strides = array<i32>} : memref<32768xf32, #tpu.memory_space<vmem>>, vector<16xf32>,
          %max3A_491 = arith.maximumf %while3A_465, %get3A_490 : vector<16xf32>
          %mul3A_492 = arith.constant 128 : i32
          %mul3A_493 = arith.muli %while3A_462, %mul3A_492 : i32
          %add3A_494 = arith.constant 48 : i32
          %add3A_495 = arith.addi %mul3A_493, %add3A_494 : i32
          %get3A_496 = arith.index_cast %add3A_495 : i32 to index
          %get3A_497 = tpu.vector_load %arg7[%get3A_496] {strides = array<i32>} : memref<32768xf32, #tpu.memory_space<vmem>>, vector<16xf32>,
          %max3A_498 = arith.maximumf %while3A_466, %get3A_497 : vector<16xf32>
          %mul3A_499 = arith.constant 128 : i32
          %mul3A_500 = arith.muli %while3A_462, %mul3A_499 : i32
          %add3A_501 = arith.constant 64 : i32
          %add3A_502 = arith.addi %mul3A_500, %add3A_501 : i32
          %get3A_503 = arith.index_cast %add3A_502 : i32 to index
          %get3A_504 = tpu.vector_load %arg7[%get3A_503] {strides = array<i32>} : memref<32768xf32, #tpu.memory_space<vmem>>, vector<16xf32>,
          %max3A_505 = arith.maximumf %while3A_467, %get3A_504 : vector<16xf32>
          %mul3A_506 = arith.constant 128 : i32
          %mul3A_507 = arith.muli %while3A_462, %mul3A_506 : i32
          %add3A_508 = arith.constant 80 : i32
          %add3A_509 = arith.addi %mul3A_507, %add3A_508 : i32
          %get3A_510 = arith.index_cast %add3A_509 : i32 to index
          %get3A_511 = tpu.vector_load %arg7[%get3A_510] {strides = array<i32>} : memref<32768xf32, #tpu.memory_space<vmem>>, vector<16xf32>,
          %max3A_512 = arith.maximumf %while3A_468, %get3A_511 : vector<16xf32>
          %mul3A_513 = arith.constant 128 : i32
          %mul3A_514 = arith.muli %while3A_462, %mul3A_513 : i32
          %add3A_515 = arith.constant 96 : i32
          %add3A_516 = arith.addi %mul3A_514, %add3A_515 : i32
          %get3A_517 = arith.index_cast %add3A_516 : i32 to index
          %get3A_518 = tpu.vector_load %arg7[%get3A_517] {strides = array<i32>} : memref<32768xf32, #tpu.memory_space<vmem>>, vector<16xf32>,
          %max3A_519 = arith.maximumf %while3A_469, %get3A_518 : vector<16xf32>
          %mul3A_520 = arith.constant 128 : i32
          %mul3A_521 = arith.muli %while3A_462, %mul3A_520 : i32
          %add3A_522 = arith.constant 112 : i32
          %add3A_523 = arith.addi %mul3A_521, %add3A_522 : i32
          %get3A_524 = arith.index_cast %add3A_523 : i32 to index
          %get3A_525 = tpu.vector_load %arg7[%get3A_524] {strides = array<i32>} : memref<32768xf32, #tpu.memory_space<vmem>>, vector<16xf32>,
          %max3A_526 = arith.maximumf %while3A_470, %get3A_525 : vector<16xf32>
          scf.yield %max3A_477, %max3A_484, %max3A_491, %max3A_498, %max3A_505, %max3A_512, %max3A_519, %max3A_526 : vector<16xf32>, vector<16xf32>, vector<16xf32>, vector<16xf32>, vector<16xf32>, vector<16xf32>, vector<16xf32>, vector<16xf32>
        }
        scf.yield %select_n3A_451, %squeeze3A_444, %while3A_461#0, %while3A_461#1, %while3A_461#2, %while3A_461#3, %while3A_461#4, %while3A_461#5, %while3A_461#6, %while3A_461#7 : i32, i32, vector<16xf32>, vector<16xf32>, vector<16xf32>, vector<16xf32>, vector<16xf32>, vector<16xf32>, vector<16xf32>, vector<16xf32>
      }
      %while3A_269 = arith.constant 1 : i32
      %while3A_270:10 = scf.for %while3A_351 = %while3A_266 to %while3A_262 step %while3A_269 iter_args(%while3A_352 = %while3A_268#0, %while3A_353 = %while3A_268#1, %while3A_354 = %while3A_268#2, %while3A_355 = %while3A_268#3, %while3A_356 = %while3A_268#4, %while3A_357 = %while3A_268#5, %while3A_358 = %while3A_268#6, %while3A_359 = %while3A_268#7, %while3A_360 = %while3A_268#8, %while3A_361 = %while3A_268#9) -> (i32, i32, vector<16xf32>, vector<16xf32>, vector<16xf32>, vector<16xf32>, vector<16xf32>, vector<16xf32>, vector<16xf32>, vector<16xf32>)  : i32 {
        %sub3A_362 = arith.subi %while3A_353, %mul3A_2 : i32
        %min3A_363 = arith.constant 313 : i32
        %min3A_364 = arith.minui %sub3A_362, %min3A_363 : i32
        %mul3A_365 = arith.constant 128 : i32
        %mul3A_366 = arith.muli %min3A_364, %mul3A_365 : i32
        %add3A_367 = arith.constant 0 : i32
        %add3A_368 = arith.addi %mul3A_366, %add3A_367 : i32
        %get3A_369 = arith.index_cast %add3A_368 : i32 to index
        %get3A_370 = tpu.vector_load %arg12[%get3A_369] {strides = array<i32>} : memref<40192xf32, #tpu.memory_space<vmem>>, vector<16xf32>,
        %max3A_371 = arith.maximumf %get3A_370, %while3A_354 : vector<16xf32>
        %add3A_372 = arith.constant 0 : i32
        %add3A_373 = arith.addi %mul3A_366, %add3A_372 : i32
        %swap3A_374 = arith.index_cast %add3A_373 : i32 to index
        %swap3A_375 = tpu.vector_load %arg12[%swap3A_374] {strides = array<i32>} : memref<40192xf32, #tpu.memory_space<vmem>>, vector<16xf32>,
        tpu.vector_store %arg12[%swap3A_374], %max3A_371 {strides = array<i32>} : memref<40192xf32, #tpu.memory_space<vmem>>, vector<16xf32>,
        %add3A_376 = arith.constant 16 : i32
        %add3A_377 = arith.addi %mul3A_366, %add3A_376 : i32
        %get3A_378 = arith.index_cast %add3A_377 : i32 to index
        %get3A_379 = tpu.vector_load %arg12[%get3A_378] {strides = array<i32>} : memref<40192xf32, #tpu.memory_space<vmem>>, vector<16xf32>,
        %max3A_380 = arith.maximumf %get3A_379, %while3A_355 : vector<16xf32>
        %add3A_381 = arith.constant 16 : i32
        %add3A_382 = arith.addi %mul3A_366, %add3A_381 : i32
        %swap3A_383 = arith.index_cast %add3A_382 : i32 to index
        %swap3A_384 = tpu.vector_load %arg12[%swap3A_383] {strides = array<i32>} : memref<40192xf32, #tpu.memory_space<vmem>>, vector<16xf32>,
        tpu.vector_store %arg12[%swap3A_383], %max3A_380 {strides = array<i32>} : memref<40192xf32, #tpu.memory_space<vmem>>, vector<16xf32>,
        %add3A_385 = arith.constant 32 : i32
        %add3A_386 = arith.addi %mul3A_366, %add3A_385 : i32
        %get3A_387 = arith.index_cast %add3A_386 : i32 to index
        %get3A_388 = tpu.vector_load %arg12[%get3A_387] {strides = array<i32>} : memref<40192xf32, #tpu.memory_space<vmem>>, vector<16xf32>,
        %max3A_389 = arith.maximumf %get3A_388, %while3A_356 : vector<16xf32>
        %add3A_390 = arith.constant 32 : i32
        %add3A_391 = arith.addi %mul3A_366, %add3A_390 : i32
        %swap3A_392 = arith.index_cast %add3A_391 : i32 to index
        %swap3A_393 = tpu.vector_load %arg12[%swap3A_392] {strides = array<i32>} : memref<40192xf32, #tpu.memory_space<vmem>>, vector<16xf32>,
        tpu.vector_store %arg12[%swap3A_392], %max3A_389 {strides = array<i32>} : memref<40192xf32, #tpu.memory_space<vmem>>, vector<16xf32>,
        %add3A_394 = arith.constant 48 : i32
        %add3A_395 = arith.addi %mul3A_366, %add3A_394 : i32
        %get3A_396 = arith.index_cast %add3A_395 : i32 to index
        %get3A_397 = tpu.vector_load %arg12[%get3A_396] {strides = array<i32>} : memref<40192xf32, #tpu.memory_space<vmem>>, vector<16xf32>,
        %max3A_398 = arith.maximumf %get3A_397, %while3A_357 : vector<16xf32>
        %add3A_399 = arith.constant 48 : i32
        %add3A_400 = arith.addi %mul3A_366, %add3A_399 : i32
        %swap3A_401 = arith.index_cast %add3A_400 : i32 to index
        %swap3A_402 = tpu.vector_load %arg12[%swap3A_401] {strides = array<i32>} : memref<40192xf32, #tpu.memory_space<vmem>>, vector<16xf32>,
        tpu.vector_store %arg12[%swap3A_401], %max3A_398 {strides = array<i32>} : memref<40192xf32, #tpu.memory_space<vmem>>, vector<16xf32>,
        %add3A_403 = arith.constant 64 : i32
        %add3A_404 = arith.addi %mul3A_366, %add3A_403 : i32
        %get3A_405 = arith.index_cast %add3A_404 : i32 to index
        %get3A_406 = tpu.vector_load %arg12[%get3A_405] {strides = array<i32>} : memref<40192xf32, #tpu.memory_space<vmem>>, vector<16xf32>,
        %max3A_407 = arith.maximumf %get3A_406, %while3A_358 : vector<16xf32>
        %add3A_408 = arith.constant 64 : i32
        %add3A_409 = arith.addi %mul3A_366, %add3A_408 : i32
        %swap3A_410 = arith.index_cast %add3A_409 : i32 to index
        %swap3A_411 = tpu.vector_load %arg12[%swap3A_410] {strides = array<i32>} : memref<40192xf32, #tpu.memory_space<vmem>>, vector<16xf32>,
        tpu.vector_store %arg12[%swap3A_410], %max3A_407 {strides = array<i32>} : memref<40192xf32, #tpu.memory_space<vmem>>, vector<16xf32>,
        %add3A_412 = arith.constant 80 : i32
        %add3A_413 = arith.addi %mul3A_366, %add3A_412 : i32
        %get3A_414 = arith.index_cast %add3A_413 : i32 to index
        %get3A_415 = tpu.vector_load %arg12[%get3A_414] {strides = array<i32>} : memref<40192xf32, #tpu.memory_space<vmem>>, vector<16xf32>,
        %max3A_416 = arith.maximumf %get3A_415, %while3A_359 : vector<16xf32>
        %add3A_417 = arith.constant 80 : i32
        %add3A_418 = arith.addi %mul3A_366, %add3A_417 : i32
        %swap3A_419 = arith.index_cast %add3A_418 : i32 to index
        %swap3A_420 = tpu.vector_load %arg12[%swap3A_419] {strides = array<i32>} : memref<40192xf32, #tpu.memory_space<vmem>>, vector<16xf32>,
        tpu.vector_store %arg12[%swap3A_419], %max3A_416 {strides = array<i32>} : memref<40192xf32, #tpu.memory_space<vmem>>, vector<16xf32>,
        %add3A_421 = arith.constant 96 : i32
        %add3A_422 = arith.addi %mul3A_366, %add3A_421 : i32
        %get3A_423 = arith.index_cast %add3A_422 : i32 to index
        %get3A_424 = tpu.vector_load %arg12[%get3A_423] {strides = array<i32>} : memref<40192xf32, #tpu.memory_space<vmem>>, vector<16xf32>,
        %max3A_425 = arith.maximumf %get3A_424, %while3A_360 : vector<16xf32>
        %add3A_426 = arith.constant 96 : i32
        %add3A_427 = arith.addi %mul3A_366, %add3A_426 : i32
        %swap3A_428 = arith.index_cast %add3A_427 : i32 to index
        %swap3A_429 = tpu.vector_load %arg12[%swap3A_428] {strides = array<i32>} : memref<40192xf32, #tpu.memory_space<vmem>>, vector<16xf32>,
        tpu.vector_store %arg12[%swap3A_428], %max3A_425 {strides = array<i32>} : memref<40192xf32, #tpu.memory_space<vmem>>, vector<16xf32>,
        %add3A_430 = arith.constant 112 : i32
        %add3A_431 = arith.addi %mul3A_366, %add3A_430 : i32
        %get3A_432 = arith.index_cast %add3A_431 : i32 to index
        %get3A_433 = tpu.vector_load %arg12[%get3A_432] {strides = array<i32>} : memref<40192xf32, #tpu.memory_space<vmem>>, vector<16xf32>,
        %max3A_434 = arith.maximumf %get3A_433, %while3A_361 : vector<16xf32>
        %add3A_435 = arith.constant 112 : i32
        %add3A_436 = arith.addi %mul3A_366, %add3A_435 : i32
        %swap3A_437 = arith.index_cast %add3A_436 : i32 to index
        %swap3A_438 = tpu.vector_load %arg12[%swap3A_437] {strides = array<i32>} : memref<40192xf32, #tpu.memory_space<vmem>>, vector<16xf32>,
        tpu.vector_store %arg12[%swap3A_437], %max3A_434 {strides = array<i32>} : memref<40192xf32, #tpu.memory_space<vmem>>, vector<16xf32>,
        %add3A_439 = arith.constant 8 : i32
        %add3A_440 = arith.addi %add3A_439, %while3A_352 : i32
        %get3A_441 = arith.index_cast %add3A_440 : i32 to index
        %get3A_442 = tpu.vector_load %arg9[%get3A_441] {strides = array<i32>} : memref<280xi32, #tpu.memory_space<vmem>>, vector<16xi32>,
        %slice3A_443 = vector.extract_strided_slice %get3A_442 {offsets = [0], sizes = [1], strides = [1]} : vector<16xi32> to vector<1xi32>
        %squeeze3A_444 = vector.extract %slice3A_443[0] : i32 from vector<1xi32>
        %lt3A_445 = arith.cmpi slt, %while3A_351, %scan3A_255 : i32
        %get3A_446 = arith.index_cast %while3A_351 : i32 to index
        %get3A_447 = tpu.vector_load %arg11[%get3A_446] {strides = array<i32>} : memref<272xi32, #tpu.memory_space<vmem>>, vector<16xi32>,
        %slice3A_448 = vector.extract_strided_slice %get3A_447 {offsets = [0], sizes = [1], strides = [1]} : vector<16xi32> to vector<1xi32>
        %squeeze3A_449 = vector.extract %slice3A_448[0] : i32 from vector<1xi32>
        %jit3A_450 = arith.constant 256 : i32
        %select_n3A_451 = arith.select %lt3A_445, %squeeze3A_449, %jit3A_450 : i32
        %while3A_452 = arith.subi %select_n3A_451, %while3A_352 : i32
        %while3A_453 = arith.addi %while3A_352, %while3A_452 : i32
        %while3A_454 = arith.constant 1 : i32
        %while3A_455 = arith.divsi %while3A_452, %while3A_454 : i32
        %while3A_456 = arith.muli %while3A_455, %while3A_454 : i32
        %while3A_457 = arith.addi %while3A_352, %while3A_456 : i32
        %while3A_458 = arith.constant 1 : i32
        %while3A_459:8 = scf.for %while3A_462 = %while3A_352 to %while3A_457 step %while3A_458 iter_args(%while3A_463 = %broadcast_in_dim3A_3, %while3A_464 = %broadcast_in_dim3A_3, %while3A_465 = %broadcast_in_dim3A_3, %while3A_466 = %broadcast_in_dim3A_3, %while3A_467 = %broadcast_in_dim3A_3, %while3A_468 = %broadcast_in_dim3A_3, %while3A_469 = %broadcast_in_dim3A_3, %while3A_470 = %broadcast_in_dim3A_3) -> (vector<16xf32>, vector<16xf32>, vector<16xf32>, vector<16xf32>, vector<16xf32>, vector<16xf32>, vector<16xf32>, vector<16xf32>)  : i32 {
          %mul3A_471 = arith.constant 128 : i32
          %mul3A_472 = arith.muli %while3A_462, %mul3A_471 : i32
          %add3A_473 = arith.constant 0 : i32
          %add3A_474 = arith.addi %mul3A_472, %add3A_473 : i32
          %get3A_475 = arith.index_cast %add3A_474 : i32 to index
          %get3A_476 = tpu.vector_load %arg7[%get3A_475] {strides = array<i32>} : memref<32768xf32, #tpu.memory_space<vmem>>, vector<16xf32>,
          %max3A_477 = arith.maximumf %while3A_463, %get3A_476 : vector<16xf32>
          %mul3A_478 = arith.constant 128 : i32
          %mul3A_479 = arith.muli %while3A_462, %mul3A_478 : i32
          %add3A_480 = arith.constant 16 : i32
          %add3A_481 = arith.addi %mul3A_479, %add3A_480 : i32
          %get3A_482 = arith.index_cast %add3A_481 : i32 to index
          %get3A_483 = tpu.vector_load %arg7[%get3A_482] {strides = array<i32>} : memref<32768xf32, #tpu.memory_space<vmem>>, vector<16xf32>,
          %max3A_484 = arith.maximumf %while3A_464, %get3A_483 : vector<16xf32>
          %mul3A_485 = arith.constant 128 : i32
          %mul3A_486 = arith.muli %while3A_462, %mul3A_485 : i32
          %add3A_487 = arith.constant 32 : i32
          %add3A_488 = arith.addi %mul3A_486, %add3A_487 : i32
          %get3A_489 = arith.index_cast %add3A_488 : i32 to index
          %get3A_490 = tpu.vector_load %arg7[%get3A_489] {strides = array<i32>} : memref<32768xf32, #tpu.memory_space<vmem>>, vector<16xf32>,
          %max3A_491 = arith.maximumf %while3A_465, %get3A_490 : vector<16xf32>
          %mul3A_492 = arith.constant 128 : i32
          %mul3A_493 = arith.muli %while3A_462, %mul3A_492 : i32
          %add3A_494 = arith.constant 48 : i32
          %add3A_495 = arith.addi %mul3A_493, %add3A_494 : i32
          %get3A_496 = arith.index_cast %add3A_495 : i32 to index
          %get3A_497 = tpu.vector_load %arg7[%get3A_496] {strides = array<i32>} : memref<32768xf32, #tpu.memory_space<vmem>>, vector<16xf32>,
          %max3A_498 = arith.maximumf %while3A_466, %get3A_497 : vector<16xf32>
          %mul3A_499 = arith.constant 128 : i32
          %mul3A_500 = arith.muli %while3A_462, %mul3A_499 : i32
          %add3A_501 = arith.constant 64 : i32
          %add3A_502 = arith.addi %mul3A_500, %add3A_501 : i32
          %get3A_503 = arith.index_cast %add3A_502 : i32 to index
          %get3A_504 = tpu.vector_load %arg7[%get3A_503] {strides = array<i32>} : memref<32768xf32, #tpu.memory_space<vmem>>, vector<16xf32>,
          %max3A_505 = arith.maximumf %while3A_467, %get3A_504 : vector<16xf32>
          %mul3A_506 = arith.constant 128 : i32
          %mul3A_507 = arith.muli %while3A_462, %mul3A_506 : i32
          %add3A_508 = arith.constant 80 : i32
          %add3A_509 = arith.addi %mul3A_507, %add3A_508 : i32
          %get3A_510 = arith.index_cast %add3A_509 : i32 to index
          %get3A_511 = tpu.vector_load %arg7[%get3A_510] {strides = array<i32>} : memref<32768xf32, #tpu.memory_space<vmem>>, vector<16xf32>,
          %max3A_512 = arith.maximumf %while3A_468, %get3A_511 : vector<16xf32>
          %mul3A_513 = arith.constant 128 : i32
          %mul3A_514 = arith.muli %while3A_462, %mul3A_513 : i32
          %add3A_515 = arith.constant 96 : i32
          %add3A_516 = arith.addi %mul3A_514, %add3A_515 : i32
          %get3A_517 = arith.index_cast %add3A_516 : i32 to index
          %get3A_518 = tpu.vector_load %arg7[%get3A_517] {strides = array<i32>} : memref<32768xf32, #tpu.memory_space<vmem>>, vector<16xf32>,
          %max3A_519 = arith.maximumf %while3A_469, %get3A_518 : vector<16xf32>
          %mul3A_520 = arith.constant 128 : i32
          %mul3A_521 = arith.muli %while3A_462, %mul3A_520 : i32
          %add3A_522 = arith.constant 112 : i32
          %add3A_523 = arith.addi %mul3A_521, %add3A_522 : i32
          %get3A_524 = arith.index_cast %add3A_523 : i32 to index
          %get3A_525 = tpu.vector_load %arg7[%get3A_524] {strides = array<i32>} : memref<32768xf32, #tpu.memory_space<vmem>>, vector<16xf32>,
          %max3A_526 = arith.maximumf %while3A_470, %get3A_525 : vector<16xf32>
          scf.yield %max3A_477, %max3A_484, %max3A_491, %max3A_498, %max3A_505, %max3A_512, %max3A_519, %max3A_526 : vector<16xf32>, vector<16xf32>, vector<16xf32>, vector<16xf32>, vector<16xf32>, vector<16xf32>, vector<16xf32>, vector<16xf32>
        }
        %while3A_460 = arith.constant 1 : i32
        %while3A_461:8 = scf.for %while3A_462 = %while3A_457 to %while3A_453 step %while3A_460 iter_args(%while3A_463 = %while3A_459#0, %while3A_464 = %while3A_459#1, %while3A_465 = %while3A_459#2, %while3A_466 = %while3A_459#3, %while3A_467 = %while3A_459#4, %while3A_468 = %while3A_459#5, %while3A_469 = %while3A_459#6, %while3A_470 = %while3A_459#7) -> (vector<16xf32>, vector<16xf32>, vector<16xf32>, vector<16xf32>, vector<16xf32>, vector<16xf32>, vector<16xf32>, vector<16xf32>)  : i32 {
          %mul3A_471 = arith.constant 128 : i32
          %mul3A_472 = arith.muli %while3A_462, %mul3A_471 : i32
          %add3A_473 = arith.constant 0 : i32
          %add3A_474 = arith.addi %mul3A_472, %add3A_473 : i32
          %get3A_475 = arith.index_cast %add3A_474 : i32 to index
          %get3A_476 = tpu.vector_load %arg7[%get3A_475] {strides = array<i32>} : memref<32768xf32, #tpu.memory_space<vmem>>, vector<16xf32>,
          %max3A_477 = arith.maximumf %while3A_463, %get3A_476 : vector<16xf32>
          %mul3A_478 = arith.constant 128 : i32
          %mul3A_479 = arith.muli %while3A_462, %mul3A_478 : i32
          %add3A_480 = arith.constant 16 : i32
          %add3A_481 = arith.addi %mul3A_479, %add3A_480 : i32
          %get3A_482 = arith.index_cast %add3A_481 : i32 to index
          %get3A_483 = tpu.vector_load %arg7[%get3A_482] {strides = array<i32>} : memref<32768xf32, #tpu.memory_space<vmem>>, vector<16xf32>,
          %max3A_484 = arith.maximumf %while3A_464, %get3A_483 : vector<16xf32>
          %mul3A_485 = arith.constant 128 : i32
          %mul3A_486 = arith.muli %while3A_462, %mul3A_485 : i32
          %add3A_487 = arith.constant 32 : i32
          %add3A_488 = arith.addi %mul3A_486, %add3A_487 : i32
          %get3A_489 = arith.index_cast %add3A_488 : i32 to index
          %get3A_490 = tpu.vector_load %arg7[%get3A_489] {strides = array<i32>} : memref<32768xf32, #tpu.memory_space<vmem>>, vector<16xf32>,
          %max3A_491 = arith.maximumf %while3A_465, %get3A_490 : vector<16xf32>
          %mul3A_492 = arith.constant 128 : i32
          %mul3A_493 = arith.muli %while3A_462, %mul3A_492 : i32
          %add3A_494 = arith.constant 48 : i32
          %add3A_495 = arith.addi %mul3A_493, %add3A_494 : i32
          %get3A_496 = arith.index_cast %add3A_495 : i32 to index
          %get3A_497 = tpu.vector_load %arg7[%get3A_496] {strides = array<i32>} : memref<32768xf32, #tpu.memory_space<vmem>>, vector<16xf32>,
          %max3A_498 = arith.maximumf %while3A_466, %get3A_497 : vector<16xf32>
          %mul3A_499 = arith.constant 128 : i32
          %mul3A_500 = arith.muli %while3A_462, %mul3A_499 : i32
          %add3A_501 = arith.constant 64 : i32
          %add3A_502 = arith.addi %mul3A_500, %add3A_501 : i32
          %get3A_503 = arith.index_cast %add3A_502 : i32 to index
          %get3A_504 = tpu.vector_load %arg7[%get3A_503] {strides = array<i32>} : memref<32768xf32, #tpu.memory_space<vmem>>, vector<16xf32>,
          %max3A_505 = arith.maximumf %while3A_467, %get3A_504 : vector<16xf32>
          %mul3A_506 = arith.constant 128 : i32
          %mul3A_507 = arith.muli %while3A_462, %mul3A_506 : i32
          %add3A_508 = arith.constant 80 : i32
          %add3A_509 = arith.addi %mul3A_507, %add3A_508 : i32
          %get3A_510 = arith.index_cast %add3A_509 : i32 to index
          %get3A_511 = tpu.vector_load %arg7[%get3A_510] {strides = array<i32>} : memref<32768xf32, #tpu.memory_space<vmem>>, vector<16xf32>,
          %max3A_512 = arith.maximumf %while3A_468, %get3A_511 : vector<16xf32>
          %mul3A_513 = arith.constant 128 : i32
          %mul3A_514 = arith.muli %while3A_462, %mul3A_513 : i32
          %add3A_515 = arith.constant 96 : i32
          %add3A_516 = arith.addi %mul3A_514, %add3A_515 : i32
          %get3A_517 = arith.index_cast %add3A_516 : i32 to index
          %get3A_518 = tpu.vector_load %arg7[%get3A_517] {strides = array<i32>} : memref<32768xf32, #tpu.memory_space<vmem>>, vector<16xf32>,
          %max3A_519 = arith.maximumf %while3A_469, %get3A_518 : vector<16xf32>
          %mul3A_520 = arith.constant 128 : i32
          %mul3A_521 = arith.muli %while3A_462, %mul3A_520 : i32
          %add3A_522 = arith.constant 112 : i32
          %add3A_523 = arith.addi %mul3A_521, %add3A_522 : i32
          %get3A_524 = arith.index_cast %add3A_523 : i32 to index
          %get3A_525 = tpu.vector_load %arg7[%get3A_524] {strides = array<i32>} : memref<32768xf32, #tpu.memory_space<vmem>>, vector<16xf32>,
          %max3A_526 = arith.maximumf %while3A_470, %get3A_525 : vector<16xf32>
          scf.yield %max3A_477, %max3A_484, %max3A_491, %max3A_498, %max3A_505, %max3A_512, %max3A_519, %max3A_526 : vector<16xf32>, vector<16xf32>, vector<16xf32>, vector<16xf32>, vector<16xf32>, vector<16xf32>, vector<16xf32>, vector<16xf32>
        }
        scf.yield %select_n3A_451, %squeeze3A_444, %while3A_461#0, %while3A_461#1, %while3A_461#2, %while3A_461#3, %while3A_461#4, %while3A_461#5, %while3A_461#6, %while3A_461#7 : i32, i32, vector<16xf32>, vector<16xf32>, vector<16xf32>, vector<16xf32>, vector<16xf32>, vector<16xf32>, vector<16xf32>, vector<16xf32>
      }
      %add3A_271 = arith.constant 2 : i32
      %add3A_272 = arith.addi %add3A_232, %add3A_271 : i32
      %mul3A_273 = arith.constant 256 : i32
      %mul3A_274 = arith.muli %add3A_272, %mul3A_273 : i32
      %add3A_275 = arith.addi %and3A_12, %mul3A_274 : i32
      %min3A_276 = arith.constant 319744 : i32
      %min3A_277 = arith.minsi %add3A_275, %min3A_276 : i32
      %multiple_of3A_278 = tpu.assume_multiple %min3A_277, 8 : i32
      %mul3A_279 = arith.constant 128 : i32
      %mul3A_280 = arith.muli %multiple_of3A_278, %mul3A_279 : i32
      %multiple_of3A_281 = tpu.assume_multiple %mul3A_280, 8 : i32
      %dma_start3A_282 = tpu.memref_slice %arg2[%multiple_of3A_281] : memref<40960000xf32, #tpu.memory_space<hbm>> -> memref<32768xf32, #tpu.memory_space<hbm>>
      %dma_start3A_283 = tpu.memref_slice %arg2[%multiple_of3A_281] : memref<40960000xf32, #tpu.memory_space<hbm>> -> memref<32768xf32, #tpu.memory_space<hbm>>
      tpu.enqueue_dma source(%dma_start3A_283 : memref<32768xf32, #tpu.memory_space<hbm>>) target(%arg7 : memref<32768xf32, #tpu.memory_space<vmem>>) target_semaphore(%arg13 : memref<!tpu.dma_semaphore, #tpu.memory_space<semaphore_mem>>)
      %dma_start3A_284 = arith.constant 8 : i32
      %dma_start3A_285 = tpu.memref_slice %arg9[%dma_start3A_284] : memref<280xi32, #tpu.memory_space<vmem>> -> memref<256xi32, #tpu.memory_space<vmem>>
      %dma_start3A_286 = tpu.memref_slice %arg3[%multiple_of3A_278] : memref<320000xi32, #tpu.memory_space<hbm>> -> memref<256xi32, #tpu.memory_space<hbm>>
      %dma_start3A_287 = arith.constant 8 : i32
      %dma_start3A_288 = tpu.memref_slice %arg9[%dma_start3A_287] : memref<280xi32, #tpu.memory_space<vmem>> -> memref<256xi32, #tpu.memory_space<vmem>>
      %dma_start3A_289 = tpu.memref_slice %arg3[%multiple_of3A_278] : memref<320000xi32, #tpu.memory_space<hbm>> -> memref<256xi32, #tpu.memory_space<hbm>>
      tpu.enqueue_dma source(%dma_start3A_289 : memref<256xi32, #tpu.memory_space<hbm>>) target(%dma_start3A_288 : memref<256xi32, #tpu.memory_space<vmem>>) target_semaphore(%arg15 : memref<!tpu.dma_semaphore, #tpu.memory_space<semaphore_mem>>)
      %mul3A_290 = arith.constant 2 : i32
      %mul3A_291 = arith.muli %mul3A_290, %while3A_219 : i32
      %add3A_292 = arith.constant 1 : i32
      %add3A_293 = arith.addi %mul3A_291, %add3A_292 : i32
      %mul3A_294 = arith.constant 256 : i32
      %mul3A_295 = arith.muli %add3A_293, %mul3A_294 : i32
      %add3A_296 = arith.addi %and3A_12, %mul3A_295 : i32
      %min3A_297 = arith.constant 319744 : i32
      %min3A_298 = arith.minsi %add3A_296, %min3A_297 : i32
      %multiple_of3A_299 = tpu.assume_multiple %min3A_298, 8 : i32
      %mul3A_300 = arith.constant 128 : i32
      %mul3A_301 = arith.muli %multiple_of3A_299, %mul3A_300 : i32
      %multiple_of3A_302 = tpu.assume_multiple %mul3A_301, 8 : i32
      %dma_wait3A_303 = tpu.memref_slice %arg2[%multiple_of3A_302] : memref<40960000xf32, #tpu.memory_space<hbm>> -> memref<32768xf32, #tpu.memory_space<hbm>>
      %dma_wait3A_304 = tpu.memref_slice %arg2[%multiple_of3A_302] : memref<40960000xf32, #tpu.memory_space<hbm>> -> memref<32768xf32, #tpu.memory_space<hbm>>
      tpu.wait_dma2 semaphore(%arg14 : memref<!tpu.dma_semaphore, #tpu.memory_space<semaphore_mem>>) src(%dma_wait3A_304 : memref<32768xf32, #tpu.memory_space<hbm>>) dst(%arg8 : memref<32768xf32, #tpu.memory_space<vmem>>)
      %dma_wait3A_305 = arith.constant 8 : i32
      %dma_wait3A_306 = tpu.memref_slice %arg10[%dma_wait3A_305] : memref<280xi32, #tpu.memory_space<vmem>> -> memref<256xi32, #tpu.memory_space<vmem>>
      %dma_wait3A_307 = tpu.memref_slice %arg3[%multiple_of3A_299] : memref<320000xi32, #tpu.memory_space<hbm>> -> memref<256xi32, #tpu.memory_space<hbm>>
      %dma_wait3A_308 = arith.constant 8 : i32
      %dma_wait3A_309 = tpu.memref_slice %arg10[%dma_wait3A_308] : memref<280xi32, #tpu.memory_space<vmem>> -> memref<256xi32, #tpu.memory_space<vmem>>
      %dma_wait3A_310 = tpu.memref_slice %arg3[%multiple_of3A_299] : memref<320000xi32, #tpu.memory_space<hbm>> -> memref<256xi32, #tpu.memory_space<hbm>>
      tpu.wait_dma2 semaphore(%arg16 : memref<!tpu.dma_semaphore, #tpu.memory_space<semaphore_mem>>) src(%dma_wait3A_310 : memref<256xi32, #tpu.memory_space<hbm>>) dst(%dma_wait3A_309 : memref<256xi32, #tpu.memory_space<vmem>>)
      %scan3A_311 = arith.constant 0 : i32
      %scan3A_312 = arith.constant 0 : i32
      %scan3A_313 = arith.constant 16 : i32
      %scan3A_314 = arith.addi %scan3A_312, %scan3A_313 : i32
      %scan3A_315 = arith.constant 1 : i32
      %scan3A_316 = scf.for %scan3A_351 = %scan3A_312 to %scan3A_314 step %scan3A_315 iter_args(%scan3A_352 = %scan3A_311) -> (i32)  : i32 {
        %mul3A_353 = arith.constant 16 : i32
        %mul3A_354 = arith.muli %scan3A_351, %mul3A_353 : i32
        %add3A_355 = arith.constant 8 : i32
        %add3A_356 = arith.addi %add3A_355, %mul3A_354 : i32
        %get3A_357 = arith.index_cast %add3A_356 : i32 to index
        %get3A_358 = tpu.vector_load %arg10[%get3A_357] {strides = array<i32>} : memref<280xi32, #tpu.memory_space<vmem>>, vector<16xi32>,
        %mul3A_359 = arith.constant 16 : i32
        %mul3A_360 = arith.muli %scan3A_351, %mul3A_359 : i32
        %add3A_361 = arith.constant 7 : i32
        %add3A_362 = arith.addi %add3A_361, %mul3A_360 : i32
        %get3A_363 = arith.index_cast %add3A_362 : i32 to index
        %get3A_364 = tpu.vector_load %arg10[%get3A_363] {strides = array<i32>} : memref<280xi32, #tpu.memory_space<vmem>>, vector<16xi32>,
        %ne3A_365 = arith.cmpi ne, %get3A_358, %get3A_364 : vector<16xi32>
        %mul3A_366 = arith.constant 16 : i32
        %mul3A_367 = arith.muli %scan3A_351, %mul3A_366 : i32
        %add3A_368 = vector.broadcast %mul3A_367 : i32 to vector<16xi32>
        %add3A_369 = arith.addi %iota3A, %add3A_368 : vector<16xi32>
        %swap3A_370 = arith.index_cast %scan3A_352 : i32 to index
        %swap3A_371 = tpu.vector_load %arg11[%swap3A_370] masked %ne3A_365 {strides = array<i32>} : memref<272xi32, #tpu.memory_space<vmem>>, vector<16xi32>, vector<16xi1>
        tpu.vector_store %arg11[%swap3A_370], %add3A_369 masked %ne3A_365 {strides = array<i32>} : memref<272xi32, #tpu.memory_space<vmem>>, vector<16xi32>, vector<16xi1>
        %all_reduce_population_count3A = tpu.all_reduce %ne3A_365 {dim = 0 : i64, kind = #tpu.reduction_kind<sum>} : vector<16xi1> -> vector<16xi32>
        %slice3A_372 = vector.extract_strided_slice %all_reduce_population_count3A {offsets = [0], sizes = [1], strides = [1]} : vector<16xi32> to vector<1xi32>
        %squeeze3A_373 = vector.extract %slice3A_372[0] : i32 from vector<1xi32>
        %add3A_374 = arith.addi %scan3A_352, %squeeze3A_373 : i32
        scf.yield %add3A_374 : i32
      }
      %scan3A_317 = arith.constant 16 : i32
      %add3A_318 = arith.constant 1 : i32
      %add3A_319 = arith.addi %scan3A_316, %add3A_318 : i32
      %while3A_320 = arith.constant 0 : i32
      %while3A_321 = arith.constant 0 : i32
      %while3A_322 = arith.subi %add3A_319, %while3A_320 : i32
      %while3A_323 = arith.addi %while3A_320, %while3A_322 : i32
      %while3A_324 = arith.constant 1 : i32
      %while3A_325 = arith.divsi %while3A_322, %while3A_324 : i32
      %while3A_326 = arith.muli %while3A_325, %while3A_324 : i32
      %while3A_327 = arith.addi %while3A_320, %while3A_326 : i32
      %while3A_328 = arith.constant 1 : i32
      %while3A_329:10 = scf.for %while3A_351 = %while3A_320 to %while3A_327 step %while3A_328 iter_args(%while3A_352 = %while3A_321, %while3A_353 = %while3A_270#1, %while3A_354 = %while3A_270#2, %while3A_355 = %while3A_270#3, %while3A_356 = %while3A_270#4, %while3A_357 = %while3A_270#5, %while3A_358 = %while3A_270#6, %while3A_359 = %while3A_270#7, %while3A_360 = %while3A_270#8, %while3A_361 = %while3A_270#9) -> (i32, i32, vector<16xf32>, vector<16xf32>, vector<16xf32>, vector<16xf32>, vector<16xf32>, vector<16xf32>, vector<16xf32>, vector<16xf32>)  : i32 {
        %sub3A_362 = arith.subi %while3A_353, %mul3A_2 : i32
        %min3A_363 = arith.constant 313 : i32
        %min3A_364 = arith.minui %sub3A_362, %min3A_363 : i32
        %mul3A_365 = arith.constant 128 : i32
        %mul3A_366 = arith.muli %min3A_364, %mul3A_365 : i32
        %add3A_367 = arith.constant 0 : i32
        %add3A_368 = arith.addi %mul3A_366, %add3A_367 : i32
        %get3A_369 = arith.index_cast %add3A_368 : i32 to index
        %get3A_370 = tpu.vector_load %arg12[%get3A_369] {strides = array<i32>} : memref<40192xf32, #tpu.memory_space<vmem>>, vector<16xf32>,
        %max3A_371 = arith.maximumf %get3A_370, %while3A_354 : vector<16xf32>
        %add3A_372 = arith.constant 0 : i32
        %add3A_373 = arith.addi %mul3A_366, %add3A_372 : i32
        %swap3A_374 = arith.index_cast %add3A_373 : i32 to index
        %swap3A_375 = tpu.vector_load %arg12[%swap3A_374] {strides = array<i32>} : memref<40192xf32, #tpu.memory_space<vmem>>, vector<16xf32>,
        tpu.vector_store %arg12[%swap3A_374], %max3A_371 {strides = array<i32>} : memref<40192xf32, #tpu.memory_space<vmem>>, vector<16xf32>,
        %add3A_376 = arith.constant 16 : i32
        %add3A_377 = arith.addi %mul3A_366, %add3A_376 : i32
        %get3A_378 = arith.index_cast %add3A_377 : i32 to index
        %get3A_379 = tpu.vector_load %arg12[%get3A_378] {strides = array<i32>} : memref<40192xf32, #tpu.memory_space<vmem>>, vector<16xf32>,
        %max3A_380 = arith.maximumf %get3A_379, %while3A_355 : vector<16xf32>
        %add3A_381 = arith.constant 16 : i32
        %add3A_382 = arith.addi %mul3A_366, %add3A_381 : i32
        %swap3A_383 = arith.index_cast %add3A_382 : i32 to index
        %swap3A_384 = tpu.vector_load %arg12[%swap3A_383] {strides = array<i32>} : memref<40192xf32, #tpu.memory_space<vmem>>, vector<16xf32>,
        tpu.vector_store %arg12[%swap3A_383], %max3A_380 {strides = array<i32>} : memref<40192xf32, #tpu.memory_space<vmem>>, vector<16xf32>,
        %add3A_385 = arith.constant 32 : i32
        %add3A_386 = arith.addi %mul3A_366, %add3A_385 : i32
        %get3A_387 = arith.index_cast %add3A_386 : i32 to index
        %get3A_388 = tpu.vector_load %arg12[%get3A_387] {strides = array<i32>} : memref<40192xf32, #tpu.memory_space<vmem>>, vector<16xf32>,
        %max3A_389 = arith.maximumf %get3A_388, %while3A_356 : vector<16xf32>
        %add3A_390 = arith.constant 32 : i32
        %add3A_391 = arith.addi %mul3A_366, %add3A_390 : i32
        %swap3A_392 = arith.index_cast %add3A_391 : i32 to index
        %swap3A_393 = tpu.vector_load %arg12[%swap3A_392] {strides = array<i32>} : memref<40192xf32, #tpu.memory_space<vmem>>, vector<16xf32>,
        tpu.vector_store %arg12[%swap3A_392], %max3A_389 {strides = array<i32>} : memref<40192xf32, #tpu.memory_space<vmem>>, vector<16xf32>,
        %add3A_394 = arith.constant 48 : i32
        %add3A_395 = arith.addi %mul3A_366, %add3A_394 : i32
        %get3A_396 = arith.index_cast %add3A_395 : i32 to index
        %get3A_397 = tpu.vector_load %arg12[%get3A_396] {strides = array<i32>} : memref<40192xf32, #tpu.memory_space<vmem>>, vector<16xf32>,
        %max3A_398 = arith.maximumf %get3A_397, %while3A_357 : vector<16xf32>
        %add3A_399 = arith.constant 48 : i32
        %add3A_400 = arith.addi %mul3A_366, %add3A_399 : i32
        %swap3A_401 = arith.index_cast %add3A_400 : i32 to index
        %swap3A_402 = tpu.vector_load %arg12[%swap3A_401] {strides = array<i32>} : memref<40192xf32, #tpu.memory_space<vmem>>, vector<16xf32>,
        tpu.vector_store %arg12[%swap3A_401], %max3A_398 {strides = array<i32>} : memref<40192xf32, #tpu.memory_space<vmem>>, vector<16xf32>,
        %add3A_403 = arith.constant 64 : i32
        %add3A_404 = arith.addi %mul3A_366, %add3A_403 : i32
        %get3A_405 = arith.index_cast %add3A_404 : i32 to index
        %get3A_406 = tpu.vector_load %arg12[%get3A_405] {strides = array<i32>} : memref<40192xf32, #tpu.memory_space<vmem>>, vector<16xf32>,
        %max3A_407 = arith.maximumf %get3A_406, %while3A_358 : vector<16xf32>
        %add3A_408 = arith.constant 64 : i32
        %add3A_409 = arith.addi %mul3A_366, %add3A_408 : i32
        %swap3A_410 = arith.index_cast %add3A_409 : i32 to index
        %swap3A_411 = tpu.vector_load %arg12[%swap3A_410] {strides = array<i32>} : memref<40192xf32, #tpu.memory_space<vmem>>, vector<16xf32>,
        tpu.vector_store %arg12[%swap3A_410], %max3A_407 {strides = array<i32>} : memref<40192xf32, #tpu.memory_space<vmem>>, vector<16xf32>,
        %add3A_412 = arith.constant 80 : i32
        %add3A_413 = arith.addi %mul3A_366, %add3A_412 : i32
        %get3A_414 = arith.index_cast %add3A_413 : i32 to index
        %get3A_415 = tpu.vector_load %arg12[%get3A_414] {strides = array<i32>} : memref<40192xf32, #tpu.memory_space<vmem>>, vector<16xf32>,
        %max3A_416 = arith.maximumf %get3A_415, %while3A_359 : vector<16xf32>
        %add3A_417 = arith.constant 80 : i32
        %add3A_418 = arith.addi %mul3A_366, %add3A_417 : i32
        %swap3A_419 = arith.index_cast %add3A_418 : i32 to index
        %swap3A_420 = tpu.vector_load %arg12[%swap3A_419] {strides = array<i32>} : memref<40192xf32, #tpu.memory_space<vmem>>, vector<16xf32>,
        tpu.vector_store %arg12[%swap3A_419], %max3A_416 {strides = array<i32>} : memref<40192xf32, #tpu.memory_space<vmem>>, vector<16xf32>,
        %add3A_421 = arith.constant 96 : i32
        %add3A_422 = arith.addi %mul3A_366, %add3A_421 : i32
        %get3A_423 = arith.index_cast %add3A_422 : i32 to index
        %get3A_424 = tpu.vector_load %arg12[%get3A_423] {strides = array<i32>} : memref<40192xf32, #tpu.memory_space<vmem>>, vector<16xf32>,
        %max3A_425 = arith.maximumf %get3A_424, %while3A_360 : vector<16xf32>
        %add3A_426 = arith.constant 96 : i32
        %add3A_427 = arith.addi %mul3A_366, %add3A_426 : i32
        %swap3A_428 = arith.index_cast %add3A_427 : i32 to index
        %swap3A_429 = tpu.vector_load %arg12[%swap3A_428] {strides = array<i32>} : memref<40192xf32, #tpu.memory_space<vmem>>, vector<16xf32>,
        tpu.vector_store %arg12[%swap3A_428], %max3A_425 {strides = array<i32>} : memref<40192xf32, #tpu.memory_space<vmem>>, vector<16xf32>,
        %add3A_430 = arith.constant 112 : i32
        %add3A_431 = arith.addi %mul3A_366, %add3A_430 : i32
        %get3A_432 = arith.index_cast %add3A_431 : i32 to index
        %get3A_433 = tpu.vector_load %arg12[%get3A_432] {strides = array<i32>} : memref<40192xf32, #tpu.memory_space<vmem>>, vector<16xf32>,
        %max3A_434 = arith.maximumf %get3A_433, %while3A_361 : vector<16xf32>
        %add3A_435 = arith.constant 112 : i32
        %add3A_436 = arith.addi %mul3A_366, %add3A_435 : i32
        %swap3A_437 = arith.index_cast %add3A_436 : i32 to index
        %swap3A_438 = tpu.vector_load %arg12[%swap3A_437] {strides = array<i32>} : memref<40192xf32, #tpu.memory_space<vmem>>, vector<16xf32>,
        tpu.vector_store %arg12[%swap3A_437], %max3A_434 {strides = array<i32>} : memref<40192xf32, #tpu.memory_space<vmem>>, vector<16xf32>,
        %add3A_439 = arith.constant 8 : i32
        %add3A_440 = arith.addi %add3A_439, %while3A_352 : i32
        %get3A_441 = arith.index_cast %add3A_440 : i32 to index
        %get3A_442 = tpu.vector_load %arg10[%get3A_441] {strides = array<i32>} : memref<280xi32, #tpu.memory_space<vmem>>, vector<16xi32>,
        %slice3A_443 = vector.extract_strided_slice %get3A_442 {offsets = [0], sizes = [1], strides = [1]} : vector<16xi32> to vector<1xi32>
        %squeeze3A_444 = vector.extract %slice3A_443[0] : i32 from vector<1xi32>
        %lt3A_445 = arith.cmpi slt, %while3A_351, %scan3A_316 : i32
        %get3A_446 = arith.index_cast %while3A_351 : i32 to index
        %get3A_447 = tpu.vector_load %arg11[%get3A_446] {strides = array<i32>} : memref<272xi32, #tpu.memory_space<vmem>>, vector<16xi32>,
        %slice3A_448 = vector.extract_strided_slice %get3A_447 {offsets = [0], sizes = [1], strides = [1]} : vector<16xi32> to vector<1xi32>
        %squeeze3A_449 = vector.extract %slice3A_448[0] : i32 from vector<1xi32>
        %jit3A_450 = arith.constant 256 : i32
        %select_n3A_451 = arith.select %lt3A_445, %squeeze3A_449, %jit3A_450 : i32
        %while3A_452 = arith.subi %select_n3A_451, %while3A_352 : i32
        %while3A_453 = arith.addi %while3A_352, %while3A_452 : i32
        %while3A_454 = arith.constant 1 : i32
        %while3A_455 = arith.divsi %while3A_452, %while3A_454 : i32
        %while3A_456 = arith.muli %while3A_455, %while3A_454 : i32
        %while3A_457 = arith.addi %while3A_352, %while3A_456 : i32
        %while3A_458 = arith.constant 1 : i32
        %while3A_459:8 = scf.for %while3A_462 = %while3A_352 to %while3A_457 step %while3A_458 iter_args(%while3A_463 = %broadcast_in_dim3A_3, %while3A_464 = %broadcast_in_dim3A_3, %while3A_465 = %broadcast_in_dim3A_3, %while3A_466 = %broadcast_in_dim3A_3, %while3A_467 = %broadcast_in_dim3A_3, %while3A_468 = %broadcast_in_dim3A_3, %while3A_469 = %broadcast_in_dim3A_3, %while3A_470 = %broadcast_in_dim3A_3) -> (vector<16xf32>, vector<16xf32>, vector<16xf32>, vector<16xf32>, vector<16xf32>, vector<16xf32>, vector<16xf32>, vector<16xf32>)  : i32 {
          %mul3A_471 = arith.constant 128 : i32
          %mul3A_472 = arith.muli %while3A_462, %mul3A_471 : i32
          %add3A_473 = arith.constant 0 : i32
          %add3A_474 = arith.addi %mul3A_472, %add3A_473 : i32
          %get3A_475 = arith.index_cast %add3A_474 : i32 to index
          %get3A_476 = tpu.vector_load %arg8[%get3A_475] {strides = array<i32>} : memref<32768xf32, #tpu.memory_space<vmem>>, vector<16xf32>,
          %max3A_477 = arith.maximumf %while3A_463, %get3A_476 : vector<16xf32>
          %mul3A_478 = arith.constant 128 : i32
          %mul3A_479 = arith.muli %while3A_462, %mul3A_478 : i32
          %add3A_480 = arith.constant 16 : i32
          %add3A_481 = arith.addi %mul3A_479, %add3A_480 : i32
          %get3A_482 = arith.index_cast %add3A_481 : i32 to index
          %get3A_483 = tpu.vector_load %arg8[%get3A_482] {strides = array<i32>} : memref<32768xf32, #tpu.memory_space<vmem>>, vector<16xf32>,
          %max3A_484 = arith.maximumf %while3A_464, %get3A_483 : vector<16xf32>
          %mul3A_485 = arith.constant 128 : i32
          %mul3A_486 = arith.muli %while3A_462, %mul3A_485 : i32
          %add3A_487 = arith.constant 32 : i32
          %add3A_488 = arith.addi %mul3A_486, %add3A_487 : i32
          %get3A_489 = arith.index_cast %add3A_488 : i32 to index
          %get3A_490 = tpu.vector_load %arg8[%get3A_489] {strides = array<i32>} : memref<32768xf32, #tpu.memory_space<vmem>>, vector<16xf32>,
          %max3A_491 = arith.maximumf %while3A_465, %get3A_490 : vector<16xf32>
          %mul3A_492 = arith.constant 128 : i32
          %mul3A_493 = arith.muli %while3A_462, %mul3A_492 : i32
          %add3A_494 = arith.constant 48 : i32
          %add3A_495 = arith.addi %mul3A_493, %add3A_494 : i32
          %get3A_496 = arith.index_cast %add3A_495 : i32 to index
          %get3A_497 = tpu.vector_load %arg8[%get3A_496] {strides = array<i32>} : memref<32768xf32, #tpu.memory_space<vmem>>, vector<16xf32>,
          %max3A_498 = arith.maximumf %while3A_466, %get3A_497 : vector<16xf32>
          %mul3A_499 = arith.constant 128 : i32
          %mul3A_500 = arith.muli %while3A_462, %mul3A_499 : i32
          %add3A_501 = arith.constant 64 : i32
          %add3A_502 = arith.addi %mul3A_500, %add3A_501 : i32
          %get3A_503 = arith.index_cast %add3A_502 : i32 to index
          %get3A_504 = tpu.vector_load %arg8[%get3A_503] {strides = array<i32>} : memref<32768xf32, #tpu.memory_space<vmem>>, vector<16xf32>,
          %max3A_505 = arith.maximumf %while3A_467, %get3A_504 : vector<16xf32>
          %mul3A_506 = arith.constant 128 : i32
          %mul3A_507 = arith.muli %while3A_462, %mul3A_506 : i32
          %add3A_508 = arith.constant 80 : i32
          %add3A_509 = arith.addi %mul3A_507, %add3A_508 : i32
          %get3A_510 = arith.index_cast %add3A_509 : i32 to index
          %get3A_511 = tpu.vector_load %arg8[%get3A_510] {strides = array<i32>} : memref<32768xf32, #tpu.memory_space<vmem>>, vector<16xf32>,
          %max3A_512 = arith.maximumf %while3A_468, %get3A_511 : vector<16xf32>
          %mul3A_513 = arith.constant 128 : i32
          %mul3A_514 = arith.muli %while3A_462, %mul3A_513 : i32
          %add3A_515 = arith.constant 96 : i32
          %add3A_516 = arith.addi %mul3A_514, %add3A_515 : i32
          %get3A_517 = arith.index_cast %add3A_516 : i32 to index
          %get3A_518 = tpu.vector_load %arg8[%get3A_517] {strides = array<i32>} : memref<32768xf32, #tpu.memory_space<vmem>>, vector<16xf32>,
          %max3A_519 = arith.maximumf %while3A_469, %get3A_518 : vector<16xf32>
          %mul3A_520 = arith.constant 128 : i32
          %mul3A_521 = arith.muli %while3A_462, %mul3A_520 : i32
          %add3A_522 = arith.constant 112 : i32
          %add3A_523 = arith.addi %mul3A_521, %add3A_522 : i32
          %get3A_524 = arith.index_cast %add3A_523 : i32 to index
          %get3A_525 = tpu.vector_load %arg8[%get3A_524] {strides = array<i32>} : memref<32768xf32, #tpu.memory_space<vmem>>, vector<16xf32>,
          %max3A_526 = arith.maximumf %while3A_470, %get3A_525 : vector<16xf32>
          scf.yield %max3A_477, %max3A_484, %max3A_491, %max3A_498, %max3A_505, %max3A_512, %max3A_519, %max3A_526 : vector<16xf32>, vector<16xf32>, vector<16xf32>, vector<16xf32>, vector<16xf32>, vector<16xf32>, vector<16xf32>, vector<16xf32>
        }
        %while3A_460 = arith.constant 1 : i32
        %while3A_461:8 = scf.for %while3A_462 = %while3A_457 to %while3A_453 step %while3A_460 iter_args(%while3A_463 = %while3A_459#0, %while3A_464 = %while3A_459#1, %while3A_465 = %while3A_459#2, %while3A_466 = %while3A_459#3, %while3A_467 = %while3A_459#4, %while3A_468 = %while3A_459#5, %while3A_469 = %while3A_459#6, %while3A_470 = %while3A_459#7) -> (vector<16xf32>, vector<16xf32>, vector<16xf32>, vector<16xf32>, vector<16xf32>, vector<16xf32>, vector<16xf32>, vector<16xf32>)  : i32 {
          %mul3A_471 = arith.constant 128 : i32
          %mul3A_472 = arith.muli %while3A_462, %mul3A_471 : i32
          %add3A_473 = arith.constant 0 : i32
          %add3A_474 = arith.addi %mul3A_472, %add3A_473 : i32
          %get3A_475 = arith.index_cast %add3A_474 : i32 to index
          %get3A_476 = tpu.vector_load %arg8[%get3A_475] {strides = array<i32>} : memref<32768xf32, #tpu.memory_space<vmem>>, vector<16xf32>,
          %max3A_477 = arith.maximumf %while3A_463, %get3A_476 : vector<16xf32>
          %mul3A_478 = arith.constant 128 : i32
          %mul3A_479 = arith.muli %while3A_462, %mul3A_478 : i32
          %add3A_480 = arith.constant 16 : i32
          %add3A_481 = arith.addi %mul3A_479, %add3A_480 : i32
          %get3A_482 = arith.index_cast %add3A_481 : i32 to index
          %get3A_483 = tpu.vector_load %arg8[%get3A_482] {strides = array<i32>} : memref<32768xf32, #tpu.memory_space<vmem>>, vector<16xf32>,
          %max3A_484 = arith.maximumf %while3A_464, %get3A_483 : vector<16xf32>
          %mul3A_485 = arith.constant 128 : i32
          %mul3A_486 = arith.muli %while3A_462, %mul3A_485 : i32
          %add3A_487 = arith.constant 32 : i32
          %add3A_488 = arith.addi %mul3A_486, %add3A_487 : i32
          %get3A_489 = arith.index_cast %add3A_488 : i32 to index
          %get3A_490 = tpu.vector_load %arg8[%get3A_489] {strides = array<i32>} : memref<32768xf32, #tpu.memory_space<vmem>>, vector<16xf32>,
          %max3A_491 = arith.maximumf %while3A_465, %get3A_490 : vector<16xf32>
          %mul3A_492 = arith.constant 128 : i32
          %mul3A_493 = arith.muli %while3A_462, %mul3A_492 : i32
          %add3A_494 = arith.constant 48 : i32
          %add3A_495 = arith.addi %mul3A_493, %add3A_494 : i32
          %get3A_496 = arith.index_cast %add3A_495 : i32 to index
          %get3A_497 = tpu.vector_load %arg8[%get3A_496] {strides = array<i32>} : memref<32768xf32, #tpu.memory_space<vmem>>, vector<16xf32>,
          %max3A_498 = arith.maximumf %while3A_466, %get3A_497 : vector<16xf32>
          %mul3A_499 = arith.constant 128 : i32
          %mul3A_500 = arith.muli %while3A_462, %mul3A_499 : i32
          %add3A_501 = arith.constant 64 : i32
          %add3A_502 = arith.addi %mul3A_500, %add3A_501 : i32
          %get3A_503 = arith.index_cast %add3A_502 : i32 to index
          %get3A_504 = tpu.vector_load %arg8[%get3A_503] {strides = array<i32>} : memref<32768xf32, #tpu.memory_space<vmem>>, vector<16xf32>,
          %max3A_505 = arith.maximumf %while3A_467, %get3A_504 : vector<16xf32>
          %mul3A_506 = arith.constant 128 : i32
          %mul3A_507 = arith.muli %while3A_462, %mul3A_506 : i32
          %add3A_508 = arith.constant 80 : i32
          %add3A_509 = arith.addi %mul3A_507, %add3A_508 : i32
          %get3A_510 = arith.index_cast %add3A_509 : i32 to index
          %get3A_511 = tpu.vector_load %arg8[%get3A_510] {strides = array<i32>} : memref<32768xf32, #tpu.memory_space<vmem>>, vector<16xf32>,
          %max3A_512 = arith.maximumf %while3A_468, %get3A_511 : vector<16xf32>
          %mul3A_513 = arith.constant 128 : i32
          %mul3A_514 = arith.muli %while3A_462, %mul3A_513 : i32
          %add3A_515 = arith.constant 96 : i32
          %add3A_516 = arith.addi %mul3A_514, %add3A_515 : i32
          %get3A_517 = arith.index_cast %add3A_516 : i32 to index
          %get3A_518 = tpu.vector_load %arg8[%get3A_517] {strides = array<i32>} : memref<32768xf32, #tpu.memory_space<vmem>>, vector<16xf32>,
          %max3A_519 = arith.maximumf %while3A_469, %get3A_518 : vector<16xf32>
          %mul3A_520 = arith.constant 128 : i32
          %mul3A_521 = arith.muli %while3A_462, %mul3A_520 : i32
          %add3A_522 = arith.constant 112 : i32
          %add3A_523 = arith.addi %mul3A_521, %add3A_522 : i32
          %get3A_524 = arith.index_cast %add3A_523 : i32 to index
          %get3A_525 = tpu.vector_load %arg8[%get3A_524] {strides = array<i32>} : memref<32768xf32, #tpu.memory_space<vmem>>, vector<16xf32>,
          %max3A_526 = arith.maximumf %while3A_470, %get3A_525 : vector<16xf32>
          scf.yield %max3A_477, %max3A_484, %max3A_491, %max3A_498, %max3A_505, %max3A_512, %max3A_519, %max3A_526 : vector<16xf32>, vector<16xf32>, vector<16xf32>, vector<16xf32>, vector<16xf32>, vector<16xf32>, vector<16xf32>, vector<16xf32>
        }
        scf.yield %select_n3A_451, %squeeze3A_444, %while3A_461#0, %while3A_461#1, %while3A_461#2, %while3A_461#3, %while3A_461#4, %while3A_461#5, %while3A_461#6, %while3A_461#7 : i32, i32, vector<16xf32>, vector<16xf32>, vector<16xf32>, vector<16xf32>, vector<16xf32>, vector<16xf32>, vector<16xf32>, vector<16xf32>
      }
      %while3A_330 = arith.constant 1 : i32
      %while3A_331:10 = scf.for %while3A_351 = %while3A_327 to %while3A_323 step %while3A_330 iter_args(%while3A_352 = %while3A_329#0, %while3A_353 = %while3A_329#1, %while3A_354 = %while3A_329#2, %while3A_355 = %while3A_329#3, %while3A_356 = %while3A_329#4, %while3A_357 = %while3A_329#5, %while3A_358 = %while3A_329#6, %while3A_359 = %while3A_329#7, %while3A_360 = %while3A_329#8, %while3A_361 = %while3A_329#9) -> (i32, i32, vector<16xf32>, vector<16xf32>, vector<16xf32>, vector<16xf32>, vector<16xf32>, vector<16xf32>, vector<16xf32>, vector<16xf32>)  : i32 {
        %sub3A_362 = arith.subi %while3A_353, %mul3A_2 : i32
        %min3A_363 = arith.constant 313 : i32
        %min3A_364 = arith.minui %sub3A_362, %min3A_363 : i32
        %mul3A_365 = arith.constant 128 : i32
        %mul3A_366 = arith.muli %min3A_364, %mul3A_365 : i32
        %add3A_367 = arith.constant 0 : i32
        %add3A_368 = arith.addi %mul3A_366, %add3A_367 : i32
        %get3A_369 = arith.index_cast %add3A_368 : i32 to index
        %get3A_370 = tpu.vector_load %arg12[%get3A_369] {strides = array<i32>} : memref<40192xf32, #tpu.memory_space<vmem>>, vector<16xf32>,
        %max3A_371 = arith.maximumf %get3A_370, %while3A_354 : vector<16xf32>
        %add3A_372 = arith.constant 0 : i32
        %add3A_373 = arith.addi %mul3A_366, %add3A_372 : i32
        %swap3A_374 = arith.index_cast %add3A_373 : i32 to index
        %swap3A_375 = tpu.vector_load %arg12[%swap3A_374] {strides = array<i32>} : memref<40192xf32, #tpu.memory_space<vmem>>, vector<16xf32>,
        tpu.vector_store %arg12[%swap3A_374], %max3A_371 {strides = array<i32>} : memref<40192xf32, #tpu.memory_space<vmem>>, vector<16xf32>,
        %add3A_376 = arith.constant 16 : i32
        %add3A_377 = arith.addi %mul3A_366, %add3A_376 : i32
        %get3A_378 = arith.index_cast %add3A_377 : i32 to index
        %get3A_379 = tpu.vector_load %arg12[%get3A_378] {strides = array<i32>} : memref<40192xf32, #tpu.memory_space<vmem>>, vector<16xf32>,
        %max3A_380 = arith.maximumf %get3A_379, %while3A_355 : vector<16xf32>
        %add3A_381 = arith.constant 16 : i32
        %add3A_382 = arith.addi %mul3A_366, %add3A_381 : i32
        %swap3A_383 = arith.index_cast %add3A_382 : i32 to index
        %swap3A_384 = tpu.vector_load %arg12[%swap3A_383] {strides = array<i32>} : memref<40192xf32, #tpu.memory_space<vmem>>, vector<16xf32>,
        tpu.vector_store %arg12[%swap3A_383], %max3A_380 {strides = array<i32>} : memref<40192xf32, #tpu.memory_space<vmem>>, vector<16xf32>,
        %add3A_385 = arith.constant 32 : i32
        %add3A_386 = arith.addi %mul3A_366, %add3A_385 : i32
        %get3A_387 = arith.index_cast %add3A_386 : i32 to index
        %get3A_388 = tpu.vector_load %arg12[%get3A_387] {strides = array<i32>} : memref<40192xf32, #tpu.memory_space<vmem>>, vector<16xf32>,
        %max3A_389 = arith.maximumf %get3A_388, %while3A_356 : vector<16xf32>
        %add3A_390 = arith.constant 32 : i32
        %add3A_391 = arith.addi %mul3A_366, %add3A_390 : i32
        %swap3A_392 = arith.index_cast %add3A_391 : i32 to index
        %swap3A_393 = tpu.vector_load %arg12[%swap3A_392] {strides = array<i32>} : memref<40192xf32, #tpu.memory_space<vmem>>, vector<16xf32>,
        tpu.vector_store %arg12[%swap3A_392], %max3A_389 {strides = array<i32>} : memref<40192xf32, #tpu.memory_space<vmem>>, vector<16xf32>,
        %add3A_394 = arith.constant 48 : i32
        %add3A_395 = arith.addi %mul3A_366, %add3A_394 : i32
        %get3A_396 = arith.index_cast %add3A_395 : i32 to index
        %get3A_397 = tpu.vector_load %arg12[%get3A_396] {strides = array<i32>} : memref<40192xf32, #tpu.memory_space<vmem>>, vector<16xf32>,
        %max3A_398 = arith.maximumf %get3A_397, %while3A_357 : vector<16xf32>
        %add3A_399 = arith.constant 48 : i32
        %add3A_400 = arith.addi %mul3A_366, %add3A_399 : i32
        %swap3A_401 = arith.index_cast %add3A_400 : i32 to index
        %swap3A_402 = tpu.vector_load %arg12[%swap3A_401] {strides = array<i32>} : memref<40192xf32, #tpu.memory_space<vmem>>, vector<16xf32>,
        tpu.vector_store %arg12[%swap3A_401], %max3A_398 {strides = array<i32>} : memref<40192xf32, #tpu.memory_space<vmem>>, vector<16xf32>,
        %add3A_403 = arith.constant 64 : i32
        %add3A_404 = arith.addi %mul3A_366, %add3A_403 : i32
        %get3A_405 = arith.index_cast %add3A_404 : i32 to index
        %get3A_406 = tpu.vector_load %arg12[%get3A_405] {strides = array<i32>} : memref<40192xf32, #tpu.memory_space<vmem>>, vector<16xf32>,
        %max3A_407 = arith.maximumf %get3A_406, %while3A_358 : vector<16xf32>
        %add3A_408 = arith.constant 64 : i32
        %add3A_409 = arith.addi %mul3A_366, %add3A_408 : i32
        %swap3A_410 = arith.index_cast %add3A_409 : i32 to index
        %swap3A_411 = tpu.vector_load %arg12[%swap3A_410] {strides = array<i32>} : memref<40192xf32, #tpu.memory_space<vmem>>, vector<16xf32>,
        tpu.vector_store %arg12[%swap3A_410], %max3A_407 {strides = array<i32>} : memref<40192xf32, #tpu.memory_space<vmem>>, vector<16xf32>,
        %add3A_412 = arith.constant 80 : i32
        %add3A_413 = arith.addi %mul3A_366, %add3A_412 : i32
        %get3A_414 = arith.index_cast %add3A_413 : i32 to index
        %get3A_415 = tpu.vector_load %arg12[%get3A_414] {strides = array<i32>} : memref<40192xf32, #tpu.memory_space<vmem>>, vector<16xf32>,
        %max3A_416 = arith.maximumf %get3A_415, %while3A_359 : vector<16xf32>
        %add3A_417 = arith.constant 80 : i32
        %add3A_418 = arith.addi %mul3A_366, %add3A_417 : i32
        %swap3A_419 = arith.index_cast %add3A_418 : i32 to index
        %swap3A_420 = tpu.vector_load %arg12[%swap3A_419] {strides = array<i32>} : memref<40192xf32, #tpu.memory_space<vmem>>, vector<16xf32>,
        tpu.vector_store %arg12[%swap3A_419], %max3A_416 {strides = array<i32>} : memref<40192xf32, #tpu.memory_space<vmem>>, vector<16xf32>,
        %add3A_421 = arith.constant 96 : i32
        %add3A_422 = arith.addi %mul3A_366, %add3A_421 : i32
        %get3A_423 = arith.index_cast %add3A_422 : i32 to index
        %get3A_424 = tpu.vector_load %arg12[%get3A_423] {strides = array<i32>} : memref<40192xf32, #tpu.memory_space<vmem>>, vector<16xf32>,
        %max3A_425 = arith.maximumf %get3A_424, %while3A_360 : vector<16xf32>
        %add3A_426 = arith.constant 96 : i32
        %add3A_427 = arith.addi %mul3A_366, %add3A_426 : i32
        %swap3A_428 = arith.index_cast %add3A_427 : i32 to index
        %swap3A_429 = tpu.vector_load %arg12[%swap3A_428] {strides = array<i32>} : memref<40192xf32, #tpu.memory_space<vmem>>, vector<16xf32>,
        tpu.vector_store %arg12[%swap3A_428], %max3A_425 {strides = array<i32>} : memref<40192xf32, #tpu.memory_space<vmem>>, vector<16xf32>,
        %add3A_430 = arith.constant 112 : i32
        %add3A_431 = arith.addi %mul3A_366, %add3A_430 : i32
        %get3A_432 = arith.index_cast %add3A_431 : i32 to index
        %get3A_433 = tpu.vector_load %arg12[%get3A_432] {strides = array<i32>} : memref<40192xf32, #tpu.memory_space<vmem>>, vector<16xf32>,
        %max3A_434 = arith.maximumf %get3A_433, %while3A_361 : vector<16xf32>
        %add3A_435 = arith.constant 112 : i32
        %add3A_436 = arith.addi %mul3A_366, %add3A_435 : i32
        %swap3A_437 = arith.index_cast %add3A_436 : i32 to index
        %swap3A_438 = tpu.vector_load %arg12[%swap3A_437] {strides = array<i32>} : memref<40192xf32, #tpu.memory_space<vmem>>, vector<16xf32>,
        tpu.vector_store %arg12[%swap3A_437], %max3A_434 {strides = array<i32>} : memref<40192xf32, #tpu.memory_space<vmem>>, vector<16xf32>,
        %add3A_439 = arith.constant 8 : i32
        %add3A_440 = arith.addi %add3A_439, %while3A_352 : i32
        %get3A_441 = arith.index_cast %add3A_440 : i32 to index
        %get3A_442 = tpu.vector_load %arg10[%get3A_441] {strides = array<i32>} : memref<280xi32, #tpu.memory_space<vmem>>, vector<16xi32>,
        %slice3A_443 = vector.extract_strided_slice %get3A_442 {offsets = [0], sizes = [1], strides = [1]} : vector<16xi32> to vector<1xi32>
        %squeeze3A_444 = vector.extract %slice3A_443[0] : i32 from vector<1xi32>
        %lt3A_445 = arith.cmpi slt, %while3A_351, %scan3A_316 : i32
        %get3A_446 = arith.index_cast %while3A_351 : i32 to index
        %get3A_447 = tpu.vector_load %arg11[%get3A_446] {strides = array<i32>} : memref<272xi32, #tpu.memory_space<vmem>>, vector<16xi32>,
        %slice3A_448 = vector.extract_strided_slice %get3A_447 {offsets = [0], sizes = [1], strides = [1]} : vector<16xi32> to vector<1xi32>
        %squeeze3A_449 = vector.extract %slice3A_448[0] : i32 from vector<1xi32>
        %jit3A_450 = arith.constant 256 : i32
        %select_n3A_451 = arith.select %lt3A_445, %squeeze3A_449, %jit3A_450 : i32
        %while3A_452 = arith.subi %select_n3A_451, %while3A_352 : i32
        %while3A_453 = arith.addi %while3A_352, %while3A_452 : i32
        %while3A_454 = arith.constant 1 : i32
        %while3A_455 = arith.divsi %while3A_452, %while3A_454 : i32
        %while3A_456 = arith.muli %while3A_455, %while3A_454 : i32
        %while3A_457 = arith.addi %while3A_352, %while3A_456 : i32
        %while3A_458 = arith.constant 1 : i32
        %while3A_459:8 = scf.for %while3A_462 = %while3A_352 to %while3A_457 step %while3A_458 iter_args(%while3A_463 = %broadcast_in_dim3A_3, %while3A_464 = %broadcast_in_dim3A_3, %while3A_465 = %broadcast_in_dim3A_3, %while3A_466 = %broadcast_in_dim3A_3, %while3A_467 = %broadcast_in_dim3A_3, %while3A_468 = %broadcast_in_dim3A_3, %while3A_469 = %broadcast_in_dim3A_3, %while3A_470 = %broadcast_in_dim3A_3) -> (vector<16xf32>, vector<16xf32>, vector<16xf32>, vector<16xf32>, vector<16xf32>, vector<16xf32>, vector<16xf32>, vector<16xf32>)  : i32 {
          %mul3A_471 = arith.constant 128 : i32
          %mul3A_472 = arith.muli %while3A_462, %mul3A_471 : i32
          %add3A_473 = arith.constant 0 : i32
          %add3A_474 = arith.addi %mul3A_472, %add3A_473 : i32
          %get3A_475 = arith.index_cast %add3A_474 : i32 to index
          %get3A_476 = tpu.vector_load %arg8[%get3A_475] {strides = array<i32>} : memref<32768xf32, #tpu.memory_space<vmem>>, vector<16xf32>,
          %max3A_477 = arith.maximumf %while3A_463, %get3A_476 : vector<16xf32>
          %mul3A_478 = arith.constant 128 : i32
          %mul3A_479 = arith.muli %while3A_462, %mul3A_478 : i32
          %add3A_480 = arith.constant 16 : i32
          %add3A_481 = arith.addi %mul3A_479, %add3A_480 : i32
          %get3A_482 = arith.index_cast %add3A_481 : i32 to index
          %get3A_483 = tpu.vector_load %arg8[%get3A_482] {strides = array<i32>} : memref<32768xf32, #tpu.memory_space<vmem>>, vector<16xf32>,
          %max3A_484 = arith.maximumf %while3A_464, %get3A_483 : vector<16xf32>
          %mul3A_485 = arith.constant 128 : i32
          %mul3A_486 = arith.muli %while3A_462, %mul3A_485 : i32
          %add3A_487 = arith.constant 32 : i32
          %add3A_488 = arith.addi %mul3A_486, %add3A_487 : i32
          %get3A_489 = arith.index_cast %add3A_488 : i32 to index
          %get3A_490 = tpu.vector_load %arg8[%get3A_489] {strides = array<i32>} : memref<32768xf32, #tpu.memory_space<vmem>>, vector<16xf32>,
          %max3A_491 = arith.maximumf %while3A_465, %get3A_490 : vector<16xf32>
          %mul3A_492 = arith.constant 128 : i32
          %mul3A_493 = arith.muli %while3A_462, %mul3A_492 : i32
          %add3A_494 = arith.constant 48 : i32
          %add3A_495 = arith.addi %mul3A_493, %add3A_494 : i32
          %get3A_496 = arith.index_cast %add3A_495 : i32 to index
          %get3A_497 = tpu.vector_load %arg8[%get3A_496] {strides = array<i32>} : memref<32768xf32, #tpu.memory_space<vmem>>, vector<16xf32>,
          %max3A_498 = arith.maximumf %while3A_466, %get3A_497 : vector<16xf32>
          %mul3A_499 = arith.constant 128 : i32
          %mul3A_500 = arith.muli %while3A_462, %mul3A_499 : i32
          %add3A_501 = arith.constant 64 : i32
          %add3A_502 = arith.addi %mul3A_500, %add3A_501 : i32
          %get3A_503 = arith.index_cast %add3A_502 : i32 to index
          %get3A_504 = tpu.vector_load %arg8[%get3A_503] {strides = array<i32>} : memref<32768xf32, #tpu.memory_space<vmem>>, vector<16xf32>,
          %max3A_505 = arith.maximumf %while3A_467, %get3A_504 : vector<16xf32>
          %mul3A_506 = arith.constant 128 : i32
          %mul3A_507 = arith.muli %while3A_462, %mul3A_506 : i32
          %add3A_508 = arith.constant 80 : i32
          %add3A_509 = arith.addi %mul3A_507, %add3A_508 : i32
          %get3A_510 = arith.index_cast %add3A_509 : i32 to index
          %get3A_511 = tpu.vector_load %arg8[%get3A_510] {strides = array<i32>} : memref<32768xf32, #tpu.memory_space<vmem>>, vector<16xf32>,
          %max3A_512 = arith.maximumf %while3A_468, %get3A_511 : vector<16xf32>
          %mul3A_513 = arith.constant 128 : i32
          %mul3A_514 = arith.muli %while3A_462, %mul3A_513 : i32
          %add3A_515 = arith.constant 96 : i32
          %add3A_516 = arith.addi %mul3A_514, %add3A_515 : i32
          %get3A_517 = arith.index_cast %add3A_516 : i32 to index
          %get3A_518 = tpu.vector_load %arg8[%get3A_517] {strides = array<i32>} : memref<32768xf32, #tpu.memory_space<vmem>>, vector<16xf32>,
          %max3A_519 = arith.maximumf %while3A_469, %get3A_518 : vector<16xf32>
          %mul3A_520 = arith.constant 128 : i32
          %mul3A_521 = arith.muli %while3A_462, %mul3A_520 : i32
          %add3A_522 = arith.constant 112 : i32
          %add3A_523 = arith.addi %mul3A_521, %add3A_522 : i32
          %get3A_524 = arith.index_cast %add3A_523 : i32 to index
          %get3A_525 = tpu.vector_load %arg8[%get3A_524] {strides = array<i32>} : memref<32768xf32, #tpu.memory_space<vmem>>, vector<16xf32>,
          %max3A_526 = arith.maximumf %while3A_470, %get3A_525 : vector<16xf32>
          scf.yield %max3A_477, %max3A_484, %max3A_491, %max3A_498, %max3A_505, %max3A_512, %max3A_519, %max3A_526 : vector<16xf32>, vector<16xf32>, vector<16xf32>, vector<16xf32>, vector<16xf32>, vector<16xf32>, vector<16xf32>, vector<16xf32>
        }
        %while3A_460 = arith.constant 1 : i32
        %while3A_461:8 = scf.for %while3A_462 = %while3A_457 to %while3A_453 step %while3A_460 iter_args(%while3A_463 = %while3A_459#0, %while3A_464 = %while3A_459#1, %while3A_465 = %while3A_459#2, %while3A_466 = %while3A_459#3, %while3A_467 = %while3A_459#4, %while3A_468 = %while3A_459#5, %while3A_469 = %while3A_459#6, %while3A_470 = %while3A_459#7) -> (vector<16xf32>, vector<16xf32>, vector<16xf32>, vector<16xf32>, vector<16xf32>, vector<16xf32>, vector<16xf32>, vector<16xf32>)  : i32 {
          %mul3A_471 = arith.constant 128 : i32
          %mul3A_472 = arith.muli %while3A_462, %mul3A_471 : i32
          %add3A_473 = arith.constant 0 : i32
          %add3A_474 = arith.addi %mul3A_472, %add3A_473 : i32
          %get3A_475 = arith.index_cast %add3A_474 : i32 to index
          %get3A_476 = tpu.vector_load %arg8[%get3A_475] {strides = array<i32>} : memref<32768xf32, #tpu.memory_space<vmem>>, vector<16xf32>,
          %max3A_477 = arith.maximumf %while3A_463, %get3A_476 : vector<16xf32>
          %mul3A_478 = arith.constant 128 : i32
          %mul3A_479 = arith.muli %while3A_462, %mul3A_478 : i32
          %add3A_480 = arith.constant 16 : i32
          %add3A_481 = arith.addi %mul3A_479, %add3A_480 : i32
          %get3A_482 = arith.index_cast %add3A_481 : i32 to index
          %get3A_483 = tpu.vector_load %arg8[%get3A_482] {strides = array<i32>} : memref<32768xf32, #tpu.memory_space<vmem>>, vector<16xf32>,
          %max3A_484 = arith.maximumf %while3A_464, %get3A_483 : vector<16xf32>
          %mul3A_485 = arith.constant 128 : i32
          %mul3A_486 = arith.muli %while3A_462, %mul3A_485 : i32
          %add3A_487 = arith.constant 32 : i32
          %add3A_488 = arith.addi %mul3A_486, %add3A_487 : i32
          %get3A_489 = arith.index_cast %add3A_488 : i32 to index
          %get3A_490 = tpu.vector_load %arg8[%get3A_489] {strides = array<i32>} : memref<32768xf32, #tpu.memory_space<vmem>>, vector<16xf32>,
          %max3A_491 = arith.maximumf %while3A_465, %get3A_490 : vector<16xf32>
          %mul3A_492 = arith.constant 128 : i32
          %mul3A_493 = arith.muli %while3A_462, %mul3A_492 : i32
          %add3A_494 = arith.constant 48 : i32
          %add3A_495 = arith.addi %mul3A_493, %add3A_494 : i32
          %get3A_496 = arith.index_cast %add3A_495 : i32 to index
          %get3A_497 = tpu.vector_load %arg8[%get3A_496] {strides = array<i32>} : memref<32768xf32, #tpu.memory_space<vmem>>, vector<16xf32>,
          %max3A_498 = arith.maximumf %while3A_466, %get3A_497 : vector<16xf32>
          %mul3A_499 = arith.constant 128 : i32
          %mul3A_500 = arith.muli %while3A_462, %mul3A_499 : i32
          %add3A_501 = arith.constant 64 : i32
          %add3A_502 = arith.addi %mul3A_500, %add3A_501 : i32
          %get3A_503 = arith.index_cast %add3A_502 : i32 to index
          %get3A_504 = tpu.vector_load %arg8[%get3A_503] {strides = array<i32>} : memref<32768xf32, #tpu.memory_space<vmem>>, vector<16xf32>,
          %max3A_505 = arith.maximumf %while3A_467, %get3A_504 : vector<16xf32>
          %mul3A_506 = arith.constant 128 : i32
          %mul3A_507 = arith.muli %while3A_462, %mul3A_506 : i32
          %add3A_508 = arith.constant 80 : i32
          %add3A_509 = arith.addi %mul3A_507, %add3A_508 : i32
          %get3A_510 = arith.index_cast %add3A_509 : i32 to index
          %get3A_511 = tpu.vector_load %arg8[%get3A_510] {strides = array<i32>} : memref<32768xf32, #tpu.memory_space<vmem>>, vector<16xf32>,
          %max3A_512 = arith.maximumf %while3A_468, %get3A_511 : vector<16xf32>
          %mul3A_513 = arith.constant 128 : i32
          %mul3A_514 = arith.muli %while3A_462, %mul3A_513 : i32
          %add3A_515 = arith.constant 96 : i32
          %add3A_516 = arith.addi %mul3A_514, %add3A_515 : i32
          %get3A_517 = arith.index_cast %add3A_516 : i32 to index
          %get3A_518 = tpu.vector_load %arg8[%get3A_517] {strides = array<i32>} : memref<32768xf32, #tpu.memory_space<vmem>>, vector<16xf32>,
          %max3A_519 = arith.maximumf %while3A_469, %get3A_518 : vector<16xf32>
          %mul3A_520 = arith.constant 128 : i32
          %mul3A_521 = arith.muli %while3A_462, %mul3A_520 : i32
          %add3A_522 = arith.constant 112 : i32
          %add3A_523 = arith.addi %mul3A_521, %add3A_522 : i32
          %get3A_524 = arith.index_cast %add3A_523 : i32 to index
          %get3A_525 = tpu.vector_load %arg8[%get3A_524] {strides = array<i32>} : memref<32768xf32, #tpu.memory_space<vmem>>, vector<16xf32>,
          %max3A_526 = arith.maximumf %while3A_470, %get3A_525 : vector<16xf32>
          scf.yield %max3A_477, %max3A_484, %max3A_491, %max3A_498, %max3A_505, %max3A_512, %max3A_519, %max3A_526 : vector<16xf32>, vector<16xf32>, vector<16xf32>, vector<16xf32>, vector<16xf32>, vector<16xf32>, vector<16xf32>, vector<16xf32>
        }
        scf.yield %select_n3A_451, %squeeze3A_444, %while3A_461#0, %while3A_461#1, %while3A_461#2, %while3A_461#3, %while3A_461#4, %while3A_461#5, %while3A_461#6, %while3A_461#7 : i32, i32, vector<16xf32>, vector<16xf32>, vector<16xf32>, vector<16xf32>, vector<16xf32>, vector<16xf32>, vector<16xf32>, vector<16xf32>
      }
      %add3A_332 = arith.constant 2 : i32
      %add3A_333 = arith.addi %add3A_293, %add3A_332 : i32
      %mul3A_334 = arith.constant 256 : i32
      %mul3A_335 = arith.muli %add3A_333, %mul3A_334 : i32
      %add3A_336 = arith.addi %and3A_12, %mul3A_335 : i32
      %min3A_337 = arith.constant 319744 : i32
      %min3A_338 = arith.minsi %add3A_336, %min3A_337 : i32
      %multiple_of3A_339 = tpu.assume_multiple %min3A_338, 8 : i32
      %mul3A_340 = arith.constant 128 : i32
      %mul3A_341 = arith.muli %multiple_of3A_339, %mul3A_340 : i32
      %multiple_of3A_342 = tpu.assume_multiple %mul3A_341, 8 : i32
      %dma_start3A_343 = tpu.memref_slice %arg2[%multiple_of3A_342] : memref<40960000xf32, #tpu.memory_space<hbm>> -> memref<32768xf32, #tpu.memory_space<hbm>>
      %dma_start3A_344 = tpu.memref_slice %arg2[%multiple_of3A_342] : memref<40960000xf32, #tpu.memory_space<hbm>> -> memref<32768xf32, #tpu.memory_space<hbm>>
      tpu.enqueue_dma source(%dma_start3A_344 : memref<32768xf32, #tpu.memory_space<hbm>>) target(%arg8 : memref<32768xf32, #tpu.memory_space<vmem>>) target_semaphore(%arg14 : memref<!tpu.dma_semaphore, #tpu.memory_space<semaphore_mem>>)
      %dma_start3A_345 = arith.constant 8 : i32
      %dma_start3A_346 = tpu.memref_slice %arg10[%dma_start3A_345] : memref<280xi32, #tpu.memory_space<vmem>> -> memref<256xi32, #tpu.memory_space<vmem>>
      %dma_start3A_347 = tpu.memref_slice %arg3[%multiple_of3A_339] : memref<320000xi32, #tpu.memory_space<hbm>> -> memref<256xi32, #tpu.memory_space<hbm>>
      %dma_start3A_348 = arith.constant 8 : i32
      %dma_start3A_349 = tpu.memref_slice %arg10[%dma_start3A_348] : memref<280xi32, #tpu.memory_space<vmem>> -> memref<256xi32, #tpu.memory_space<vmem>>
      %dma_start3A_350 = tpu.memref_slice %arg3[%multiple_of3A_339] : memref<320000xi32, #tpu.memory_space<hbm>> -> memref<256xi32, #tpu.memory_space<hbm>>
      tpu.enqueue_dma source(%dma_start3A_350 : memref<256xi32, #tpu.memory_space<hbm>>) target(%dma_start3A_349 : memref<256xi32, #tpu.memory_space<vmem>>) target_semaphore(%arg16 : memref<!tpu.dma_semaphore, #tpu.memory_space<semaphore_mem>>)
      scf.yield %while3A_331#1, %while3A_331#2, %while3A_331#3, %while3A_331#4, %while3A_331#5, %while3A_331#6, %while3A_331#7, %while3A_331#8, %while3A_331#9 : i32, vector<16xf32>, vector<16xf32>, vector<16xf32>, vector<16xf32>, vector<16xf32>, vector<16xf32>, vector<16xf32>, vector<16xf32>
    }
    %mul3A_99 = arith.constant 2 : i32
    %mul3A_100 = arith.muli %mul3A_99, %select_n3A_58 : i32
    %mul3A_101 = arith.constant 256 : i32
    %mul3A_102 = arith.muli %mul3A_100, %mul3A_101 : i32
    %add3A_103 = arith.addi %and3A_12, %mul3A_102 : i32
    %min3A_104 = arith.constant 319744 : i32
    %min3A_105 = arith.minsi %add3A_103, %min3A_104 : i32
    %multiple_of3A_106 = tpu.assume_multiple %min3A_105, 8 : i32
    %mul3A_107 = arith.constant 128 : i32
    %mul3A_108 = arith.muli %multiple_of3A_106, %mul3A_107 : i32
    %multiple_of3A_109 = tpu.assume_multiple %mul3A_108, 8 : i32
    %dma_wait3A = tpu.memref_slice %arg2[%multiple_of3A_109] : memref<40960000xf32, #tpu.memory_space<hbm>> -> memref<32768xf32, #tpu.memory_space<hbm>>
    %dma_wait3A_110 = tpu.memref_slice %arg2[%multiple_of3A_109] : memref<40960000xf32, #tpu.memory_space<hbm>> -> memref<32768xf32, #tpu.memory_space<hbm>>
    tpu.wait_dma2 semaphore(%arg13 : memref<!tpu.dma_semaphore, #tpu.memory_space<semaphore_mem>>) src(%dma_wait3A_110 : memref<32768xf32, #tpu.memory_space<hbm>>) dst(%arg7 : memref<32768xf32, #tpu.memory_space<vmem>>)
    %dma_wait3A_111 = arith.constant 8 : i32
    %dma_wait3A_112 = tpu.memref_slice %arg9[%dma_wait3A_111] : memref<280xi32, #tpu.memory_space<vmem>> -> memref<256xi32, #tpu.memory_space<vmem>>
    %dma_wait3A_113 = tpu.memref_slice %arg3[%multiple_of3A_106] : memref<320000xi32, #tpu.memory_space<hbm>> -> memref<256xi32, #tpu.memory_space<hbm>>
    %dma_wait3A_114 = arith.constant 8 : i32
    %dma_wait3A_115 = tpu.memref_slice %arg9[%dma_wait3A_114] : memref<280xi32, #tpu.memory_space<vmem>> -> memref<256xi32, #tpu.memory_space<vmem>>
    %dma_wait3A_116 = tpu.memref_slice %arg3[%multiple_of3A_106] : memref<320000xi32, #tpu.memory_space<hbm>> -> memref<256xi32, #tpu.memory_space<hbm>>
    tpu.wait_dma2 semaphore(%arg15 : memref<!tpu.dma_semaphore, #tpu.memory_space<semaphore_mem>>) src(%dma_wait3A_116 : memref<256xi32, #tpu.memory_space<hbm>>) dst(%dma_wait3A_115 : memref<256xi32, #tpu.memory_space<vmem>>)
    %mul3A_117 = arith.constant 2 : i32
    %mul3A_118 = arith.muli %mul3A_117, %select_n3A_58 : i32
    %add3A_119 = arith.constant 1 : i32
    %add3A_120 = arith.addi %mul3A_118, %add3A_119 : i32
    %mul3A_121 = arith.constant 256 : i32
    %mul3A_122 = arith.muli %add3A_120, %mul3A_121 : i32
    %add3A_123 = arith.addi %and3A_12, %mul3A_122 : i32
    %min3A_124 = arith.constant 319744 : i32
    %min3A_125 = arith.minsi %add3A_123, %min3A_124 : i32
    %multiple_of3A_126 = tpu.assume_multiple %min3A_125, 8 : i32
    %mul3A_127 = arith.constant 128 : i32
    %mul3A_128 = arith.muli %multiple_of3A_126, %mul3A_127 : i32
    %multiple_of3A_129 = tpu.assume_multiple %mul3A_128, 8 : i32
    %dma_wait3A_130 = tpu.memref_slice %arg2[%multiple_of3A_129] : memref<40960000xf32, #tpu.memory_space<hbm>> -> memref<32768xf32, #tpu.memory_space<hbm>>
    %dma_wait3A_131 = tpu.memref_slice %arg2[%multiple_of3A_129] : memref<40960000xf32, #tpu.memory_space<hbm>> -> memref<32768xf32, #tpu.memory_space<hbm>>
    tpu.wait_dma2 semaphore(%arg14 : memref<!tpu.dma_semaphore, #tpu.memory_space<semaphore_mem>>) src(%dma_wait3A_131 : memref<32768xf32, #tpu.memory_space<hbm>>) dst(%arg8 : memref<32768xf32, #tpu.memory_space<vmem>>)
    %dma_wait3A_132 = arith.constant 8 : i32
    %dma_wait3A_133 = tpu.memref_slice %arg10[%dma_wait3A_132] : memref<280xi32, #tpu.memory_space<vmem>> -> memref<256xi32, #tpu.memory_space<vmem>>
    %dma_wait3A_134 = tpu.memref_slice %arg3[%multiple_of3A_126] : memref<320000xi32, #tpu.memory_space<hbm>> -> memref<256xi32, #tpu.memory_space<hbm>>
    %dma_wait3A_135 = arith.constant 8 : i32
    %dma_wait3A_136 = tpu.memref_slice %arg10[%dma_wait3A_135] : memref<280xi32, #tpu.memory_space<vmem>> -> memref<256xi32, #tpu.memory_space<vmem>>
    %dma_wait3A_137 = tpu.memref_slice %arg3[%multiple_of3A_126] : memref<320000xi32, #tpu.memory_space<hbm>> -> memref<256xi32, #tpu.memory_space<hbm>>
    tpu.wait_dma2 semaphore(%arg16 : memref<!tpu.dma_semaphore, #tpu.memory_space<semaphore_mem>>) src(%dma_wait3A_137 : memref<256xi32, #tpu.memory_space<hbm>>) dst(%dma_wait3A_136 : memref<256xi32, #tpu.memory_space<vmem>>)
    %sub3A_138 = arith.subi %while3A_98#0, %mul3A_2 : i32
    %min3A_139 = arith.constant 313 : i32
    %min3A_140 = arith.minui %sub3A_138, %min3A_139 : i32
    %mul3A_141 = arith.constant 128 : i32
    %mul3A_142 = arith.muli %min3A_140, %mul3A_141 : i32
    %add3A_143 = arith.constant 0 : i32
    %add3A_144 = arith.addi %mul3A_142, %add3A_143 : i32
    %get3A_145 = arith.index_cast %add3A_144 : i32 to index
    %get3A_146 = tpu.vector_load %arg12[%get3A_145] {strides = array<i32>} : memref<40192xf32, #tpu.memory_space<vmem>>, vector<16xf32>,
    %max3A = arith.maximumf %get3A_146, %while3A_98#1 : vector<16xf32>
    %add3A_147 = arith.constant 0 : i32
    %add3A_148 = arith.addi %mul3A_142, %add3A_147 : i32
    %swap3A = arith.index_cast %add3A_148 : i32 to index
    %swap3A_149 = tpu.vector_load %arg12[%swap3A] {strides = array<i32>} : memref<40192xf32, #tpu.memory_space<vmem>>, vector<16xf32>,
    tpu.vector_store %arg12[%swap3A], %max3A {strides = array<i32>} : memref<40192xf32, #tpu.memory_space<vmem>>, vector<16xf32>,
    %add3A_150 = arith.constant 16 : i32
    %add3A_151 = arith.addi %mul3A_142, %add3A_150 : i32
    %get3A_152 = arith.index_cast %add3A_151 : i32 to index
    %get3A_153 = tpu.vector_load %arg12[%get3A_152] {strides = array<i32>} : memref<40192xf32, #tpu.memory_space<vmem>>, vector<16xf32>,
    %max3A_154 = arith.maximumf %get3A_153, %while3A_98#2 : vector<16xf32>
    %add3A_155 = arith.constant 16 : i32
    %add3A_156 = arith.addi %mul3A_142, %add3A_155 : i32
    %swap3A_157 = arith.index_cast %add3A_156 : i32 to index
    %swap3A_158 = tpu.vector_load %arg12[%swap3A_157] {strides = array<i32>} : memref<40192xf32, #tpu.memory_space<vmem>>, vector<16xf32>,
    tpu.vector_store %arg12[%swap3A_157], %max3A_154 {strides = array<i32>} : memref<40192xf32, #tpu.memory_space<vmem>>, vector<16xf32>,
    %add3A_159 = arith.constant 32 : i32
    %add3A_160 = arith.addi %mul3A_142, %add3A_159 : i32
    %get3A_161 = arith.index_cast %add3A_160 : i32 to index
    %get3A_162 = tpu.vector_load %arg12[%get3A_161] {strides = array<i32>} : memref<40192xf32, #tpu.memory_space<vmem>>, vector<16xf32>,
    %max3A_163 = arith.maximumf %get3A_162, %while3A_98#3 : vector<16xf32>
    %add3A_164 = arith.constant 32 : i32
    %add3A_165 = arith.addi %mul3A_142, %add3A_164 : i32
    %swap3A_166 = arith.index_cast %add3A_165 : i32 to index
    %swap3A_167 = tpu.vector_load %arg12[%swap3A_166] {strides = array<i32>} : memref<40192xf32, #tpu.memory_space<vmem>>, vector<16xf32>,
    tpu.vector_store %arg12[%swap3A_166], %max3A_163 {strides = array<i32>} : memref<40192xf32, #tpu.memory_space<vmem>>, vector<16xf32>,
    %add3A_168 = arith.constant 48 : i32
    %add3A_169 = arith.addi %mul3A_142, %add3A_168 : i32
    %get3A_170 = arith.index_cast %add3A_169 : i32 to index
    %get3A_171 = tpu.vector_load %arg12[%get3A_170] {strides = array<i32>} : memref<40192xf32, #tpu.memory_space<vmem>>, vector<16xf32>,
    %max3A_172 = arith.maximumf %get3A_171, %while3A_98#4 : vector<16xf32>
    %add3A_173 = arith.constant 48 : i32
    %add3A_174 = arith.addi %mul3A_142, %add3A_173 : i32
    %swap3A_175 = arith.index_cast %add3A_174 : i32 to index
    %swap3A_176 = tpu.vector_load %arg12[%swap3A_175] {strides = array<i32>} : memref<40192xf32, #tpu.memory_space<vmem>>, vector<16xf32>,
    tpu.vector_store %arg12[%swap3A_175], %max3A_172 {strides = array<i32>} : memref<40192xf32, #tpu.memory_space<vmem>>, vector<16xf32>,
    %add3A_177 = arith.constant 64 : i32
    %add3A_178 = arith.addi %mul3A_142, %add3A_177 : i32
    %get3A_179 = arith.index_cast %add3A_178 : i32 to index
    %get3A_180 = tpu.vector_load %arg12[%get3A_179] {strides = array<i32>} : memref<40192xf32, #tpu.memory_space<vmem>>, vector<16xf32>,
    %max3A_181 = arith.maximumf %get3A_180, %while3A_98#5 : vector<16xf32>
    %add3A_182 = arith.constant 64 : i32
    %add3A_183 = arith.addi %mul3A_142, %add3A_182 : i32
    %swap3A_184 = arith.index_cast %add3A_183 : i32 to index
    %swap3A_185 = tpu.vector_load %arg12[%swap3A_184] {strides = array<i32>} : memref<40192xf32, #tpu.memory_space<vmem>>, vector<16xf32>,
    tpu.vector_store %arg12[%swap3A_184], %max3A_181 {strides = array<i32>} : memref<40192xf32, #tpu.memory_space<vmem>>, vector<16xf32>,
    %add3A_186 = arith.constant 80 : i32
    %add3A_187 = arith.addi %mul3A_142, %add3A_186 : i32
    %get3A_188 = arith.index_cast %add3A_187 : i32 to index
    %get3A_189 = tpu.vector_load %arg12[%get3A_188] {strides = array<i32>} : memref<40192xf32, #tpu.memory_space<vmem>>, vector<16xf32>,
    %max3A_190 = arith.maximumf %get3A_189, %while3A_98#6 : vector<16xf32>
    %add3A_191 = arith.constant 80 : i32
    %add3A_192 = arith.addi %mul3A_142, %add3A_191 : i32
    %swap3A_193 = arith.index_cast %add3A_192 : i32 to index
    %swap3A_194 = tpu.vector_load %arg12[%swap3A_193] {strides = array<i32>} : memref<40192xf32, #tpu.memory_space<vmem>>, vector<16xf32>,
    tpu.vector_store %arg12[%swap3A_193], %max3A_190 {strides = array<i32>} : memref<40192xf32, #tpu.memory_space<vmem>>, vector<16xf32>,
    %add3A_195 = arith.constant 96 : i32
    %add3A_196 = arith.addi %mul3A_142, %add3A_195 : i32
    %get3A_197 = arith.index_cast %add3A_196 : i32 to index
    %get3A_198 = tpu.vector_load %arg12[%get3A_197] {strides = array<i32>} : memref<40192xf32, #tpu.memory_space<vmem>>, vector<16xf32>,
    %max3A_199 = arith.maximumf %get3A_198, %while3A_98#7 : vector<16xf32>
    %add3A_200 = arith.constant 96 : i32
    %add3A_201 = arith.addi %mul3A_142, %add3A_200 : i32
    %swap3A_202 = arith.index_cast %add3A_201 : i32 to index
    %swap3A_203 = tpu.vector_load %arg12[%swap3A_202] {strides = array<i32>} : memref<40192xf32, #tpu.memory_space<vmem>>, vector<16xf32>,
    tpu.vector_store %arg12[%swap3A_202], %max3A_199 {strides = array<i32>} : memref<40192xf32, #tpu.memory_space<vmem>>, vector<16xf32>,
    %add3A_204 = arith.constant 112 : i32
    %add3A_205 = arith.addi %mul3A_142, %add3A_204 : i32
    %get3A_206 = arith.index_cast %add3A_205 : i32 to index
    %get3A_207 = tpu.vector_load %arg12[%get3A_206] {strides = array<i32>} : memref<40192xf32, #tpu.memory_space<vmem>>, vector<16xf32>,
    %max3A_208 = arith.maximumf %get3A_207, %while3A_98#8 : vector<16xf32>
    %add3A_209 = arith.constant 112 : i32
    %add3A_210 = arith.addi %mul3A_142, %add3A_209 : i32
    %swap3A_211 = arith.index_cast %add3A_210 : i32 to index
    %swap3A_212 = tpu.vector_load %arg12[%swap3A_211] {strides = array<i32>} : memref<40192xf32, #tpu.memory_space<vmem>>, vector<16xf32>,
    tpu.vector_store %arg12[%swap3A_211], %max3A_208 {strides = array<i32>} : memref<40192xf32, #tpu.memory_space<vmem>>, vector<16xf32>,
    %lt3A = arith.constant 31 : i32
    %lt3A_213 = arith.cmpi slt, %add3A, %lt3A : i32
    %convert_element_type3A = arith.extui %lt3A_213 : i1 to i32
    %cond3A = arith.constant 0 : i32
    %cond3A_214 = arith.cmpi ne, %convert_element_type3A, %cond3A : i32
    scf.if %cond3A_214 {
      %mul3A_219 = arith.constant 128 : i32
      %mul3A_220 = arith.muli %mul3A_2, %mul3A_219 : i32
      "tpu.region"() ({
        %run_scoped3A = tpu.sem_alloc : memref<!tpu.dma_semaphore, #tpu.memory_space<semaphore_mem>>
        %dma_start3A_221 = arith.constant 0 : i32
        %dma_start3A_222 = tpu.memref_slice %arg12[%dma_start3A_221] : memref<40192xf32, #tpu.memory_space<vmem>> -> memref<40064xf32, #tpu.memory_space<vmem>>
        %dma_start3A_223 = tpu.memref_slice %arg5[%mul3A_220] : memref<1280000xf32, #tpu.memory_space<hbm>> -> memref<40064xf32, #tpu.memory_space<hbm>>
        %dma_start3A_224 = tpu.memref_slice %arg5[%mul3A_220] : memref<1280000xf32, #tpu.memory_space<hbm>> -> memref<40064xf32, #tpu.memory_space<hbm>>
        %dma_start3A_225 = arith.constant 0 : i32
        %dma_start3A_226 = tpu.memref_slice %arg12[%dma_start3A_225] : memref<40192xf32, #tpu.memory_space<vmem>> -> memref<40064xf32, #tpu.memory_space<vmem>>
        tpu.enqueue_dma source(%dma_start3A_226 : memref<40064xf32, #tpu.memory_space<vmem>>) target(%dma_start3A_224 : memref<40064xf32, #tpu.memory_space<hbm>>) target_semaphore(%run_scoped3A : memref<!tpu.dma_semaphore, #tpu.memory_space<semaphore_mem>>)
        %dma_wait3A_227 = arith.constant 0 : i32
        %dma_wait3A_228 = tpu.memref_slice %arg12[%dma_wait3A_227] : memref<40192xf32, #tpu.memory_space<vmem>> -> memref<40064xf32, #tpu.memory_space<vmem>>
        %dma_wait3A_229 = tpu.memref_slice %arg5[%mul3A_220] : memref<1280000xf32, #tpu.memory_space<hbm>> -> memref<40064xf32, #tpu.memory_space<hbm>>
        %dma_wait3A_230 = tpu.memref_slice %arg5[%mul3A_220] : memref<1280000xf32, #tpu.memory_space<hbm>> -> memref<40064xf32, #tpu.memory_space<hbm>>
        %dma_wait3A_231 = arith.constant 0 : i32
        %dma_wait3A_232 = tpu.memref_slice %arg12[%dma_wait3A_231] : memref<40192xf32, #tpu.memory_space<vmem>> -> memref<40064xf32, #tpu.memory_space<vmem>>
        tpu.wait_dma2 semaphore(%run_scoped3A : memref<!tpu.dma_semaphore, #tpu.memory_space<semaphore_mem>>) src(%dma_wait3A_232 : memref<40064xf32, #tpu.memory_space<vmem>>) dst(%dma_wait3A_230 : memref<40064xf32, #tpu.memory_space<hbm>>)
        tpu.yield
      }) : () -> ()
    } else {
    }
    %eq3A = arith.constant 31 : i32
    %eq3A_215 = arith.cmpi eq, %add3A, %eq3A : i32
    %convert_element_type3A_216 = arith.extui %eq3A_215 : i1 to i32
    %cond3A_217 = arith.constant 0 : i32
    %cond3A_218 = arith.cmpi ne, %convert_element_type3A_216, %cond3A_217 : i32
    scf.if %cond3A_218 {
      %mul3A_219 = arith.constant 128 : i32
      %mul3A_220 = arith.muli %mul3A_2, %mul3A_219 : i32
      "tpu.region"() ({
        %run_scoped3A = tpu.sem_alloc : memref<!tpu.dma_semaphore, #tpu.memory_space<semaphore_mem>>
        %dma_start3A_221 = arith.constant 0 : i32
        %dma_start3A_222 = tpu.memref_slice %arg12[%dma_start3A_221] : memref<40192xf32, #tpu.memory_space<vmem>> -> memref<38016xf32, #tpu.memory_space<vmem>>
        %dma_start3A_223 = tpu.memref_slice %arg5[%mul3A_220] : memref<1280000xf32, #tpu.memory_space<hbm>> -> memref<38016xf32, #tpu.memory_space<hbm>>
        %dma_start3A_224 = tpu.memref_slice %arg5[%mul3A_220] : memref<1280000xf32, #tpu.memory_space<hbm>> -> memref<38016xf32, #tpu.memory_space<hbm>>
        %dma_start3A_225 = arith.constant 0 : i32
        %dma_start3A_226 = tpu.memref_slice %arg12[%dma_start3A_225] : memref<40192xf32, #tpu.memory_space<vmem>> -> memref<38016xf32, #tpu.memory_space<vmem>>
        tpu.enqueue_dma source(%dma_start3A_226 : memref<38016xf32, #tpu.memory_space<vmem>>) target(%dma_start3A_224 : memref<38016xf32, #tpu.memory_space<hbm>>) target_semaphore(%run_scoped3A : memref<!tpu.dma_semaphore, #tpu.memory_space<semaphore_mem>>)
        %dma_wait3A_227 = arith.constant 0 : i32
        %dma_wait3A_228 = tpu.memref_slice %arg12[%dma_wait3A_227] : memref<40192xf32, #tpu.memory_space<vmem>> -> memref<38016xf32, #tpu.memory_space<vmem>>
        %dma_wait3A_229 = tpu.memref_slice %arg5[%mul3A_220] : memref<1280000xf32, #tpu.memory_space<hbm>> -> memref<38016xf32, #tpu.memory_space<hbm>>
        %dma_wait3A_230 = tpu.memref_slice %arg5[%mul3A_220] : memref<1280000xf32, #tpu.memory_space<hbm>> -> memref<38016xf32, #tpu.memory_space<hbm>>
        %dma_wait3A_231 = arith.constant 0 : i32
        %dma_wait3A_232 = tpu.memref_slice %arg12[%dma_wait3A_231] : memref<40192xf32, #tpu.memory_space<vmem>> -> memref<38016xf32, #tpu.memory_space<vmem>>
        tpu.wait_dma2 semaphore(%run_scoped3A : memref<!tpu.dma_semaphore, #tpu.memory_space<semaphore_mem>>) src(%dma_wait3A_232 : memref<38016xf32, #tpu.memory_space<vmem>>) dst(%dma_wait3A_230 : memref<38016xf32, #tpu.memory_space<hbm>>)
        tpu.yield
      }) : () -> ()
    } else {
    }
    return
  }
}

</mosaic_0001>

<sc_bundles>
// kernel: kernel.3.cloned.1.call-start
scs
__scs_entry_jumppad:
0x0: {  	(pc) =	sbr.rel $0x88, $3  }
0x1: {  	(tag) =	ssettag $0x0;
	lr =	simm.s32 $0x1  }
0x2: {  	[smem:$0x3F9F] =	sst lr;
	_ =	strace $0xD0000000  }
0x3: {  	_ = 	snop  }
0x4: {  	_ = 	snop  }
0x5: {  	_ = 	snop  }
0x6: {  	_ = 	snop  }
0x7: {  	_ = 	snop  }
__scs_overlays_trampoline_lowered:
0x8: {  	[smem:$0x3FAE] =	sst s0  }
0x9: {  	[smem:$0x3FAF] =	sst s1  }
0xa: {  	[smem:$0x3FB0] =	sst s2  }
0xb: {  	[smem:$0x3FB1] =	sst s3  }
0xc: {  	[smem:$0x3FB2] =	sst s4  }
0xd: {  	[smem:$0x3FB3] =	sst s5  }
0xe: {  	[smem:$0x3FB4] =	sst s6  }
0xf: {  	[smem:$0x3FB5] =	sst s7  }
0x10: {  	[smem:$0x3FB6] =	sst s8  }
0x11: {  	[smem:$0x3FB7] =	sst s9;
	s0 =	simm.s32 @!p0 $0x0  }
0x12: {  	s1 =	sld [smem:$0x3F9D];
	s0 =	simm.s32 @p0 $0x1  }
0x13: {  	[smem:$0x3FB8] =	sst s0;
	s0 =	simm.s32 @!p1 $0x0  }
0x14: {  	s2 =	sld [smem:$0x3F9C];
	s0 =	simm.s32 @p1 $0x1  }
0x15: {  	[smem:$0x3FB9] =	sst s0;
	s0 =	simm.s32 @!p2 $0x0  }
0x16: {  	s3 =	sld [smem:$0x3FDB];
	s0 =	simm.s32 @p2 $0x1  }
0x17: {  	s4 =	simm.s32 $0x1BF5;
	[smem:$0x3FBB] =	sst s0  }
0x18: {  	s0 =	sld [smem:$0x3F9E];
	_ =	swait.ge [sflag:s4], $0x0  }
0x19: {  	s7 =	sld [smem:$0x3F9F]  }
0x1a: {  	s8 =	sadd.s32 $0xFFFFE003, lr  }
0x1b: {  	s9 =	sadd.s32 $0xFFFFFEF7, lr;
	s5 =	simm.s32 $0xFFFFFFFF;
	p2 =	slt.u32 s8, $0xFFFFF086  }
0x1c: {  	p1 =	slt.u32 s9, $0xF7A;
	s5 =	simm.s32 @!p2 $0x0  }
0x1d: {  	s5 =	simm.s32 @p1 $0x1;
	p0 =	seq.s32 s7, s2  }
0x1e: {  	s7 =	smul.u32 @!p0 $0xF7A, s2;
	p2 =	seq.s32 @!p0 s5, $0x0  }
0x1f: {  	s9 =	smul.u32 $0xF7A, s1;
	s8 =	simm.s32 @!p0 $0x1BF5;
	p2 =	por !p2, p0  }
0x20: {  	[sflag:s8] =	ssyncset.s32 @!p0 $0xFFFFF086;
	s6 =	sadd.s32 @!p0 s3, s7;
	s7 =	simm.s32 @!p0 $0x108  }
0x21: {  	s3 =	sadd.s32 s3, s9;
	s6 =	sadd.s32 @!p0 $0x88, s6;
	s7 =	simm.s32 @p2 $0x1082  }
0x22: {  	[simem:s7], [sflag:s8] =	dma.local @!p0 [hbm:s6], $0xF7A  }
0x23: {  	s9 =	sor.u32 $0xD0000000, s2;
	s6 =	simm.s32 $0x108;
	_ =	swait.ge @!p0 [sflag:s8], $0x0  }
0x24: {  	s3 =	sadd.s32 $0x88, s3;
	s6 =	simm.s32 @!p1 $0x1082;
	[sflag:s4] =	ssyncset.s32 $0xFFFFF086  }
0x25: {  	[simem:s6], [sflag:s4] =	dma.local [hbm:s3], $0xF7A  }
0x26: {  	[smem:$0x3F9F] =	sst s1;
	(tag) =	ssettag s2;
	_ =	strace s9  }
0x27: {  	s1 =	sld [smem:$0x3FAF]  }
0x28: {  	s2 =	sld [smem:$0x3FB0]  }
0x29: {  	s4 =	sld [smem:$0x3FB2]  }
0x2a: {  	p0 =	seq.s32 s5, $0x0;
	s5 =	sld [smem:$0x3FB3]  }
0x2b: {  	s6 =	sld [smem:$0x3FB4]  }
0x2c: {  	s7 =	sld [smem:$0x3FB5]  }
0x2d: {  	s3 =	simm.s32 $0x108;
	s8 =	sld [smem:$0x3FB6]  }
0x2e: {  	s3 =	simm.s32 @!p0 $0x1082;
	s9 =	sld [smem:$0x3FB7]  }
0x2f: {  	lr =	sadd.s32 s0, s3;
	s0 =	sld [smem:$0x3FAE]  }
0x30: {  	s3 =	sld [smem:$0x3FB1]  }
0x31: {  	[smem:$0x3FBA] =	sst s10  }
0x32: {  	s10 =	sld [smem:$0x3FB8];
	_ =	sdelay $0x3  }
0x33: {  	p0 =	seq.s32 s10, $0x1;
	s10 =	sld [smem:$0x3FBA];
	_ =	sdelay $0x3  }
0x34: {  	[smem:$0x3FBA] =	sst s10  }
0x35: {  	s10 =	sld [smem:$0x3FB9];
	_ =	sdelay $0x3  }
0x36: {  	p1 =	seq.s32 s10, $0x1;
	s10 =	sld [smem:$0x3FBA];
	_ =	sdelay $0x3  }
0x37: {  	[smem:$0x3FBA] =	sst s10  }
0x38: {  	s10 =	sld [smem:$0x3FBB]  }
0x39: {  	_ = 	snop;
	(pc) =	sbr.ind lr, $3  }
0x3a: {  	_ = 	snop  }
0x3b: {  	_ = 	snop  }
0x3c: {  	p2 =	seq.s32 s10, $0x1;
	s10 =	sld [smem:$0x3FBA]  }
0x3d: {  	_ =	shalt  }
0x3e: {  	_ =	shalt  }
0x3f: {  	_ =	shalt  }
0x40: {  	_ =	shalt  }
0x41: {  	_ =	shalt  }
0x42: {  	_ =	shalt  }
0x43: {  	_ =	shalt  }
0x44: {  	_ =	shalt  }
0x45: {  	_ =	shalt  }
0x46: {  	_ =	shalt  }
0x47: {  	_ =	shalt  }
0x48: {  	_ =	shalt  }
0x49: {  	_ =	shalt  }
0x4a: {  	_ =	shalt  }
0x4b: {  	_ =	shalt  }
0x4c: {  	_ =	shalt  }
0x4d: {  	_ =	shalt  }
0x4e: {  	_ =	shalt  }
0x4f: {  	_ =	shalt  }
0x50: {  	_ =	shalt  }
0x51: {  	_ =	shalt  }
0x52: {  	_ =	shalt  }
0x53: {  	_ =	shalt  }
0x54: {  	_ =	shalt  }
0x55: {  	_ =	shalt  }
0x56: {  	_ =	shalt  }
0x57: {  	_ =	shalt  }
0x58: {  	_ =	shalt  }
0x59: {  	_ =	shalt  }
0x5a: {  	_ =	shalt  }
0x5b: {  	_ =	shalt  }
0x5c: {  	_ =	shalt  }
0x5d: {  	_ =	shalt  }
0x5e: {  	_ =	shalt  }
0x5f: {  	_ =	shalt  }
0x60: {  	_ =	shalt  }
0x61: {  	_ =	shalt  }
0x62: {  	_ =	shalt  }
0x63: {  	_ =	shalt  }
0x64: {  	_ =	shalt  }
0x65: {  	_ =	shalt  }
0x66: {  	_ =	shalt  }
0x67: {  	_ =	shalt  }
0x68: {  	_ =	shalt  }
0x69: {  	_ =	shalt  }
0x6a: {  	_ =	shalt  }
0x6b: {  	_ =	shalt  }
0x6c: {  	_ =	shalt  }
0x6d: {  	_ =	shalt  }
0x6e: {  	_ =	shalt  }
0x6f: {  	_ =	shalt  }
0x70: {  	_ =	shalt  }
0x71: {  	_ =	shalt  }
0x72: {  	_ =	shalt  }
0x73: {  	_ =	shalt  }
0x74: {  	_ =	shalt  }
0x75: {  	_ =	shalt  }
0x76: {  	_ =	shalt  }
0x77: {  	_ =	shalt  }
0x78: {  	_ =	shalt  }
0x79: {  	_ =	shalt  }
0x7a: {  	_ =	shalt  }
0x7b: {  	_ =	shalt  }
0x7c: {  	_ =	shalt  }
0x7d: {  	_ =	shalt  }
0x7e: {  	_ =	shalt  }
0x7f: {  	_ =	shalt  }
0x80: {  	_ =	shalt  }
0x81: {  	_ =	shalt  }
0x82: {  	_ =	shalt  }
0x83: {  	_ =	shalt  }
0x84: {  	_ =	shalt  }
0x85: {  	_ =	shalt  }
0x86: {  	_ =	shalt  }
0x87: {  	_ =	shalt  }
.Lfunc_end0:
.L_simem_size_0:
called_computation_lowered:
.L_overlay_start_0:
0x88: {  	s2 =	sld [smem:$0x3FD9]  }
0x89: {  	s3 =	sld [smem:$0x3FFE];
	_ =	sdelay $0x1  }
0x8a: {  	s1 =	srdreg.scid  }
0x8b: {  	s0 =	sand.u32 $0x1, s1  }
0x8c: {  	s17 =	sshll.u32 s0, $0xA;
	s2 =	sadd.s32 s3, s2  }
0x8d: {  	s2 =	sadd.s32 s2, s17  }
0x8e: {  	[smem:$0x3FC6] =	sst s2  }
0x8f: {  	_ = 	snop  }
0x90: {  	s2 =	sld [smem:$0x3FC9]  }
0x91: {  	s18 =	sld [smem:$0x3FC8]  }
0x92: {  	s4 =	sld [smem:$0x3FD0];
	(tm) =	ssettm $0x1  }
0x93: {  	s5 =	sld [smem:$0x3FFB];
	_ =	sdelay $0x3  }
0x94: {  	_ =	strace s5  }
0x95: {  	s5 =	sld [smem:$0x3FFC];
	_ =	sdelay $0x3  }
0x96: {  	_ =	strace s5  }
0x97: {  	s5 =	sld [smem:$0x3FFD];
	_ =	sdelay $0x3  }
0x98: {  	_ =	strace s5  }
0x99: {  	_ =	strace $0x8FFFFFFF  }
0x9a: {  	s19 =	sld [smem:$0x3FDB];
	_ =	sdelay $0x1  }
0x9b: {  	s6 =	simm.s32 $_scs_section_size  }
0x9c: {  	s7 =	simm.s32 $_size__tile_overlayer_lowered;
	s8 =	simm.s32 $_tile_overlayer_lowered  }
0x9d: {  	s22 =	simm.s32 $0x1BFF;
	s21 =	sshll.u32 s8, $0x1;
	s5 =	sadd.s32 s6, s19  }
0x9e: {  	s9 =	simm.s32 $0x0;
	s20 =	sshll.u32 s7, $0x1;
	s7 =	sadd.s32 s21, s5  }
0x9f: {  	[timem:s9], [sflag:s22] =	dma.local [hbm:s7], s20  }
0xa0: {  	_ =	swait.ge [sflag:s22], s20  }
0xa1: {  	s6 =	ssub.s32 $0x0, s20;
	[sflag:s22] =	ssyncset.done $0x0  }
0xa2: {  	[sflag:s22] =	ssyncadd.s32 s6;
	_ =	sdelay $0x1  }
0xa3: {  	s23 =	simm.s32 $0x1B8B  }
0xa4: {  	_ =	swait.ge [sflag:s23], $0x1  }
0xa5: {  	[sflag:s23] =	ssyncset.done $0x0  }
0xa6: {  	s25 =	simm.s32 $0x1B8E;
	s24 =	sld [smem:$0x3FFE];
	[sflag:s23] =	ssyncadd.s32 $0xFFFFFFFF  }
0xa7: {  	s26 =	simm.s32 $execute0_lowered;
	[smem:$0x3FD2] =	sst s25  }
0xa8: {  	s7 =	sshll.u32 s26, $0x1;
	_ =	strace $0x80000046;
	[dreg:$0x1] =	wrdreg $0xFFFFFFFF  }
0xa9: {  	s28 =	simm.s32 $_size_execute0_lowered;
	s5 =	sadd.s32 s5, s7;
	[dreg:$0x0] =	wrdreg $0x0  }
0xaa: {  	s7 =	sshll.u32 s28, $0x1;
	[dreg:$0x2] =	wrdreg s5  }
0xab: {  	[dreg:$0x3] =	wrdreg s7  }
0xac: {  	[dreg:$0x4] =	wrdreg $0xC0  }
0xad: {  	_ =	task [dreg:s9], $0x5FFFF  }
0xae: {  	[dreg:$0x1] =	wrdreg $0xFFFFFFFF  }
0xaf: {  	[dreg:$0x0] =	wrdreg $0x60  }
0xb0: {  	[dreg:$0x2] =	wrdreg s2  }
0xb1: {  	[dreg:$0x3] =	wrdreg s18  }
0xb2: {  	[dreg:$0x4] =	wrdreg s24  }
0xb3: {  	[dreg:$0x5] =	wrdreg s4  }
0xb4: {  	[dreg:$0x6] =	wrdreg $0x9  }
0xb5: {  	_ =	task.clear_ibuf [dreg:s9], $0x7FFFF;
	_ =	strace $0x90000046  }
0xb6: {  	s29 =	simm.s32 $0x9;
	_ =	strace $0x80000048  }
0xb7: {  	_ =	swait.ge [sflag:s29], $0x1  }
0xb8: {  	[sflag:s29] =	ssyncadd.s32 $0xFFFFFFFF  }
0xb9: {  	_ =	strace $0x90000048  }
0xba: {  	_ =	sfence  }
0xbb: {  	s30 =	sld [smem:$0x0];
	_ =	sdelay $0x2  }
0xbc: {  	s31 =	sshll.u32 s1, $0xD;
	s1 =	sshrl.u32 s1, $0x2  }
0xbd: {  	s3 =	sand.u32 $0x4000, s31;
	s1 =	sadd.s32 s1, s30  }
0xbe: {  	s0 =	sor.u32 s3, s0;
	s1 =	sshll.u32 s1, $0x11  }
0xbf: {  	s0 =	sor.u32 s1, s0  }
0xc0: {  	s0 =	sadd.s32 $0x8F2B, s0  }
0xc1: {  	[sflag:s0] =	ssyncadd.remote.s32 $0x1  }
0xc2: {  	_ =	sfence.sel $0xFFFF  }
0xc3: {  	[dreg:$0x0] =	wrdreg $0xFFFFFFFF;
	(pc) =	sbr.abs _section_cstart, $3  }
0xc4: {  	[dreg:$0x1] =	wrdreg $0xFFFFFFFF  }
0xc5: {  	_ =	task.clear_ibuf [dreg:s9], $0x2FFFF;
	_ =	strace $0x9FFFFFFF  }
0xc6: {  	(tm) =	ssettm $0x7FFFFFFF  }
0xc7: {  	_ =	shalt  }
tec
execute0_lowered:
.L_overlay_start_1:
0x0: {  	(tag) =	ssettag $0x1  }
0x1: {  	s1 =	rddreg [dreg:$0x0]  }
0x2: {  	s2 =	rddreg [dreg:$0x1]  }
0x3: {  	s0 =	srdreg.scid;
	s4 =	rddreg [dreg:$0x3]  }
0x4: {  	s3 =	stileid.u32;
	s5 =	simm.s32 $0x0;
	s11 =	simm.s32 $0x5  }
0x5: {  	s12 =	simm.s32 $0x1;
	s13 =	simm.s32 $0x80;
	s14 =	simm.s32 $0x10088  }
0x6: {  	s15 =	simm.s32 $0x8080;
	s16 =	simm.s32 $0x10208;
	s17 =	simm.s32 $0x3  }
0x7: {  	s18 =	simm.s32 $0x2;
	s19 =	simm.s32 $0x4;
	s0 =	sand.u32 $0x1, s0  }
.Ltmp0:
0x8: {  	s20 =	simm.s32 $0x0;
	s6 =	sshll.u32 s0, $0x4;
	(pc) =	sbr.rel .LBB2_1-.Ltmp0, $4  }
0x9: {  	[smem:$0x7FF] =	sst s5;
	s0 =	ssub.s32 $0x2, s0;
	s6 =	sor.u32 s3, s6  }
0xa: {  	s9 =	sadd.s32 $0x25E70, s4;
	s7 =	sshrl.u32 s0, $0x1;
	s8 =	smul.u32 $0x1390, s6  }
0xb: {  	_ =	strace $0x80000047;
	s0 =	ssub.s32 s0, s7;
	s7 =	smul.u32 $0x139, s6  }
0xc: {  	v0 =	vimm.f32 $-Inf;
	v1 =	vlaneseq.u32;
	p0 =	seq.s32 s6, $0x1F;
	s10 =	smax.u32 s0, $0x1;
	s8 =	sadd.s32 s4, s8  }
.LBB2_4:
0xd: {  	v9 =	vimm.f32 $-Inf;
	v8 =	vimm.f32 $-Inf  }
0xe: {  	v7 =	vimm.f32 $-Inf;
	v3 =	vimm.f32 $-Inf;
	v6 =	vimm.f32 $-Inf  }
0xf: {  	s26 =	simm.s32 $0xFFFFFFFF;
	v5 =	vimm.f32 $-Inf;
	v4 =	vimm.f32 $-Inf;
	v2 =	vimm.f32 $-Inf  }
.LBB2_29:
0x10: {  	_ =	swait.ge [sflag:s12], $0x8000  }
0x11: {  	[sflag:s12] =	ssyncset.done $0x0  }
0x12: {  	[sflag:s12] =	ssyncadd.s32 $0xFFFF8000  }
0x13: {  	_ =	swait.ge [sflag:s17], $0x100  }
0x14: {  	[sflag:s17] =	ssyncset.done $0x0  }
0x15: {  	[sflag:s17] =	ssyncadd.s32 $0xFFFFFF00  }
0x16: {  	_ =	swait.ge [sflag:s18], $0x8000  }
0x17: {  	[sflag:s18] =	ssyncset.done $0x0  }
0x18: {  	[sflag:s18] =	ssyncadd.s32 $0xFFFF8000  }
0x19: {  	s0 =	ssub.s32 s26, s7;
	_ =	swait.ge [sflag:s19], $0x100  }
0x1a: {  	s0 =	smin.u32 s0, $0x139;
	[sflag:s19] =	ssyncset.done $0x0  }
0x1b: {  	s0 =	sshll.u32 s0, $0x7;
	[sflag:s19] =	ssyncadd.s32 $0xFFFFFF00  }
0x1c: {  	v10 =	vld [tilespmem:s0+$0x10500]  }
0x1d: {  	v11 =	vld [tilespmem:s0+$0x10510]  }
0x1e: {  	v12 =	vld [tilespmem:s0+$0x10520]  }
0x1f: {  	v13 =	vld [tilespmem:s0+$0x10530]  }
0x20: {  	v63 =	vld [tilespmem:s0+$0x10570]  }
0x21: {  	v14 =	vld [tilespmem:s0+$0x10540];
	v9 =	vmax.f32 v10, v9  }
0x22: {  	v61 =	vld [tilespmem:s0+$0x10550];
	v8 =	vmax.f32 v11, v8;
	[tilespmem:s0+$0x10500] =	vst v9  }
0x23: {  	v62 =	vld [tilespmem:s0+$0x10560];
	v7 =	vmax.f32 v12, v7;
	[tilespmem:s0+$0x10510] =	vst v8  }
0x24: {  	v3 =	vmax.f32 v13, v3;
	[tilespmem:s0+$0x10520] =	vst v7  }
0x25: {  	v2 =	vmax.f32 v63, v2;
	[tilespmem:s0+$0x10530] =	vst v3  }
0x26: {  	v3 =	vmax.f32 v14, v6;
	[tilespmem:s0+$0x10570] =	vst v2  }
0x27: {  	[tilespmem:s0+$0x10540] =	vst v3;
	v3 =	vmax.f32 v61, v5  }
0x28: {  	[tilespmem:s0+$0x10550] =	vst v3;
	v3 =	vmax.f32 v62, v4  }
0x29: {  	s3 =	simm.s32 @p0 $0x10500;
	[tilespmem:s0+$0x10560] =	vst v3;
	s0 =	simm.s32 @p0 $0x0  }
0x2a: {  	[hbm4b:s9+s0] =	stream.linear.scatter @p0 [tilespmem:s3], [sflag:$0x5], $0x9480, $0x38;
	[tilespmem:$0x1A200] =	vst v63  }
0x2b: {  	s0 =	simm.s32 @p0 $0x5  }
0x2c: {  	s20 =	sadd.s32 $0x1, s20;
	_ =	swait.ge @p0 [sflag:s0], $0x9480  }
0x2d: {  	p1 =	sne.s32 s20, s10;
	[sflag:s0] =	ssyncset.done @p0 $0x0  }
0x2e: {  	s3 =	simm.s32 @!p0 $0x10500;
	[sflag:s0] =	ssyncadd.s32 @p0 $0xFFFF6B80;
	s0 =	simm.s32 @!p0 $0x0  }
0x2f: {  	[hbm4b:s8+s0] =	stream.linear.scatter @!p0 [tilespmem:s3], [sflag:$0x5], $0x9C80, $0x38;
	[tilespmem:$0x1A200] =	vst v63  }
.Ltmp1:
0x30: {  	_ = 	snop;
	(pc) =	sbr.rel @!p1 .LBB2_30-.Ltmp1, $4  }
0x31: {  	s0 =	simm.s32 @!p0 $0x5  }
0x32: {  	_ =	swait.ge @!p0 [sflag:s0], $0x9C80  }
0x33: {  	[sflag:s0] =	ssyncset.done @!p0 $0x0  }
0x34: {  	[sflag:s0] =	ssyncadd.s32 @!p0 $0xFFFF6380  }
.LBB2_1:
0x35: {  	s0 =	rddreg [dreg:$0x2]  }
0x36: {  	[tilespmem:s5], [sflag:$0x5] =	stream.linear.gather [hbm4b:s0+s5], $0x80, $0x38;
	[tilespmem:$0x1A200] =	vst v63  }
0x37: {  	_ =	swait.ge [sflag:s11], $0x80  }
0x38: {  	[sflag:s11] =	ssyncset.done $0x0  }
0x39: {  	s4 =	simm.s32 $0x0;
	s0 =	simm.s32 $0x40;
	[sflag:s11] =	ssyncadd.s32 $0xFFFFFF80  }
.LBB2_2:
0x3a: {  	p1 =	sne.s32 s0, $0x273C0;
	[tilespmem:s4+$0x10500] =	vst v0;
	s4 =	smov.u32 s0;
	s0 =	sadd.s32 $0x40, s0  }
.Ltmp2:
0x3b: {  	(pc) =	sbr.rel @p1 .LBB2_2-.Ltmp2, $2  }
0x3c: {  	_ =	sdelay $0x2  }
0x3d: {  	s4 =	sshra.s32 s4, $0x2  }
0x3e: {  	[tilespmem:s4+$0x10500] =	vst v0  }
0x3f: {  	v2 =	vld [tilespmem:s6+$0x0];
	_ =	sdelay $0x4  }
0x40: {  	(v2sf) =	vpush v2, $0x0  }
0x41: {  	(v2sf) =	vpush v2, $0x1;
	_ =	sdelay $0xd  }
0x42: {  	s0 =	spop (v2sf)  }
0x43: {  	s0 =	sand.u32 $0xFFFFFFF8, s0;
	s25 =	spop (v2sf)  }
0x44: {  	p1 =	slt.s32 s0, $0x4E100;
	s21 =	smov.u32 s0;
	s4 =	ssub.s32 s25, s0  }
0x45: {  	s21 =	simm.s32 @!p1 $0x4E100;
	s4 =	sadd.s32 $0xFF, s4  }
0x46: {  	s22 =	sshll.u32 s21, $0x4;
	s23 =	sshra.s32 s4, $0x1F  }
0x47: {  	s24 =	sand.u32 $0xFF, s4;
	p4 =	slt.s32 s4, $0x1;
	s22 =	sand.u32 $0x1FFFFF80, s22  }
0x48: {  	s21 =	sshrl.u32 s21, $0x3;
	p2 =	sne.s32 s24, $0x0;
	s22 =	sadd.s32 s1, s22  }
0x49: {  	[tilespmem:s13], [sflag:$0x1] =	stream.linear.gather [hbm4b:s22+s5], $0x8000, $0x38;
	[tilespmem:$0x1A200] =	vst v63  }
0x4a: {  	s23 =	sshrl.u32 s23, $0x18;
	s21 =	sadd.s32 s2, s21;
	p1 =	por !p4, !p2  }
0x4b: {  	[tilespmem:s14], [sflag:$0x3] =	stream.linear.gather [hbm4b:s21+s5], $0x100, $0x38;
	[tilespmem:$0x1A200] =	vst v63  }
0x4c: {  	s4 =	sadd.s32 s23, s4;
	p1 =	por !p1, !p1;
	s21 =	simm.s32 $0x1  }
0x4d: {  	s4 =	sshra.s32 s4, $0x8;
	s21 =	simm.s32 @!p1 $0x0  }
0x4e: {  	s4 =	ssub.s32 s4, s21  }
0x4f: {  	s21 =	sadd.s32 $0x1, s4  }
0x50: {  	s22 =	sadd.s32 $0x100, s0;
	s28 =	sand.u32 $0x1, s21  }
0x51: {  	p1 =	slt.s32 s22, $0x4E100;
	p5 =	slt.s32 s4, $0x0;
	p6 =	seq.s32 s28, $0x1  }
0x52: {  	s22 =	simm.s32 @!p1 $0x4E100;
	s30 =	sshrl.u32 s21, $0x1F;
	p1 =	por !p5, !p6  }
0x53: {  	s4 =	sadd.s32 s30, s21;
	s21 =	simm.s32 $0x1;
	p1 =	por !p1, !p1  }
0x54: {  	s4 =	sshra.s32 s4, $0x1;
	s21 =	simm.s32 @!p1 $0x0  }
0x55: {  	s21 =	ssub.s32 s4, s21  }
0x56: {  	s26 =	sshll.u32 s22, $0x4;
	p1 =	slt.s32 s21, $0x1  }
.Ltmp3:
0x57: {  	s23 =	sand.u32 $0x1FFFFF80, s26;
	(pc) =	sbr.rel @p1 .LBB2_4-.Ltmp3, $4  }
0x58: {  	s22 =	sshrl.u32 s22, $0x3;
	s29 =	sadd.s32 s1, s23  }
0x59: {  	[tilespmem:s15], [sflag:$0x2] =	stream.linear.gather [hbm4b:s29+s5], $0x8000, $0x38;
	[tilespmem:$0x1A200] =	vst v63  }
0x5a: {  	s31 =	sadd.s32 s2, s22  }
0x5b: {  	[tilespmem:s16], [sflag:$0x4] =	stream.linear.gather [hbm4b:s31+s5], $0x100, $0x38;
	[tilespmem:$0x1A200] =	vst v63  }
.Ltmp4:
0x5c: {  	(pc) =	sbr.rel .LBB2_6-.Ltmp4, $4  }
0x5d: {  	_ = 	snop  }
0x5e: {  	v2 =	vimm.f32 $-Inf;
	v4 =	vimm.f32 $-Inf  }
0x5f: {  	s22 =	sadd.s32 $0x200, s0;
	s23 =	sadd.s32 $0x300, s0;
	v5 =	vimm.f32 $-Inf;
	v6 =	vimm.f32 $-Inf;
	v3 =	vimm.f32 $-Inf  }
0x60: {  	s24 =	simm.s32 $0x0;
	s26 =	simm.s32 $0xFFFFFFFF;
	v7 =	vimm.f32 $-Inf;
	v8 =	vimm.f32 $-Inf;
	v9 =	vimm.f32 $-Inf;
	s25 =	simm.s32 $0x0  }
.LBB2_28:
0x61: {  	s0 =	sadd.s32 s28, s23  }
0x62: {  	p1 =	slt.s32 s0, $0x4E100  }
0x63: {  	s25 =	sadd.s32 $0x1, s25;
	s0 =	simm.s32 @!p1 $0x4E100  }
0x64: {  	p1 =	sne.s32 s25, s21;
	s3 =	sshll.u32 s0, $0x4  }
.Ltmp5:
0x65: {  	s3 =	sand.u32 $0x1FFFFF80, s3;
	(pc) =	sbr.rel @!p1 .LBB2_29-.Ltmp5, $4  }
0x66: {  	s0 =	sshrl.u32 s0, $0x3;
	s3 =	sadd.s32 s1, s3  }
0x67: {  	[tilespmem:s15], [sflag:$0x2] =	stream.linear.gather [hbm4b:s3+s5], $0x8000, $0x38;
	[tilespmem:$0x1A200] =	vst v63  }
0x68: {  	s0 =	sadd.s32 s2, s0  }
0x69: {  	[tilespmem:s16], [sflag:$0x4] =	stream.linear.gather [hbm4b:s0+s5], $0x100, $0x38;
	[tilespmem:$0x1A200] =	vst v63  }
.LBB2_6:
0x6a: {  	_ =	swait.ge [sflag:s12], $0x8000  }
0x6b: {  	[sflag:s12] =	ssyncset.done $0x0  }
0x6c: {  	[sflag:s12] =	ssyncadd.s32 $0xFFFF8000  }
0x6d: {  	_ =	swait.ge [sflag:s17], $0x100  }
0x6e: {  	[sflag:s17] =	ssyncset.done $0x0  }
0x6f: {  	s0 =	simm.s32 $0x10088;
	[sflag:s17] =	ssyncadd.s32 $0xFFFFFF00  }
0x70: {  	v10 =	vld [tilespmem:s0+$0xFFFFFFFF]  }
0x71: {  	v11 =	vld [tilespmem:s0+$0x0];
	_ =	sdelay $0x4  }
0x72: {  	vm0 =	vne.s32 v11, v10  }
0x73: {  	v11 =	vmpcnt.ones.xlane vm0;
	_ =	sdelay $0x1  }
0x74: {  	(v2sf) =	vpush v11, $0x0;
	_ =	sdelay $0x4  }
0x75: {  	v10 =	vor.u32 s24, v1  }
0x76: {  	s28 =	simm.s32 $0x10098;
	[tilespmem:s24+$0x10380] =	vst.msk vm0, v10  }
0x77: {  	v10 =	vld [tilespmem:s28+$0xFFFFFFFF]  }
0x78: {  	s4 =	simm.s32 $0x20;
	s29 =	simm.s32 $0x0;
	s0 =	simm.s32 $0x10;
	v11 =	vld [tilespmem:s28+$0x0]  }
.LBB2_7:
0x79: {  	p1 =	sne.s32 s4, $0xF0;
	_ =	sdelay $0x3  }
0x7a: {  	vm0 =	vne.s32 v11, v10  }
0x7b: {  	v10 =	vmpcnt.ones.xlane vm0  }
0x7c: {  	s30 =	spop (v2sf)  }
0x7d: {  	v11 =	vor.u32 s0, v1;
	s0 =	smov.u32 s4;
	(v2sf) =	vpush v10, $0x0;
	s29 =	sadd.s32 s29, s30  }
0x7e: {  	[tilespmem:s29+$0x10380] =	vst.msk vm0, v11;
	_ =	sdelay $0x2  }
.Ltmp6:
0x7f: {  	(pc) =	sbr.rel @p1 .LBB2_7-.Ltmp6, $4  }
0x80: {  	_ = 	snop  }
0x81: {  	s28 =	sadd.s32 $0x10, s28  }
0x82: {  	v10 =	vld [tilespmem:s28+$0xFFFFFFFF]  }
0x83: {  	s4 =	sadd.s32 $0x10, s4;
	v11 =	vld [tilespmem:s28+$0x0]  }
0x84: {  	_ =	sdelay $0x3  }
0x85: {  	vm0 =	vne.s32 v11, v10  }
0x86: {  	v10 =	vmpcnt.ones.xlane vm0;
	_ =	sdelay $0x1  }
0x87: {  	(v2sf) =	vpush v10, $0x0;
	_ =	sdelay $0xd  }
0x88: {  	s4 =	spop (v2sf)  }
0x89: {  	s4 =	sadd.s32 s29, s4;
	s28 =	spop (v2sf)  }
0x8a: {  	s28 =	sadd.s32 s4, s28  }
0x8b: {  	p1 =	sgt.u32 s28, $0x7FFFFFFE  }
.Ltmp7:
0x8c: {  	_ = 	snop;
	(pc) =	sbr.rel @!p1 .LBB2_9-.Ltmp7, $3  }
0x8d: {  	_ =	sdelay $0x1  }
0x8e: {  	v10 =	vor.u32 s0, v1  }
0x8f: {  	s0 =	simm.s32 $0x0;
	s29 =	simm.s32 $0x0;
	[tilespmem:s4+$0x10380] =	vst.msk vm0, v10  }
.LBB2_17:
0x90: {  	s28 =	sshll.u32 s25, $0x9  }
0x91: {  	s4 =	sadd.s32 s28, s22  }
0x92: {  	p1 =	slt.s32 s4, $0x4E100  }
0x93: {  	s4 =	simm.s32 @!p1 $0x4E100  }
0x94: {  	s0 =	sshll.u32 s4, $0x4  }
0x95: {  	s0 =	sand.u32 $0x1FFFFF80, s0  }
0x96: {  	s4 =	sshrl.u32 s4, $0x3;
	s29 =	sadd.s32 s1, s0;
	s0 =	simm.s32 $0x0  }
0x97: {  	[tilespmem:s13], [sflag:$0x1] =	stream.linear.gather [hbm4b:s29+s0], $0x8000, $0x38;
	[tilespmem:$0x1A200] =	vst v63  }
0x98: {  	s4 =	sadd.s32 s2, s4  }
0x99: {  	[tilespmem:s14], [sflag:$0x3] =	stream.linear.gather [hbm4b:s4+s0], $0x100, $0x38;
	[tilespmem:$0x1A200] =	vst v63  }
0x9a: {  	_ =	swait.ge [sflag:s18], $0x8000  }
0x9b: {  	[sflag:s18] =	ssyncset.done $0x0  }
0x9c: {  	[sflag:s18] =	ssyncadd.s32 $0xFFFF8000  }
0x9d: {  	_ =	swait.ge [sflag:s19], $0x100  }
0x9e: {  	[sflag:s19] =	ssyncset.done $0x0  }
0x9f: {  	s31 =	simm.s32 $0x10208;
	[sflag:s19] =	ssyncadd.s32 $0xFFFFFF00  }
0xa0: {  	v10 =	vld [tilespmem:s31+$0xFFFFFFFF]  }
0xa1: {  	v11 =	vld [tilespmem:s31+$0x0];
	_ =	sdelay $0x4  }
0xa2: {  	vm0 =	vne.s32 v11, v10  }
0xa3: {  	v11 =	vmpcnt.ones.xlane vm0;
	_ =	sdelay $0x1  }
0xa4: {  	(v2sf) =	vpush v11, $0x0;
	_ =	sdelay $0x4  }
0xa5: {  	v10 =	vor.u32 s0, v1  }
0xa6: {  	s29 =	simm.s32 $0x10218;
	[tilespmem:s0+$0x10380] =	vst.msk vm0, v10  }
0xa7: {  	v10 =	vld [tilespmem:s29+$0xFFFFFFFF]  }
0xa8: {  	s30 =	simm.s32 $0x10;
	s4 =	simm.s32 $0x20;
	v11 =	vld [tilespmem:s29+$0x0]  }
.LBB2_18:
0xa9: {  	p1 =	sne.s32 s4, $0xF0;
	_ =	sdelay $0x3  }
0xaa: {  	vm0 =	vne.s32 v11, v10  }
0xab: {  	v10 =	vmpcnt.ones.xlane vm0  }
0xac: {  	s31 =	spop (v2sf)  }
0xad: {  	v11 =	vor.u32 s30, v1;
	s30 =	smov.u32 s4;
	(v2sf) =	vpush v10, $0x0;
	s0 =	sadd.s32 s0, s31  }
0xae: {  	[tilespmem:s0+$0x10380] =	vst.msk vm0, v11;
	_ =	sdelay $0x2  }
.Ltmp8:
0xaf: {  	(pc) =	sbr.rel @p1 .LBB2_18-.Ltmp8, $4  }
0xb0: {  	_ = 	snop  }
0xb1: {  	s29 =	sadd.s32 $0x10, s29  }
0xb2: {  	v10 =	vld [tilespmem:s29+$0xFFFFFFFF]  }
0xb3: {  	s4 =	sadd.s32 $0x10, s4;
	v11 =	vld [tilespmem:s29+$0x0]  }
0xb4: {  	_ =	sdelay $0x3  }
0xb5: {  	vm0 =	vne.s32 v11, v10  }
0xb6: {  	v10 =	vmpcnt.ones.xlane vm0;
	_ =	sdelay $0x1  }
0xb7: {  	(v2sf) =	vpush v10, $0x0;
	_ =	sdelay $0xd  }
0xb8: {  	s4 =	spop (v2sf)  }
0xb9: {  	s0 =	sadd.s32 s0, s4;
	s31 =	spop (v2sf)  }
0xba: {  	s29 =	sadd.s32 s0, s31  }
0xbb: {  	p1 =	sgt.u32 s29, $0x7FFFFFFE  }
.Ltmp9:
0xbc: {  	_ = 	snop;
	(pc) =	sbr.rel @p1 .LBB2_28-.Ltmp9, $4  }
.Ltmp10:
0xbd: {  	_ = 	snop;
	(pc) =	sbr.rel @!p1 .LBB2_20-.Ltmp10, $4  }
0xbe: {  	_ = 	snop  }
0xbf: {  	v10 =	vor.u32 s30, v1  }
0xc0: {  	s30 =	simm.s32 $0x0;
	[tilespmem:s0+$0x10380] =	vst.msk vm0, v10;
	s0 =	simm.s32 $0x0  }
0xc1: {  	_ = 	snop  }
.LBB2_11:
0xc2: {  	v7 =	vimm.f32 $-Inf;
	v12 =	vimm.f32 $-Inf  }
0xc3: {  	v14 =	vimm.f32 $-Inf;
	v15 =	vimm.f32 $-Inf;
	v2 =	vimm.f32 $-Inf  }
0xc4: {  	v5 =	vimm.f32 $-Inf;
	v6 =	vimm.f32 $-Inf;
	v9 =	vimm.f32 $-Inf  }
.LBB2_15:
0xc5: {  	v16 =	vld [tilespmem:s31+$0xFFFFFFD0]  }
0xc6: {  	v17 =	vld [tilespmem:s31+$0xFFFFFFE0]  }
0xc7: {  	v18 =	vld [tilespmem:s31+$0xFFFFFFF0]  }
0xc8: {  	v19 =	vld [tilespmem:s31+$0x0]  }
0xc9: {  	v20 =	vld [tilespmem:s31+$0x10]  }
0xca: {  	v21 =	vld [tilespmem:s31+$0x20]  }
0xcb: {  	v22 =	vmax.f32 @p1 v7, v8;
	v23 =	vld [tilespmem:s31+$0xFFFFFFC0]  }
0xcc: {  	v10 =	vmax.f32 @p1 v12, v10;
	v11 =	vmax.f32 @p1 v14, v11;
	v12 =	vmax.f32 @p1 v15, v13  }
0xcd: {  	v2 =	vmax.f32 v2, v3;
	v8 =	vmax.f32 v5, v16;
	v7 =	vmax.f32 v6, v17  }
0xce: {  	v3 =	vmax.f32 v9, v18;
	v5 =	vpsel p1, v22, v4;
	v9 =	vpsel p1, v10, v4  }
0xcf: {  	v10 =	vpsel p1, v11, v4;
	v11 =	vpsel p1, v12, v4;
	v6 =	vmax.f32 v5, v19  }
0xd0: {  	v5 =	vmax.f32 v9, v20;
	v4 =	vmax.f32 v10, v21;
	v9 =	vmax.f32 v11, v23  }
.LBB2_16:
0xd1: {  	p1 =	sne.s32 s29, s28  }
.Ltmp11:
0xd2: {  	_ = 	snop;
	(pc) =	sbr.rel @!p1 .LBB2_17-.Ltmp11, $3  }
0xd3: {  	_ =	sdelay $0x1  }
0xd4: {  	s4 =	sadd.s32 $0x1, s29  }
0xd5: {  	s0 =	smov.u32 s30;
	s29 =	smov.u32 s4  }
.LBB2_9:
0xd6: {  	s4 =	ssub.s32 s26, s7  }
0xd7: {  	s4 =	smin.u32 s4, $0x139  }
0xd8: {  	s4 =	sshll.u32 s4, $0x7  }
0xd9: {  	v10 =	vld [tilespmem:s4+$0x10500]  }
0xda: {  	v11 =	vld [tilespmem:s4+$0x10510]  }
0xdb: {  	v12 =	vld [tilespmem:s4+$0x10520]  }
0xdc: {  	v13 =	vld [tilespmem:s4+$0x10530]  }
0xdd: {  	v14 =	vld [tilespmem:s4+$0x10540]  }
0xde: {  	v9 =	vmax.f32 v10, v9;
	v10 =	vld [tilespmem:s4+$0x10550]  }
0xdf: {  	v8 =	vmax.f32 v11, v8;
	[tilespmem:s4+$0x10500] =	vst v9;
	v9 =	vld [tilespmem:s4+$0x10560]  }
0xe0: {  	v7 =	vmax.f32 v12, v7;
	[tilespmem:s4+$0x10510] =	vst v8;
	v8 =	vld [tilespmem:s4+$0x10570]  }
0xe1: {  	v3 =	vmax.f32 v13, v3;
	[tilespmem:s4+$0x10520] =	vst v7  }
0xe2: {  	[tilespmem:s4+$0x10530] =	vst v3;
	v3 =	vmax.f32 v14, v6  }
0xe3: {  	[tilespmem:s4+$0x10540] =	vst v3;
	v3 =	vmax.f32 v10, v5  }
0xe4: {  	[tilespmem:s4+$0x10550] =	vst v3;
	v3 =	vmax.f32 v9, v4  }
0xe5: {  	v2 =	vmax.f32 v8, v2;
	[tilespmem:s4+$0x10560] =	vst v3  }
0xe6: {  	[tilespmem:s4+$0x10570] =	vst v2  }
0xe7: {  	v2 =	vld [tilespmem:s0+$0x10088]  }
0xe8: {  	v3 =	vld [tilespmem:s29+$0x10380];
	_ =	sdelay $0x3  }
0xe9: {  	(v2sf) =	vpush v2, $0x0  }
0xea: {  	(v2sf) =	vpush v3, $0x0;
	_ =	sdelay $0xd  }
0xeb: {  	s26 =	spop (v2sf)  }
0xec: {  	p1 =	slt.s32 s29, s28;
	s30 =	spop (v2sf)  }
0xed: {  	s30 =	simm.s32 @!p1 $0x100  }
0xee: {  	p1 =	sle.s32 s30, s0  }
.Ltmp12:
0xef: {  	_ = 	snop;
	(pc) =	sbr.rel @p1 .LBB2_16-.Ltmp12, $4  }
0xf0: {  	_ = 	snop  }
0xf1: {  	v7 =	vimm.f32 $-Inf;
	v6 =	vimm.f32 $-Inf  }
0xf2: {  	v5 =	vimm.f32 $-Inf;
	v9 =	vimm.f32 $-Inf;
	v8 =	vimm.f32 $-Inf  }
0xf3: {  	v4 =	vimm.f32 $-Inf;
	v2 =	vimm.f32 $-Inf;
	v3 =	vimm.f32 $-Inf  }
0xf4: {  	s3 =	ssub.s32 s30, s0  }
0xf5: {  	p2 =	sne.s32 s3, $0x1  }
.Ltmp13:
0xf6: {  	_ = 	snop;
	(pc) =	sbr.rel @!p2 .LBB2_11-.Ltmp13, $4  }
0xf7: {  	s4 =	sshll.u32 s0, $0x9  }
0xf8: {  	s4 =	sshra.s32 s4, $0x2  }
0xf9: {  	s31 =	sadd.s32 $0xC0, s4  }
0xfa: {  	v4 =	vimm.f32 $-Inf;
	p1 =	por $0x0, $0x0;
	s0 =	sadd.s32 $0xFFFFFFFF, s3;
	v3 =	vld [tilespmem:s31+$0x30]  }
0xfb: {  	v5 =	vld [tilespmem:s31+$0xFFFFFFD0]  }
0xfc: {  	v6 =	vld [tilespmem:s31+$0xFFFFFFE0]  }
0xfd: {  	v7 =	vld [tilespmem:s31+$0xFFFFFFF0];
	p2 =	sne.s32 s0, $0x1  }
.Ltmp14:
0xfe: {  	v8 =	vld [tilespmem:s31+$0x0];
	(pc) =	sbr.rel @!p2 .LBB2_13-.Ltmp14, $4  }
0xff: {  	v10 =	vld [tilespmem:s31+$0x10]  }
0x100: {  	v11 =	vld [tilespmem:s31+$0x20];
	v12 =	vimm.f32 $-Inf;
	v14 =	vimm.f32 $-Inf  }
0x101: {  	v13 =	vld [tilespmem:s31+$0xFFFFFFC0];
	s31 =	sadd.s32 $0x80, s31;
	v15 =	vimm.f32 $-Inf;
	v2 =	vmax.f32 v4, v3;
	v5 =	vmax.f32 v4, v5  }
0x102: {  	s0 =	sadd.s32 $0xFFFFFFFF, s0;
	p1 =	por $0x1, $0x1;
	v3 =	vld [tilespmem:s31+$0x30];
	v6 =	vmax.f32 v4, v6;
	v9 =	vmax.f32 v4, v7;
	v7 =	vimm.f32 $-Inf  }
.LBB2_14:
0x103: {  	p2 =	sne.s32 s0, $0x1;
	v16 =	vld [tilespmem:s31+$0xFFFFFFD0];
	v7 =	vmax.f32 v7, v8  }
0x104: {  	v12 =	vmax.f32 v12, v10;
	v17 =	vld [tilespmem:s31+$0xFFFFFFE0]  }
0x105: {  	v14 =	vmax.f32 v14, v11;
	v18 =	vld [tilespmem:s31+$0xFFFFFFF0]  }
.Ltmp15:
0x106: {  	v15 =	vmax.f32 v15, v13;
	v8 =	vld [tilespmem:s31+$0x0];
	(pc) =	sbr.rel @p2 .LBB2_14-.Ltmp15, $4  }
0x107: {  	v2 =	vmax.f32 v2, v3;
	v10 =	vld [tilespmem:s31+$0x10]  }
0x108: {  	v5 =	vmax.f32 v5, v16;
	v11 =	vld [tilespmem:s31+$0x20]  }
0x109: {  	v13 =	vld [tilespmem:s31+$0xFFFFFFC0];
	v6 =	vmax.f32 v6, v17;
	s31 =	sadd.s32 $0x80, s31  }
0x10a: {  	s0 =	sadd.s32 $0xFFFFFFFF, s0;
	v3 =	vld [tilespmem:s31+$0x30];
	v9 =	vmax.f32 v9, v18  }
.Ltmp16:
0x10b: {  	_ = 	snop;
	(pc) =	sbr.rel .LBB2_15-.Ltmp16, $1  }
0x10c: {  	_ =	sdelay $0x3  }
.LBB2_13:
.Ltmp17:
0x10d: {  	(pc) =	sbr.rel .LBB2_15-.Ltmp17, $3  }
0x10e: {  	_ =	sdelay $0x1  }
0x10f: {  	v7 =	vimm.f32 $-Inf  }
0x110: {  	v12 =	vimm.f32 $-Inf;
	v14 =	vimm.f32 $-Inf;
	v15 =	vimm.f32 $-Inf  }
.LBB2_22:
0x111: {  	v7 =	vimm.f32 $-Inf;
	v12 =	vimm.f32 $-Inf  }
0x112: {  	v14 =	vimm.f32 $-Inf;
	v15 =	vimm.f32 $-Inf;
	v2 =	vimm.f32 $-Inf  }
0x113: {  	v5 =	vimm.f32 $-Inf;
	v6 =	vimm.f32 $-Inf;
	v9 =	vimm.f32 $-Inf  }
.LBB2_26:
0x114: {  	v16 =	vld [tilespmem:s0+$0xFFFFFFD0]  }
0x115: {  	v17 =	vld [tilespmem:s0+$0xFFFFFFE0]  }
0x116: {  	v18 =	vld [tilespmem:s0+$0xFFFFFFF0]  }
0x117: {  	v19 =	vld [tilespmem:s0+$0x0]  }
0x118: {  	v20 =	vld [tilespmem:s0+$0x10]  }
0x119: {  	v21 =	vld [tilespmem:s0+$0x20]  }
0x11a: {  	v22 =	vmax.f32 @p1 v7, v8;
	v23 =	vld [tilespmem:s0+$0xFFFFFFC0]  }
0x11b: {  	v10 =	vmax.f32 @p1 v12, v10;
	v11 =	vmax.f32 @p1 v14, v11;
	v12 =	vmax.f32 @p1 v15, v13  }
0x11c: {  	v2 =	vmax.f32 v2, v3;
	v8 =	vmax.f32 v5, v16;
	v7 =	vmax.f32 v6, v17  }
0x11d: {  	v3 =	vmax.f32 v9, v18;
	v5 =	vpsel p1, v22, v4;
	v9 =	vpsel p1, v10, v4  }
0x11e: {  	v10 =	vpsel p1, v11, v4;
	v11 =	vpsel p1, v12, v4;
	v6 =	vmax.f32 v5, v19  }
0x11f: {  	v5 =	vmax.f32 v9, v20;
	v4 =	vmax.f32 v10, v21;
	v9 =	vmax.f32 v11, v23  }
.LBB2_27:
0x120: {  	p1 =	sne.s32 s30, s29  }
.Ltmp18:
0x121: {  	_ = 	snop;
	(pc) =	sbr.rel @!p1 .LBB2_28-.Ltmp18, $3  }
0x122: {  	_ =	sdelay $0x1  }
0x123: {  	s3 =	sadd.s32 $0x1, s30  }
0x124: {  	s0 =	smov.u32 s31;
	s30 =	smov.u32 s3  }
.LBB2_20:
0x125: {  	s4 =	ssub.s32 s26, s7  }
0x126: {  	s4 =	smin.u32 s4, $0x139  }
0x127: {  	s4 =	sshll.u32 s4, $0x7  }
0x128: {  	v10 =	vld [tilespmem:s4+$0x10500]  }
0x129: {  	v11 =	vld [tilespmem:s4+$0x10510]  }
0x12a: {  	v12 =	vld [tilespmem:s4+$0x10520]  }
0x12b: {  	v13 =	vld [tilespmem:s4+$0x10530]  }
0x12c: {  	v14 =	vld [tilespmem:s4+$0x10540]  }
0x12d: {  	v9 =	vmax.f32 v10, v9;
	v10 =	vld [tilespmem:s4+$0x10550]  }
0x12e: {  	v8 =	vmax.f32 v11, v8;
	[tilespmem:s4+$0x10500] =	vst v9;
	v9 =	vld [tilespmem:s4+$0x10560]  }
0x12f: {  	v7 =	vmax.f32 v12, v7;
	[tilespmem:s4+$0x10510] =	vst v8;
	v8 =	vld [tilespmem:s4+$0x10570]  }
0x130: {  	v3 =	vmax.f32 v13, v3;
	[tilespmem:s4+$0x10520] =	vst v7  }
0x131: {  	[tilespmem:s4+$0x10530] =	vst v3;
	v3 =	vmax.f32 v14, v6  }
0x132: {  	[tilespmem:s4+$0x10540] =	vst v3;
	v3 =	vmax.f32 v10, v5  }
0x133: {  	[tilespmem:s4+$0x10550] =	vst v3;
	v3 =	vmax.f32 v9, v4  }
0x134: {  	v2 =	vmax.f32 v8, v2;
	[tilespmem:s4+$0x10560] =	vst v3  }
0x135: {  	[tilespmem:s4+$0x10570] =	vst v2  }
0x136: {  	v2 =	vld [tilespmem:s0+$0x10208]  }
0x137: {  	v3 =	vld [tilespmem:s30+$0x10380];
	_ =	sdelay $0x3  }
0x138: {  	(v2sf) =	vpush v2, $0x0  }
0x139: {  	(v2sf) =	vpush v3, $0x0;
	_ =	sdelay $0xd  }
0x13a: {  	s26 =	spop (v2sf)  }
0x13b: {  	p1 =	slt.s32 s30, s29;
	s31 =	spop (v2sf)  }
0x13c: {  	s31 =	simm.s32 @!p1 $0x100  }
0x13d: {  	p1 =	sle.s32 s31, s0  }
.Ltmp19:
0x13e: {  	_ = 	snop;
	(pc) =	sbr.rel @p1 .LBB2_27-.Ltmp19, $4  }
0x13f: {  	_ = 	snop  }
0x140: {  	v7 =	vimm.f32 $-Inf;
	v6 =	vimm.f32 $-Inf  }
0x141: {  	v5 =	vimm.f32 $-Inf;
	v9 =	vimm.f32 $-Inf;
	v8 =	vimm.f32 $-Inf  }
0x142: {  	v4 =	vimm.f32 $-Inf;
	v2 =	vimm.f32 $-Inf;
	v3 =	vimm.f32 $-Inf  }
0x143: {  	s3 =	ssub.s32 s31, s0  }
0x144: {  	p2 =	sne.s32 s3, $0x1  }
.Ltmp20:
0x145: {  	_ = 	snop;
	(pc) =	sbr.rel @!p2 .LBB2_22-.Ltmp20, $4  }
0x146: {  	s4 =	sshll.u32 s0, $0x9  }
0x147: {  	s4 =	sshra.s32 s4, $0x2  }
0x148: {  	s0 =	sadd.s32 $0x80C0, s4  }
0x149: {  	v4 =	vimm.f32 $-Inf;
	p1 =	por $0x0, $0x0;
	s4 =	sadd.s32 $0xFFFFFFFF, s3;
	v3 =	vld [tilespmem:s0+$0x30]  }
0x14a: {  	v5 =	vld [tilespmem:s0+$0xFFFFFFD0]  }
0x14b: {  	v6 =	vld [tilespmem:s0+$0xFFFFFFE0]  }
0x14c: {  	v7 =	vld [tilespmem:s0+$0xFFFFFFF0];
	p2 =	sne.s32 s4, $0x1  }
.Ltmp21:
0x14d: {  	v8 =	vld [tilespmem:s0+$0x0];
	(pc) =	sbr.rel @!p2 .LBB2_24-.Ltmp21, $4  }
0x14e: {  	v10 =	vld [tilespmem:s0+$0x10]  }
0x14f: {  	v11 =	vld [tilespmem:s0+$0x20];
	v12 =	vimm.f32 $-Inf;
	v14 =	vimm.f32 $-Inf  }
0x150: {  	v13 =	vld [tilespmem:s0+$0xFFFFFFC0];
	s0 =	sadd.s32 $0x80, s0;
	v15 =	vimm.f32 $-Inf;
	v2 =	vmax.f32 v4, v3;
	v5 =	vmax.f32 v4, v5  }
0x151: {  	s4 =	sadd.s32 $0xFFFFFFFF, s4;
	p1 =	por $0x1, $0x1;
	v3 =	vld [tilespmem:s0+$0x30];
	v6 =	vmax.f32 v4, v6;
	v9 =	vmax.f32 v4, v7;
	v7 =	vimm.f32 $-Inf  }
.LBB2_25:
0x152: {  	p2 =	sne.s32 s4, $0x1;
	v16 =	vld [tilespmem:s0+$0xFFFFFFD0];
	v7 =	vmax.f32 v7, v8  }
0x153: {  	v12 =	vmax.f32 v12, v10;
	v17 =	vld [tilespmem:s0+$0xFFFFFFE0]  }
0x154: {  	v14 =	vmax.f32 v14, v11;
	v18 =	vld [tilespmem:s0+$0xFFFFFFF0]  }
.Ltmp22:
0x155: {  	v15 =	vmax.f32 v15, v13;
	v8 =	vld [tilespmem:s0+$0x0];
	(pc) =	sbr.rel @p2 .LBB2_25-.Ltmp22, $4  }
0x156: {  	v2 =	vmax.f32 v2, v3;
	v10 =	vld [tilespmem:s0+$0x10]  }
0x157: {  	v5 =	vmax.f32 v5, v16;
	v11 =	vld [tilespmem:s0+$0x20]  }
0x158: {  	v13 =	vld [tilespmem:s0+$0xFFFFFFC0];
	v6 =	vmax.f32 v6, v17;
	s0 =	sadd.s32 $0x80, s0  }
0x159: {  	s4 =	sadd.s32 $0xFFFFFFFF, s4;
	v3 =	vld [tilespmem:s0+$0x30];
	v9 =	vmax.f32 v9, v18  }
.Ltmp23:
0x15a: {  	_ = 	snop;
	(pc) =	sbr.rel .LBB2_26-.Ltmp23, $1  }
0x15b: {  	_ =	sdelay $0x3  }
.LBB2_24:
.Ltmp24:
0x15c: {  	(pc) =	sbr.rel .LBB2_26-.Ltmp24, $3  }
0x15d: {  	_ =	sdelay $0x1  }
0x15e: {  	v7 =	vimm.f32 $-Inf  }
0x15f: {  	v12 =	vimm.f32 $-Inf;
	v14 =	vimm.f32 $-Inf;
	v15 =	vimm.f32 $-Inf  }
.LBB2_30:
0x160: {  	_ =	sfence.sel $0x180000  }
0x161: {  	[bflag:$0x0] =	sbarrier.arrive $0xFFFF  }
0x162: {  	_ =	strace $0x90000047  }
0x163: {  	s0 =	stileid.u32;
	[bflag:$0x2] =	sbarrier.arrive $0xFFFF  }
0x164: {  	p0 =	sne.s32 s0, $0x0;
	s0 =	rddreg [dreg:$0x4]  }
0x165: {  	s0 =	sadd.s32 @!p0 $0x100000, s0  }
0x166: {  	[sflag:s0] =	ssyncadd.tile.s32 @!p0 $0x1;
	_ =	shalt  }
.Lfunc_end2:
_tile_overlayer_lowered:
.L_overlay_start_2:
0x167: {  	(tag) =	ssettag $0x2  }
0x168: {  	s0 =	rddreg [dreg:$0x0];
	s2 =	stileid.u32  }
0x169: {  	s1 =	rddreg [dreg:$0x1];
	p0 =	sne.s32 s2, $0x0  }
0x16a: {  	s3 =	rddreg [dreg:$0x2];
	[bflag:$0x3] =	sbarrier.arrive $0xFFFF;
	s2 =	simm.s32 @!p0 $0x1C05  }
0x16b: {  	[timem:s3], [sflag:s2] =	dma.local @!p0 [hbm:s0], s1  }
0x16c: {  	s0 =	simm.s32 @!p0 $0x5  }
0x16d: {  	_ =	swait.ge @!p0 [sflag:s0], s1  }
0x16e: {  	s1 =	ssub.s32 @!p0 $0x0, s1;
	[sflag:s0] =	ssyncset.done @!p0 $0x0  }
0x16f: {  	[sflag:s0] =	ssyncadd.s32 @!p0 s1  }
0x170: {  	[bflag:$0x3] =	sbarrier.arrive $0xFFFF  }
0x171: {  	_ =	shalt  }

</sc_bundles>
